<compile_context>
chip_gen: v7x
topology: tpu7x:2x2x1
jax: 0.10.2.dev20260603
libtpu: 0.0.44.dev20260713+nightly
codegen_flags: <defaults>
</compile_context>

<pallas_src>
import functools

import jax
import jax.numpy as jnp
from jax import lax
from jax.experimental import pallas as pl
from jax.experimental.pallas import tpu as pltpu
from jax.experimental.pallas import tpu_sc as plsc

N = 10000
E = 320000
D = 128
G = 128

NW = 32
CH = 128
CPW = 80
EP = NW * CPW * CH
NTR = N + 128
RPT = 624
TAIL = N - 16 * RPT
HB = CPW // 2


def _sc_scatter(h, src1, dst1, zrows):
    mesh = plsc.VectorSubcoreMesh(core_axis_name="c", subcore_axis_name="s")

    @functools.partial(
        pl.kernel,
        mesh=mesh,
        out_type=(
            jax.ShapeDtypeStruct((N, D), jnp.float32),
            jax.ShapeDtypeStruct((N, D), jnp.float32),
        ),
        scratch_types=(
            [pltpu.VMEM((CH,), jnp.int32)] * 8
            + [pltpu.VMEM((CH, D), jnp.float32)] * 2
            + [pltpu.VMEM_SHARED((NTR, D), jnp.float32)]
            + [pltpu.SemaphoreType.DMA] * 6
        ),
    )
    def k(h_hbm, src_hbm, dst_hbm, z_hbm, out0, out1,
          si0, si1, si2, si3, di0, di1, di2, di3, buf0, buf1, agg_sh,
          is0, is1, is2, is3, gs0, gs1):
        c = lax.axis_index("c")
        s = lax.axis_index("s")
        wid = s * 2 + c
        sis = [si0, si1, si2, si3]
        dis = [di0, di1, di2, di3]
        bufs = [buf0, buf1]
        iss = [is0, is1, is2, is3]
        gss = [gs0, gs1]

        ebase = wid * (CPW * CH)

        def idx_start(m, t):
            pltpu.async_copy(src_hbm.at[pl.ds(ebase + m * CH, CH)],
                             sis[t], iss[t])
            pltpu.async_copy(dst_hbm.at[pl.ds(ebase + m * CH, CH)],
                             dis[t], iss[t])

        def idx_wait(m, t):
            pltpu.make_async_copy(src_hbm.at[pl.ds(ebase + m * CH, CH)],
                                  sis[t], iss[t]).wait()
            pltpu.make_async_copy(dst_hbm.at[pl.ds(ebase + m * CH, CH)],
                                  dis[t], iss[t]).wait()

        def gat_start(t, b):
            pltpu.async_copy(h_hbm.at[sis[t]], bufs[b], gss[b])

        def gat_wait(t, b):
            pltpu.make_async_copy(h_hbm.at[sis[t]], bufs[b], gss[b]).wait()

        for t in range(4):
            idx_start(t, t)

        stripe = s * RPT
        pltpu.sync_copy(z_hbm, agg_sh.at[pl.ds(stripe, RPT)])

        @pl.when(s == 15)
        def _():
            pltpu.sync_copy(z_hbm.at[pl.ds(0, TAIL)],
                            agg_sh.at[pl.ds(16 * RPT, TAIL)])

        idx_wait(0, 0)
        gat_start(0, 0)
        plsc.subcore_barrier()

        def body(j, carry):
            for kk in range(4):
                m = 4 * j + kk
                t = kk
                b = kk % 2
                tn = (kk + 1) % 4
                bn = (kk + 1) % 2

                @pl.when(m < CPW - 1)
                def _():
                    idx_wait(m + 1, tn)
                    gat_start(tn, bn)

                gat_wait(t, b)
                pltpu.sync_copy(bufs[b], agg_sh.at[dis[t]], add=True)

                @pl.when(m < CPW - 4)
                def _():
                    idx_start(m + 4, t)
            return carry

        lax.fori_loop(0, CPW // 4, body, 0)
        plsc.subcore_barrier()

        @pl.when(c == 0)
        def _():
            pltpu.sync_copy(agg_sh.at[pl.ds(stripe, RPT)],
                            out0.at[pl.ds(stripe, RPT)])

            @pl.when(s == 15)
            def _():
                pltpu.sync_copy(agg_sh.at[pl.ds(16 * RPT, TAIL)],
                                out0.at[pl.ds(16 * RPT, TAIL)])

        @pl.when(c == 1)
        def _():
            pltpu.sync_copy(agg_sh.at[pl.ds(stripe, RPT)],
                            out1.at[pl.ds(stripe, RPT)])

            @pl.when(s == 15)
            def _():
                pltpu.sync_copy(agg_sh.at[pl.ds(16 * RPT, TAIL)],
                                out1.at[pl.ds(16 * RPT, TAIL)])

    return k(h, src1, dst1, zrows)


R = 1000
GRID = N // R


def _mlp_stats_body(x_r, a0_r, a1_r, w1_r, b1_r, w2_r, b2_r,
                    t_r, sum_r, sq_r, accs, accq):
    i = pl.program_id(0)
    m = x_r[...] + a0_r[...] + a1_r[...]
    hmid = jnp.maximum(
        jnp.dot(m, w1_r[...], preferred_element_type=jnp.float32) + b1_r[...],
        0.0)
    t = jnp.dot(hmid, w2_r[...], preferred_element_type=jnp.float32) + b2_r[...]
    t_r[...] = t
    t3 = t.reshape(R // 8, 8, D)
    ps = jnp.sum(t3, axis=0)
    pq = jnp.sum(t3 * t3, axis=0)

    @pl.when(i == 0)
    def _():
        accs[...] = ps
        accq[...] = pq

    @pl.when(i > 0)
    def _():
        accs[...] += ps
        accq[...] += pq

    @pl.when(i == GRID - 1)
    def _():
        sum_r[...] = accs[...]
        sq_r[...] = accq[...]


def _mlp_stats(x, a0, a1, w1, b1, w2, b2):
    blk = pl.BlockSpec((R, D), lambda i: (i, 0))
    full = pl.BlockSpec((D, D), lambda i: (0, 0))
    vec = pl.BlockSpec((D,), lambda i: (0,))
    return pl.pallas_call(
        _mlp_stats_body,
        grid=(GRID,),
        in_specs=[blk, blk, blk, full, vec, full, vec],
        out_specs=[blk,
                   pl.BlockSpec((8, D), lambda i: (0, 0)),
                   pl.BlockSpec((8, D), lambda i: (0, 0))],
        out_shape=[jax.ShapeDtypeStruct((N, D), jnp.float32),
                   jax.ShapeDtypeStruct((8, D), jnp.float32),
                   jax.ShapeDtypeStruct((8, D), jnp.float32)],
        scratch_shapes=[pltpu.VMEM((8, D), jnp.float32),
                        pltpu.VMEM((8, D), jnp.float32)],
    )(x, a0, a1, w1, b1, w2, b2)


def _bn_relu_body(t_r, sum_r, sq_r, g_r, be_r, h_r):
    mean = jnp.sum(sum_r[...], axis=0) / N
    ex2 = jnp.sum(sq_r[...], axis=0) / N
    var = ex2 - mean * mean
    scale = lax.rsqrt(var + 1e-5) * g_r[...]
    h_r[...] = jnp.maximum((t_r[...] - mean) * scale + be_r[...], 0.0)


def _bn_relu(t, s8, q8, g, be):
    blk = pl.BlockSpec((R, D), lambda i: (i, 0))
    stat = pl.BlockSpec((8, D), lambda i: (0, 0))
    vec = pl.BlockSpec((D,), lambda i: (0,))
    return pl.pallas_call(
        _bn_relu_body,
        grid=(GRID,),
        in_specs=[blk, stat, stat, vec, vec],
        out_specs=blk,
        out_shape=jax.ShapeDtypeStruct((N, D), jnp.float32),
    )(t, s8, q8, g, be)


def _pool_body(t_r, sum_r, sq_r, g_r, be_r, b_r, wc_r, bc_r, out_r,
               accp, accc):
    i = pl.program_id(0)
    mean = jnp.sum(sum_r[...], axis=0) / N
    ex2 = jnp.sum(sq_r[...], axis=0) / N
    var = ex2 - mean * mean
    scale = lax.rsqrt(var + 1e-5) * g_r[...]
    hb = jnp.maximum((t_r[...] - mean) * scale + be_r[...], 0.0)
    bvec = b_r[0, 0, :]
    gids = lax.broadcasted_iota(jnp.int32, (G, R), 0)
    mask = (gids == bvec[None, :]).astype(jnp.float32)
    ps = jnp.dot(mask, hb, preferred_element_type=jnp.float32)
    pc = jnp.dot(mask, jnp.ones((R, D), jnp.float32),
                 preferred_element_type=jnp.float32)

    @pl.when(i == 0)
    def _():
        accp[...] = ps
        accc[...] = pc

    @pl.when(i > 0)
    def _():
        accp[...] += ps
        accc[...] += pc

    @pl.when(i == GRID - 1)
    def _():
        pooled = accp[...] / jnp.maximum(accc[...], 1.0)
        out_r[...] = (jnp.dot(pooled, wc_r[...],
                              preferred_element_type=jnp.float32) + bc_r[...])


def _pool(t, s8, q8, g, be, batch3, wc, bc):
    blk = pl.BlockSpec((R, D), lambda i: (i, 0))
    stat = pl.BlockSpec((8, D), lambda i: (0, 0))
    full = pl.BlockSpec((D, D), lambda i: (0, 0))
    vec = pl.BlockSpec((D,), lambda i: (0,))
    return pl.pallas_call(
        _pool_body,
        grid=(GRID,),
        in_specs=[blk, stat, stat, vec, vec,
                  pl.BlockSpec((1, 1, R), lambda i: (i, 0, 0)),
                  full, vec],
        out_specs=pl.BlockSpec((G, D), lambda i: (0, 0)),
        out_shape=jax.ShapeDtypeStruct((G, D), jnp.float32),
        scratch_shapes=[pltpu.VMEM((G, D), jnp.float32),
                        pltpu.VMEM((G, D), jnp.float32)],
    )(t, s8, q8, g, be, batch3, wc, bc)


def kernel(x, edge_index, batch,
           W1_0, b1_0, W2_0, b2_0, g_0, be_0,
           W1_1, b1_1, W2_1, b2_1, g_1, be_1,
           W1_2, b1_2, W2_2, b2_2, g_2, be_2,
           Wc, bc):
    params = [
        (W1_0, b1_0, W2_0, b2_0, g_0, be_0),
        (W1_1, b1_1, W2_1, b2_1, g_1, be_1),
        (W1_2, b1_2, W2_2, b2_2, g_2, be_2),
    ]
    pad = jnp.arange(EP - E, dtype=jnp.int32)
    src1 = jnp.concatenate([edge_index[0], pad % N])
    dst1 = jnp.concatenate([edge_index[1], N + pad % 128])
    zrows = jnp.zeros((RPT, D), jnp.float32)
    h = x
    for li, (w1, b1, w2, b2, g, be) in enumerate(params):
        a0, a1 = _sc_scatter(h, src1, dst1, zrows)
        t, s8, q8 = _mlp_stats(h, a0, a1, w1, b1, w2, b2)
        if li < 2:
            h = _bn_relu(t, s8, q8, g, be)
    batch3 = batch.reshape(GRID, 1, R)
    return _pool(t, s8, q8, g_2, be_2, batch3, Wc, bc)

# --- scband reference (transcript-rebuilt; emitter-appended) ---
"""Pipeline reference for scband-gnn-70214125355382 (READ-ONLY COPY).

The authoritative reference and input builder live on the scoring server;
editing this copy changes nothing except your own understanding.
"""

import jax, jax.numpy as jnp
import numpy as np

N = 10000
E = 320000
D = 128
G = 128
L = 3


def setup_inputs(seed: int = 0) -> dict:
    key = jax.random.key(seed)
    ks = jax.random.split(key, 32)
    inp = {}
    inp["x"] = jax.random.normal(ks[0], (N, D), dtype=jnp.float32)
    inp["edge_index"] = jax.random.randint(ks[1], (2, E), 0, N, dtype=jnp.int32)
    inp["batch"] = jnp.sort(jax.random.randint(ks[2], (N,), 0, G, dtype=jnp.int32))
    ki = 3
    for l in range(L):
        inp[f"W1_{l}"] = jax.random.normal(ks[ki], (D, D), dtype=jnp.float32) * 0.05; ki += 1
        inp[f"b1_{l}"] = jnp.zeros((D,), dtype=jnp.float32)
        inp[f"W2_{l}"] = jax.random.normal(ks[ki], (D, D), dtype=jnp.float32) * 0.05; ki += 1
        inp[f"b2_{l}"] = jnp.zeros((D,), dtype=jnp.float32)
        inp[f"g_{l}"] = jnp.ones((D,), dtype=jnp.float32)
        inp[f"be_{l}"] = jnp.zeros((D,), dtype=jnp.float32)
    inp["Wc"] = jax.random.normal(ks[ki], (D, D), dtype=jnp.float32) * 0.05; ki += 1
    inp["bc"] = jnp.zeros((D,), dtype=jnp.float32)
    return inp


def reference(x, edge_index, batch,
              W1_0, b1_0, W2_0, b2_0, g_0, be_0,
              W1_1, b1_1, W2_1, b2_1, g_1, be_1,
              W1_2, b1_2, W2_2, b2_2, g_2, be_2,
              Wc, bc):
    params = [
        (W1_0, b1_0, W2_0, b2_0, g_0, be_0),
        (W1_1, b1_1, W2_1, b2_1, g_1, be_1),
        (W1_2, b1_2, W2_2, b2_2, g_2, be_2),
    ]
    src = edge_index[0]
    dst = edge_index[1]
    h = x
    for (W1, b1, W2, b2, g, be) in params:
        # GIN aggregation: sum of neighbor features (eps=0): (1+eps)*x + sum_{j in N(i)} x_j
        msgs = jnp.take(h, src, axis=0)
        agg = jnp.zeros_like(h).at[dst].add(msgs)
        m = h + agg
        # GIN MLP: Linear -> ReLU -> Linear
        m = jax.nn.relu(m @ W1 + b1) @ W2 + b2
        # BatchNorm1d (training-mode batch statistics)
        mean = jnp.mean(m, axis=0)
        var = jnp.var(m, axis=0)
        m = (m - mean) / jnp.sqrt(var + 1e-5) * g + be
        # ReLU (dropout is identity in deterministic reference)
        h = jax.nn.relu(m)
    # global_mean_pool over graph ids
    sums = jax.ops.segment_sum(h, batch, num_segments=G)
    cnts = jax.ops.segment_sum(jnp.ones((h.shape[0],), h.dtype), batch, num_segments=G)
    pooled = sums / jnp.maximum(cnts, 1.0)[:, None]
    return pooled @ Wc + bc

if __name__ == "__main__":
    import jax
    _d = setup_inputs()
    print(jax.jit(kernel)(*tuple(_d.values())))

</pallas_src>

<mosaic_0001>
#map = affine_map<(d0, d1) -> (0, 0)>
#map1 = affine_map<(d0, d1) -> (0)>
module attributes {stable_mosaic.version = 14 : i64} {
  func.func @k(%arg0: i32, %arg1: i32, %arg2: memref<10000x128xf32, #tpu.memory_space<hbm>>, %arg3: memref<327680xi32, #tpu.memory_space<hbm>>, %arg4: memref<327680xi32, #tpu.memory_space<hbm>>, %arg5: memref<624x128xf32, #tpu.memory_space<hbm>>, %arg6: memref<10000x128xf32, #tpu.memory_space<hbm>>, %arg7: memref<10000x128xf32, #tpu.memory_space<hbm>>, %arg8: memref<128xi32, #tpu.memory_space<vmem>>, %arg9: memref<128xi32, #tpu.memory_space<vmem>>, %arg10: memref<128xi32, #tpu.memory_space<vmem>>, %arg11: memref<128xi32, #tpu.memory_space<vmem>>, %arg12: memref<128xi32, #tpu.memory_space<vmem>>, %arg13: memref<128xi32, #tpu.memory_space<vmem>>, %arg14: memref<128xi32, #tpu.memory_space<vmem>>, %arg15: memref<128xi32, #tpu.memory_space<vmem>>, %arg16: memref<128x128xf32, #tpu.memory_space<vmem>>, %arg17: memref<128x128xf32, #tpu.memory_space<vmem>>, %arg18: memref<10128x128xf32, #tpu.memory_space<vmem_shared>>, %arg19: memref<!tpu.dma_semaphore, #tpu.memory_space<semaphore_mem>>, %arg20: memref<!tpu.dma_semaphore, #tpu.memory_space<semaphore_mem>>, %arg21: memref<!tpu.dma_semaphore, #tpu.memory_space<semaphore_mem>>, %arg22: memref<!tpu.dma_semaphore, #tpu.memory_space<semaphore_mem>>, %arg23: memref<!tpu.dma_semaphore, #tpu.memory_space<semaphore_mem>>, %arg24: memref<!tpu.dma_semaphore, #tpu.memory_space<semaphore_mem>>) attributes {dimension_semantics = [#tpu.dimension_semantics<core_parallel>, #tpu.dimension_semantics<subcore_parallel>], iteration_bounds = array<i64: 2, 16>, scalar_prefetch = 0 : i64, scratch_operands = 17 : i64, tpu.core_type = #tpu.core_type<sc_vector_subcore>, window_params = [{transform_indices = #map}, {transform_indices = #map1}, {transform_indices = #map1}, {transform_indices = #map}, {transform_indices = #map}, {transform_indices = #map}]} {
    %mul3A = arith.constant 2 : i32
    %mul3A_0 = arith.muli %arg1, %mul3A : i32
    %add3A = arith.addi %mul3A_0, %arg0 : i32
    %mul3A_1 = arith.constant 10240 : i32
    %mul3A_2 = arith.muli %add3A, %mul3A_1 : i32
    %add3A_3 = arith.constant 0 : i32
    %add3A_4 = arith.addi %mul3A_2, %add3A_3 : i32
    %dma_start3A = tpu.memref_slice %arg3[%add3A_4] : memref<327680xi32, #tpu.memory_space<hbm>> -> memref<128xi32, #tpu.memory_space<hbm>>
    %dma_start3A_5 = tpu.memref_slice %arg3[%add3A_4] : memref<327680xi32, #tpu.memory_space<hbm>> -> memref<128xi32, #tpu.memory_space<hbm>>
    tpu.enqueue_dma source(%dma_start3A_5 : memref<128xi32, #tpu.memory_space<hbm>>) target(%arg8 : memref<128xi32, #tpu.memory_space<vmem>>) target_semaphore(%arg19 : memref<!tpu.dma_semaphore, #tpu.memory_space<semaphore_mem>>)
    %add3A_6 = arith.constant 0 : i32
    %add3A_7 = arith.addi %mul3A_2, %add3A_6 : i32
    %dma_start3A_8 = tpu.memref_slice %arg4[%add3A_7] : memref<327680xi32, #tpu.memory_space<hbm>> -> memref<128xi32, #tpu.memory_space<hbm>>
    %dma_start3A_9 = tpu.memref_slice %arg4[%add3A_7] : memref<327680xi32, #tpu.memory_space<hbm>> -> memref<128xi32, #tpu.memory_space<hbm>>
    tpu.enqueue_dma source(%dma_start3A_9 : memref<128xi32, #tpu.memory_space<hbm>>) target(%arg12 : memref<128xi32, #tpu.memory_space<vmem>>) target_semaphore(%arg19 : memref<!tpu.dma_semaphore, #tpu.memory_space<semaphore_mem>>)
    %add3A_10 = arith.constant 128 : i32
    %add3A_11 = arith.addi %mul3A_2, %add3A_10 : i32
    %dma_start3A_12 = tpu.memref_slice %arg3[%add3A_11] : memref<327680xi32, #tpu.memory_space<hbm>> -> memref<128xi32, #tpu.memory_space<hbm>>
    %dma_start3A_13 = tpu.memref_slice %arg3[%add3A_11] : memref<327680xi32, #tpu.memory_space<hbm>> -> memref<128xi32, #tpu.memory_space<hbm>>
    tpu.enqueue_dma source(%dma_start3A_13 : memref<128xi32, #tpu.memory_space<hbm>>) target(%arg9 : memref<128xi32, #tpu.memory_space<vmem>>) target_semaphore(%arg20 : memref<!tpu.dma_semaphore, #tpu.memory_space<semaphore_mem>>)
    %add3A_14 = arith.constant 128 : i32
    %add3A_15 = arith.addi %mul3A_2, %add3A_14 : i32
    %dma_start3A_16 = tpu.memref_slice %arg4[%add3A_15] : memref<327680xi32, #tpu.memory_space<hbm>> -> memref<128xi32, #tpu.memory_space<hbm>>
    %dma_start3A_17 = tpu.memref_slice %arg4[%add3A_15] : memref<327680xi32, #tpu.memory_space<hbm>> -> memref<128xi32, #tpu.memory_space<hbm>>
    tpu.enqueue_dma source(%dma_start3A_17 : memref<128xi32, #tpu.memory_space<hbm>>) target(%arg13 : memref<128xi32, #tpu.memory_space<vmem>>) target_semaphore(%arg20 : memref<!tpu.dma_semaphore, #tpu.memory_space<semaphore_mem>>)
    %add3A_18 = arith.constant 256 : i32
    %add3A_19 = arith.addi %mul3A_2, %add3A_18 : i32
    %dma_start3A_20 = tpu.memref_slice %arg3[%add3A_19] : memref<327680xi32, #tpu.memory_space<hbm>> -> memref<128xi32, #tpu.memory_space<hbm>>
    %dma_start3A_21 = tpu.memref_slice %arg3[%add3A_19] : memref<327680xi32, #tpu.memory_space<hbm>> -> memref<128xi32, #tpu.memory_space<hbm>>
    tpu.enqueue_dma source(%dma_start3A_21 : memref<128xi32, #tpu.memory_space<hbm>>) target(%arg10 : memref<128xi32, #tpu.memory_space<vmem>>) target_semaphore(%arg21 : memref<!tpu.dma_semaphore, #tpu.memory_space<semaphore_mem>>)
    %add3A_22 = arith.constant 256 : i32
    %add3A_23 = arith.addi %mul3A_2, %add3A_22 : i32
    %dma_start3A_24 = tpu.memref_slice %arg4[%add3A_23] : memref<327680xi32, #tpu.memory_space<hbm>> -> memref<128xi32, #tpu.memory_space<hbm>>
    %dma_start3A_25 = tpu.memref_slice %arg4[%add3A_23] : memref<327680xi32, #tpu.memory_space<hbm>> -> memref<128xi32, #tpu.memory_space<hbm>>
    tpu.enqueue_dma source(%dma_start3A_25 : memref<128xi32, #tpu.memory_space<hbm>>) target(%arg14 : memref<128xi32, #tpu.memory_space<vmem>>) target_semaphore(%arg21 : memref<!tpu.dma_semaphore, #tpu.memory_space<semaphore_mem>>)
    %add3A_26 = arith.constant 384 : i32
    %add3A_27 = arith.addi %mul3A_2, %add3A_26 : i32
    %dma_start3A_28 = tpu.memref_slice %arg3[%add3A_27] : memref<327680xi32, #tpu.memory_space<hbm>> -> memref<128xi32, #tpu.memory_space<hbm>>
    %dma_start3A_29 = tpu.memref_slice %arg3[%add3A_27] : memref<327680xi32, #tpu.memory_space<hbm>> -> memref<128xi32, #tpu.memory_space<hbm>>
    tpu.enqueue_dma source(%dma_start3A_29 : memref<128xi32, #tpu.memory_space<hbm>>) target(%arg11 : memref<128xi32, #tpu.memory_space<vmem>>) target_semaphore(%arg22 : memref<!tpu.dma_semaphore, #tpu.memory_space<semaphore_mem>>)
    %add3A_30 = arith.constant 384 : i32
    %add3A_31 = arith.addi %mul3A_2, %add3A_30 : i32
    %dma_start3A_32 = tpu.memref_slice %arg4[%add3A_31] : memref<327680xi32, #tpu.memory_space<hbm>> -> memref<128xi32, #tpu.memory_space<hbm>>
    %dma_start3A_33 = tpu.memref_slice %arg4[%add3A_31] : memref<327680xi32, #tpu.memory_space<hbm>> -> memref<128xi32, #tpu.memory_space<hbm>>
    tpu.enqueue_dma source(%dma_start3A_33 : memref<128xi32, #tpu.memory_space<hbm>>) target(%arg15 : memref<128xi32, #tpu.memory_space<vmem>>) target_semaphore(%arg22 : memref<!tpu.dma_semaphore, #tpu.memory_space<semaphore_mem>>)
    %mul3A_34 = arith.constant 624 : i32
    %mul3A_35 = arith.muli %arg1, %mul3A_34 : i32
    "tpu.region"() ({
      %run_scoped3A = tpu.sem_alloc : memref<!tpu.dma_semaphore, #tpu.memory_space<semaphore_mem>>
      %dma_start3A_64 = arith.constant 0 : i32
      %dma_start3A_65 = tpu.memref_slice %arg18[%mul3A_35, %dma_start3A_64] : memref<10128x128xf32, #tpu.memory_space<vmem_shared>> -> memref<624x128xf32, #tpu.memory_space<vmem_shared>>
      tpu.enqueue_dma source(%arg5 : memref<624x128xf32, #tpu.memory_space<hbm>>) target(%dma_start3A_65 : memref<624x128xf32, #tpu.memory_space<vmem_shared>>) target_semaphore(%run_scoped3A : memref<!tpu.dma_semaphore, #tpu.memory_space<semaphore_mem>>)
      %dma_wait3A_66 = arith.constant 0 : i32
      %dma_wait3A_67 = tpu.memref_slice %arg18[%mul3A_35, %dma_wait3A_66] : memref<10128x128xf32, #tpu.memory_space<vmem_shared>> -> memref<624x128xf32, #tpu.memory_space<vmem_shared>>
      tpu.wait_dma2 semaphore(%run_scoped3A : memref<!tpu.dma_semaphore, #tpu.memory_space<semaphore_mem>>) src(%arg5 : memref<624x128xf32, #tpu.memory_space<hbm>>) dst(%dma_wait3A_67 : memref<624x128xf32, #tpu.memory_space<vmem_shared>>)
      tpu.yield
    }) : () -> ()
    %eq3A = arith.constant 15 : i32
    %eq3A_36 = arith.cmpi eq, %arg1, %eq3A : i32
    %convert_element_type3A = arith.extui %eq3A_36 : i1 to i32
    %cond3A = arith.constant 0 : i32
    %cond3A_37 = arith.cmpi ne, %convert_element_type3A, %cond3A : i32
    scf.if %cond3A_37 {
      "tpu.region"() ({
        %run_scoped3A = tpu.sem_alloc : memref<!tpu.dma_semaphore, #tpu.memory_space<semaphore_mem>>
        %dma_start3A_64 = arith.constant 9984 : i32
        %dma_start3A_65 = arith.constant 0 : i32
        %dma_start3A_66 = tpu.memref_slice %arg18[%dma_start3A_64, %dma_start3A_65] : memref<10128x128xf32, #tpu.memory_space<vmem_shared>> -> memref<16x128xf32, #tpu.memory_space<vmem_shared>>
        %dma_start3A_67 = arith.constant 0 : i32
        %dma_start3A_68 = arith.constant 0 : i32
        %dma_start3A_69 = tpu.memref_slice %arg5[%dma_start3A_67, %dma_start3A_68] : memref<624x128xf32, #tpu.memory_space<hbm>> -> memref<16x128xf32, #tpu.memory_space<hbm>>
        tpu.enqueue_dma source(%dma_start3A_69 : memref<16x128xf32, #tpu.memory_space<hbm>>) target(%dma_start3A_66 : memref<16x128xf32, #tpu.memory_space<vmem_shared>>) target_semaphore(%run_scoped3A : memref<!tpu.dma_semaphore, #tpu.memory_space<semaphore_mem>>)
        %dma_wait3A_70 = arith.constant 9984 : i32
        %dma_wait3A_71 = arith.constant 0 : i32
        %dma_wait3A_72 = tpu.memref_slice %arg18[%dma_wait3A_70, %dma_wait3A_71] : memref<10128x128xf32, #tpu.memory_space<vmem_shared>> -> memref<16x128xf32, #tpu.memory_space<vmem_shared>>
        %dma_wait3A_73 = arith.constant 0 : i32
        %dma_wait3A_74 = arith.constant 0 : i32
        %dma_wait3A_75 = tpu.memref_slice %arg5[%dma_wait3A_73, %dma_wait3A_74] : memref<624x128xf32, #tpu.memory_space<hbm>> -> memref<16x128xf32, #tpu.memory_space<hbm>>
        tpu.wait_dma2 semaphore(%run_scoped3A : memref<!tpu.dma_semaphore, #tpu.memory_space<semaphore_mem>>) src(%dma_wait3A_75 : memref<16x128xf32, #tpu.memory_space<hbm>>) dst(%dma_wait3A_72 : memref<16x128xf32, #tpu.memory_space<vmem_shared>>)
        tpu.yield
      }) : () -> ()
    } else {
    }
    %add3A_38 = arith.constant 0 : i32
    %add3A_39 = arith.addi %mul3A_2, %add3A_38 : i32
    %dma_wait3A = tpu.memref_slice %arg3[%add3A_39] : memref<327680xi32, #tpu.memory_space<hbm>> -> memref<128xi32, #tpu.memory_space<hbm>>
    %dma_wait3A_40 = tpu.memref_slice %arg3[%add3A_39] : memref<327680xi32, #tpu.memory_space<hbm>> -> memref<128xi32, #tpu.memory_space<hbm>>
    tpu.wait_dma2 semaphore(%arg19 : memref<!tpu.dma_semaphore, #tpu.memory_space<semaphore_mem>>) src(%dma_wait3A_40 : memref<128xi32, #tpu.memory_space<hbm>>) dst(%arg8 : memref<128xi32, #tpu.memory_space<vmem>>)
    %add3A_41 = arith.constant 0 : i32
    %add3A_42 = arith.addi %mul3A_2, %add3A_41 : i32
    %dma_wait3A_43 = tpu.memref_slice %arg4[%add3A_42] : memref<327680xi32, #tpu.memory_space<hbm>> -> memref<128xi32, #tpu.memory_space<hbm>>
    %dma_wait3A_44 = tpu.memref_slice %arg4[%add3A_42] : memref<327680xi32, #tpu.memory_space<hbm>> -> memref<128xi32, #tpu.memory_space<hbm>>
    tpu.wait_dma2 semaphore(%arg19 : memref<!tpu.dma_semaphore, #tpu.memory_space<semaphore_mem>>) src(%dma_wait3A_44 : memref<128xi32, #tpu.memory_space<hbm>>) dst(%arg12 : memref<128xi32, #tpu.memory_space<vmem>>)
    %dma_start3A_45 = arith.constant 0 : i32
    %dma_start3A_46 = arith.constant 0 : i32
    %dma_start3A_47 = tpu.memref_slice %arg2[%dma_start3A_45, %dma_start3A_46] : memref<10000x128xf32, #tpu.memory_space<hbm>> -> memref<10000x128xf32, #tpu.memory_space<hbm>>
    tpu.enqueue_indirect_dma source(%dma_start3A_47 : memref<10000x128xf32, #tpu.memory_space<hbm>>) target(%arg16 : memref<128x128xf32, #tpu.memory_space<vmem>>) offsets(%arg8 : memref<128xi32, #tpu.memory_space<vmem>>) semaphore(%arg23 : memref<!tpu.dma_semaphore, #tpu.memory_space<semaphore_mem>>)
    %barrier3A = arith.constant 0 : index
    tpu.barrier barrier_id(%barrier3A)
    %scan3A = arith.constant 0 : i32
    %scan3A_48 = arith.constant 0 : i32
    %scan3A_49 = arith.constant 20 : i32
    %scan3A_50 = arith.addi %scan3A_48, %scan3A_49 : i32
    %scan3A_51 = arith.constant 1 : i32
    scf.for %scan3A_64 = %scan3A_48 to %scan3A_50 step %scan3A_51  : i32 {
      %mul3A_65 = arith.constant 4 : i32
      %mul3A_66 = arith.muli %mul3A_65, %scan3A_64 : i32
      %add3A_67 = arith.constant 0 : i32
      %add3A_68 = arith.addi %mul3A_66, %add3A_67 : i32
      %lt3A = arith.constant 79 : i32
      %lt3A_69 = arith.cmpi slt, %add3A_68, %lt3A : i32
      %convert_element_type3A_70 = arith.extui %lt3A_69 : i1 to i32
      %cond3A_71 = arith.constant 0 : i32
      %cond3A_72 = arith.cmpi ne, %convert_element_type3A_70, %cond3A_71 : i32
      scf.if %cond3A_72 {
        %add3A_132 = arith.constant 1 : i32
        %add3A_133 = arith.addi %add3A_68, %add3A_132 : i32
        %mul3A_134 = arith.constant 128 : i32
        %mul3A_135 = arith.muli %add3A_133, %mul3A_134 : i32
        %add3A_136 = arith.addi %mul3A_2, %mul3A_135 : i32
        %dma_wait3A_137 = tpu.memref_slice %arg3[%add3A_136] : memref<327680xi32, #tpu.memory_space<hbm>> -> memref<128xi32, #tpu.memory_space<hbm>>
        %dma_wait3A_138 = tpu.memref_slice %arg3[%add3A_136] : memref<327680xi32, #tpu.memory_space<hbm>> -> memref<128xi32, #tpu.memory_space<hbm>>
        tpu.wait_dma2 semaphore(%arg20 : memref<!tpu.dma_semaphore, #tpu.memory_space<semaphore_mem>>) src(%dma_wait3A_138 : memref<128xi32, #tpu.memory_space<hbm>>) dst(%arg9 : memref<128xi32, #tpu.memory_space<vmem>>)
        %mul3A_139 = arith.constant 128 : i32
        %mul3A_140 = arith.muli %add3A_133, %mul3A_139 : i32
        %add3A_141 = arith.addi %mul3A_2, %mul3A_140 : i32
        %dma_wait3A_142 = tpu.memref_slice %arg4[%add3A_141] : memref<327680xi32, #tpu.memory_space<hbm>> -> memref<128xi32, #tpu.memory_space<hbm>>
        %dma_wait3A_143 = tpu.memref_slice %arg4[%add3A_141] : memref<327680xi32, #tpu.memory_space<hbm>> -> memref<128xi32, #tpu.memory_space<hbm>>
        tpu.wait_dma2 semaphore(%arg20 : memref<!tpu.dma_semaphore, #tpu.memory_space<semaphore_mem>>) src(%dma_wait3A_143 : memref<128xi32, #tpu.memory_space<hbm>>) dst(%arg13 : memref<128xi32, #tpu.memory_space<vmem>>)
        %dma_start3A_144 = arith.constant 0 : i32
        %dma_start3A_145 = arith.constant 0 : i32
        %dma_start3A_146 = tpu.memref_slice %arg2[%dma_start3A_144, %dma_start3A_145] : memref<10000x128xf32, #tpu.memory_space<hbm>> -> memref<10000x128xf32, #tpu.memory_space<hbm>>
        tpu.enqueue_indirect_dma source(%dma_start3A_146 : memref<10000x128xf32, #tpu.memory_space<hbm>>) target(%arg17 : memref<128x128xf32, #tpu.memory_space<vmem>>) offsets(%arg9 : memref<128xi32, #tpu.memory_space<vmem>>) semaphore(%arg24 : memref<!tpu.dma_semaphore, #tpu.memory_space<semaphore_mem>>)
      } else {
      }
      %dma_wait3A_73 = arith.constant 0 : i32
      %dma_wait3A_74 = arith.constant 0 : i32
      %dma_wait3A_75 = tpu.memref_slice %arg2[%dma_wait3A_73, %dma_wait3A_74] : memref<10000x128xf32, #tpu.memory_space<hbm>> -> memref<10000x128xf32, #tpu.memory_space<hbm>>
      tpu.wait_indirect_dma semaphore(%arg23 : memref<!tpu.dma_semaphore, #tpu.memory_space<semaphore_mem>>) src(%dma_wait3A_75 : memref<10000x128xf32, #tpu.memory_space<hbm>>) dst(%arg16 : memref<128x128xf32, #tpu.memory_space<vmem>>)
      "tpu.region"() ({
        %run_scoped3A = tpu.sem_alloc : memref<!tpu.dma_semaphore, #tpu.memory_space<semaphore_mem>>
        %dma_start3A_132 = arith.constant 0 : i32
        %dma_start3A_133 = arith.constant 0 : i32
        %dma_start3A_134 = tpu.memref_slice %arg18[%dma_start3A_132, %dma_start3A_133] : memref<10128x128xf32, #tpu.memory_space<vmem_shared>> -> memref<10128x128xf32, #tpu.memory_space<vmem_shared>>
        tpu.enqueue_indirect_dma source(%arg16 : memref<128x128xf32, #tpu.memory_space<vmem>>) target(%dma_start3A_134 : memref<10128x128xf32, #tpu.memory_space<vmem_shared>>) offsets(%arg12 : memref<128xi32, #tpu.memory_space<vmem>>) semaphore(%run_scoped3A : memref<!tpu.dma_semaphore, #tpu.memory_space<semaphore_mem>>) {add = true}
        %dma_wait3A_135 = arith.constant 0 : i32
        %dma_wait3A_136 = arith.constant 0 : i32
        %dma_wait3A_137 = tpu.memref_slice %arg18[%dma_wait3A_135, %dma_wait3A_136] : memref<10128x128xf32, #tpu.memory_space<vmem_shared>> -> memref<10128x128xf32, #tpu.memory_space<vmem_shared>>
        tpu.wait_indirect_dma semaphore(%run_scoped3A : memref<!tpu.dma_semaphore, #tpu.memory_space<semaphore_mem>>) src(%arg16 : memref<128x128xf32, #tpu.memory_space<vmem>>) dst(%dma_wait3A_137 : memref<10128x128xf32, #tpu.memory_space<vmem_shared>>)
        tpu.yield
      }) : () -> ()
      %lt3A_76 = arith.constant 76 : i32
      %lt3A_77 = arith.cmpi slt, %add3A_68, %lt3A_76 : i32
      %convert_element_type3A_78 = arith.extui %lt3A_77 : i1 to i32
      %cond3A_79 = arith.constant 0 : i32
      %cond3A_80 = arith.cmpi ne, %convert_element_type3A_78, %cond3A_79 : i32
      scf.if %cond3A_80 {
        %add3A_132 = arith.constant 4 : i32
        %add3A_133 = arith.addi %add3A_68, %add3A_132 : i32
        %mul3A_134 = arith.constant 128 : i32
        %mul3A_135 = arith.muli %add3A_133, %mul3A_134 : i32
        %add3A_136 = arith.addi %mul3A_2, %mul3A_135 : i32
        %dma_start3A_137 = tpu.memref_slice %arg3[%add3A_136] : memref<327680xi32, #tpu.memory_space<hbm>> -> memref<128xi32, #tpu.memory_space<hbm>>
        %dma_start3A_138 = tpu.memref_slice %arg3[%add3A_136] : memref<327680xi32, #tpu.memory_space<hbm>> -> memref<128xi32, #tpu.memory_space<hbm>>
        tpu.enqueue_dma source(%dma_start3A_138 : memref<128xi32, #tpu.memory_space<hbm>>) target(%arg8 : memref<128xi32, #tpu.memory_space<vmem>>) target_semaphore(%arg19 : memref<!tpu.dma_semaphore, #tpu.memory_space<semaphore_mem>>)
        %mul3A_139 = arith.constant 128 : i32
        %mul3A_140 = arith.muli %add3A_133, %mul3A_139 : i32
        %add3A_141 = arith.addi %mul3A_2, %mul3A_140 : i32
        %dma_start3A_142 = tpu.memref_slice %arg4[%add3A_141] : memref<327680xi32, #tpu.memory_space<hbm>> -> memref<128xi32, #tpu.memory_space<hbm>>
        %dma_start3A_143 = tpu.memref_slice %arg4[%add3A_141] : memref<327680xi32, #tpu.memory_space<hbm>> -> memref<128xi32, #tpu.memory_space<hbm>>
        tpu.enqueue_dma source(%dma_start3A_143 : memref<128xi32, #tpu.memory_space<hbm>>) target(%arg12 : memref<128xi32, #tpu.memory_space<vmem>>) target_semaphore(%arg19 : memref<!tpu.dma_semaphore, #tpu.memory_space<semaphore_mem>>)
      } else {
      }
      %mul3A_81 = arith.constant 4 : i32
      %mul3A_82 = arith.muli %mul3A_81, %scan3A_64 : i32
      %add3A_83 = arith.constant 1 : i32
      %add3A_84 = arith.addi %mul3A_82, %add3A_83 : i32
      %lt3A_85 = arith.constant 79 : i32
      %lt3A_86 = arith.cmpi slt, %add3A_84, %lt3A_85 : i32
      %convert_element_type3A_87 = arith.extui %lt3A_86 : i1 to i32
      %cond3A_88 = arith.constant 0 : i32
      %cond3A_89 = arith.cmpi ne, %convert_element_type3A_87, %cond3A_88 : i32
      scf.if %cond3A_89 {
        %add3A_132 = arith.constant 1 : i32
        %add3A_133 = arith.addi %add3A_84, %add3A_132 : i32
        %mul3A_134 = arith.constant 128 : i32
        %mul3A_135 = arith.muli %add3A_133, %mul3A_134 : i32
        %add3A_136 = arith.addi %mul3A_2, %mul3A_135 : i32
        %dma_wait3A_137 = tpu.memref_slice %arg3[%add3A_136] : memref<327680xi32, #tpu.memory_space<hbm>> -> memref<128xi32, #tpu.memory_space<hbm>>
        %dma_wait3A_138 = tpu.memref_slice %arg3[%add3A_136] : memref<327680xi32, #tpu.memory_space<hbm>> -> memref<128xi32, #tpu.memory_space<hbm>>
        tpu.wait_dma2 semaphore(%arg21 : memref<!tpu.dma_semaphore, #tpu.memory_space<semaphore_mem>>) src(%dma_wait3A_138 : memref<128xi32, #tpu.memory_space<hbm>>) dst(%arg10 : memref<128xi32, #tpu.memory_space<vmem>>)
        %mul3A_139 = arith.constant 128 : i32
        %mul3A_140 = arith.muli %add3A_133, %mul3A_139 : i32
        %add3A_141 = arith.addi %mul3A_2, %mul3A_140 : i32
        %dma_wait3A_142 = tpu.memref_slice %arg4[%add3A_141] : memref<327680xi32, #tpu.memory_space<hbm>> -> memref<128xi32, #tpu.memory_space<hbm>>
        %dma_wait3A_143 = tpu.memref_slice %arg4[%add3A_141] : memref<327680xi32, #tpu.memory_space<hbm>> -> memref<128xi32, #tpu.memory_space<hbm>>
        tpu.wait_dma2 semaphore(%arg21 : memref<!tpu.dma_semaphore, #tpu.memory_space<semaphore_mem>>) src(%dma_wait3A_143 : memref<128xi32, #tpu.memory_space<hbm>>) dst(%arg14 : memref<128xi32, #tpu.memory_space<vmem>>)
        %dma_start3A_144 = arith.constant 0 : i32
        %dma_start3A_145 = arith.constant 0 : i32
        %dma_start3A_146 = tpu.memref_slice %arg2[%dma_start3A_144, %dma_start3A_145] : memref<10000x128xf32, #tpu.memory_space<hbm>> -> memref<10000x128xf32, #tpu.memory_space<hbm>>
        tpu.enqueue_indirect_dma source(%dma_start3A_146 : memref<10000x128xf32, #tpu.memory_space<hbm>>) target(%arg16 : memref<128x128xf32, #tpu.memory_space<vmem>>) offsets(%arg10 : memref<128xi32, #tpu.memory_space<vmem>>) semaphore(%arg23 : memref<!tpu.dma_semaphore, #tpu.memory_space<semaphore_mem>>)
      } else {
      }
      %dma_wait3A_90 = arith.constant 0 : i32
      %dma_wait3A_91 = arith.constant 0 : i32
      %dma_wait3A_92 = tpu.memref_slice %arg2[%dma_wait3A_90, %dma_wait3A_91] : memref<10000x128xf32, #tpu.memory_space<hbm>> -> memref<10000x128xf32, #tpu.memory_space<hbm>>
      tpu.wait_indirect_dma semaphore(%arg24 : memref<!tpu.dma_semaphore, #tpu.memory_space<semaphore_mem>>) src(%dma_wait3A_92 : memref<10000x128xf32, #tpu.memory_space<hbm>>) dst(%arg17 : memref<128x128xf32, #tpu.memory_space<vmem>>)
      "tpu.region"() ({
        %run_scoped3A = tpu.sem_alloc : memref<!tpu.dma_semaphore, #tpu.memory_space<semaphore_mem>>
        %dma_start3A_132 = arith.constant 0 : i32
        %dma_start3A_133 = arith.constant 0 : i32
        %dma_start3A_134 = tpu.memref_slice %arg18[%dma_start3A_132, %dma_start3A_133] : memref<10128x128xf32, #tpu.memory_space<vmem_shared>> -> memref<10128x128xf32, #tpu.memory_space<vmem_shared>>
        tpu.enqueue_indirect_dma source(%arg17 : memref<128x128xf32, #tpu.memory_space<vmem>>) target(%dma_start3A_134 : memref<10128x128xf32, #tpu.memory_space<vmem_shared>>) offsets(%arg13 : memref<128xi32, #tpu.memory_space<vmem>>) semaphore(%run_scoped3A : memref<!tpu.dma_semaphore, #tpu.memory_space<semaphore_mem>>) {add = true}
        %dma_wait3A_135 = arith.constant 0 : i32
        %dma_wait3A_136 = arith.constant 0 : i32
        %dma_wait3A_137 = tpu.memref_slice %arg18[%dma_wait3A_135, %dma_wait3A_136] : memref<10128x128xf32, #tpu.memory_space<vmem_shared>> -> memref<10128x128xf32, #tpu.memory_space<vmem_shared>>
        tpu.wait_indirect_dma semaphore(%run_scoped3A : memref<!tpu.dma_semaphore, #tpu.memory_space<semaphore_mem>>) src(%arg17 : memref<128x128xf32, #tpu.memory_space<vmem>>) dst(%dma_wait3A_137 : memref<10128x128xf32, #tpu.memory_space<vmem_shared>>)
        tpu.yield
      }) : () -> ()
      %lt3A_93 = arith.constant 76 : i32
      %lt3A_94 = arith.cmpi slt, %add3A_84, %lt3A_93 : i32
      %convert_element_type3A_95 = arith.extui %lt3A_94 : i1 to i32
      %cond3A_96 = arith.constant 0 : i32
      %cond3A_97 = arith.cmpi ne, %convert_element_type3A_95, %cond3A_96 : i32
      scf.if %cond3A_97 {
        %add3A_132 = arith.constant 4 : i32
        %add3A_133 = arith.addi %add3A_84, %add3A_132 : i32
        %mul3A_134 = arith.constant 128 : i32
        %mul3A_135 = arith.muli %add3A_133, %mul3A_134 : i32
        %add3A_136 = arith.addi %mul3A_2, %mul3A_135 : i32
        %dma_start3A_137 = tpu.memref_slice %arg3[%add3A_136] : memref<327680xi32, #tpu.memory_space<hbm>> -> memref<128xi32, #tpu.memory_space<hbm>>
        %dma_start3A_138 = tpu.memref_slice %arg3[%add3A_136] : memref<327680xi32, #tpu.memory_space<hbm>> -> memref<128xi32, #tpu.memory_space<hbm>>
        tpu.enqueue_dma source(%dma_start3A_138 : memref<128xi32, #tpu.memory_space<hbm>>) target(%arg9 : memref<128xi32, #tpu.memory_space<vmem>>) target_semaphore(%arg20 : memref<!tpu.dma_semaphore, #tpu.memory_space<semaphore_mem>>)
        %mul3A_139 = arith.constant 128 : i32
        %mul3A_140 = arith.muli %add3A_133, %mul3A_139 : i32
        %add3A_141 = arith.addi %mul3A_2, %mul3A_140 : i32
        %dma_start3A_142 = tpu.memref_slice %arg4[%add3A_141] : memref<327680xi32, #tpu.memory_space<hbm>> -> memref<128xi32, #tpu.memory_space<hbm>>
        %dma_start3A_143 = tpu.memref_slice %arg4[%add3A_141] : memref<327680xi32, #tpu.memory_space<hbm>> -> memref<128xi32, #tpu.memory_space<hbm>>
        tpu.enqueue_dma source(%dma_start3A_143 : memref<128xi32, #tpu.memory_space<hbm>>) target(%arg13 : memref<128xi32, #tpu.memory_space<vmem>>) target_semaphore(%arg20 : memref<!tpu.dma_semaphore, #tpu.memory_space<semaphore_mem>>)
      } else {
      }
      %mul3A_98 = arith.constant 4 : i32
      %mul3A_99 = arith.muli %mul3A_98, %scan3A_64 : i32
      %add3A_100 = arith.constant 2 : i32
      %add3A_101 = arith.addi %mul3A_99, %add3A_100 : i32
      %lt3A_102 = arith.constant 79 : i32
      %lt3A_103 = arith.cmpi slt, %add3A_101, %lt3A_102 : i32
      %convert_element_type3A_104 = arith.extui %lt3A_103 : i1 to i32
      %cond3A_105 = arith.constant 0 : i32
      %cond3A_106 = arith.cmpi ne, %convert_element_type3A_104, %cond3A_105 : i32
      scf.if %cond3A_106 {
        %add3A_132 = arith.constant 1 : i32
        %add3A_133 = arith.addi %add3A_101, %add3A_132 : i32
        %mul3A_134 = arith.constant 128 : i32
        %mul3A_135 = arith.muli %add3A_133, %mul3A_134 : i32
        %add3A_136 = arith.addi %mul3A_2, %mul3A_135 : i32
        %dma_wait3A_137 = tpu.memref_slice %arg3[%add3A_136] : memref<327680xi32, #tpu.memory_space<hbm>> -> memref<128xi32, #tpu.memory_space<hbm>>
        %dma_wait3A_138 = tpu.memref_slice %arg3[%add3A_136] : memref<327680xi32, #tpu.memory_space<hbm>> -> memref<128xi32, #tpu.memory_space<hbm>>
        tpu.wait_dma2 semaphore(%arg22 : memref<!tpu.dma_semaphore, #tpu.memory_space<semaphore_mem>>) src(%dma_wait3A_138 : memref<128xi32, #tpu.memory_space<hbm>>) dst(%arg11 : memref<128xi32, #tpu.memory_space<vmem>>)
        %mul3A_139 = arith.constant 128 : i32
        %mul3A_140 = arith.muli %add3A_133, %mul3A_139 : i32
        %add3A_141 = arith.addi %mul3A_2, %mul3A_140 : i32
        %dma_wait3A_142 = tpu.memref_slice %arg4[%add3A_141] : memref<327680xi32, #tpu.memory_space<hbm>> -> memref<128xi32, #tpu.memory_space<hbm>>
        %dma_wait3A_143 = tpu.memref_slice %arg4[%add3A_141] : memref<327680xi32, #tpu.memory_space<hbm>> -> memref<128xi32, #tpu.memory_space<hbm>>
        tpu.wait_dma2 semaphore(%arg22 : memref<!tpu.dma_semaphore, #tpu.memory_space<semaphore_mem>>) src(%dma_wait3A_143 : memref<128xi32, #tpu.memory_space<hbm>>) dst(%arg15 : memref<128xi32, #tpu.memory_space<vmem>>)
        %dma_start3A_144 = arith.constant 0 : i32
        %dma_start3A_145 = arith.constant 0 : i32
        %dma_start3A_146 = tpu.memref_slice %arg2[%dma_start3A_144, %dma_start3A_145] : memref<10000x128xf32, #tpu.memory_space<hbm>> -> memref<10000x128xf32, #tpu.memory_space<hbm>>
        tpu.enqueue_indirect_dma source(%dma_start3A_146 : memref<10000x128xf32, #tpu.memory_space<hbm>>) target(%arg17 : memref<128x128xf32, #tpu.memory_space<vmem>>) offsets(%arg11 : memref<128xi32, #tpu.memory_space<vmem>>) semaphore(%arg24 : memref<!tpu.dma_semaphore, #tpu.memory_space<semaphore_mem>>)
      } else {
      }
      %dma_wait3A_107 = arith.constant 0 : i32
      %dma_wait3A_108 = arith.constant 0 : i32
      %dma_wait3A_109 = tpu.memref_slice %arg2[%dma_wait3A_107, %dma_wait3A_108] : memref<10000x128xf32, #tpu.memory_space<hbm>> -> memref<10000x128xf32, #tpu.memory_space<hbm>>
      tpu.wait_indirect_dma semaphore(%arg23 : memref<!tpu.dma_semaphore, #tpu.memory_space<semaphore_mem>>) src(%dma_wait3A_109 : memref<10000x128xf32, #tpu.memory_space<hbm>>) dst(%arg16 : memref<128x128xf32, #tpu.memory_space<vmem>>)
      "tpu.region"() ({
        %run_scoped3A = tpu.sem_alloc : memref<!tpu.dma_semaphore, #tpu.memory_space<semaphore_mem>>
        %dma_start3A_132 = arith.constant 0 : i32
        %dma_start3A_133 = arith.constant 0 : i32
        %dma_start3A_134 = tpu.memref_slice %arg18[%dma_start3A_132, %dma_start3A_133] : memref<10128x128xf32, #tpu.memory_space<vmem_shared>> -> memref<10128x128xf32, #tpu.memory_space<vmem_shared>>
        tpu.enqueue_indirect_dma source(%arg16 : memref<128x128xf32, #tpu.memory_space<vmem>>) target(%dma_start3A_134 : memref<10128x128xf32, #tpu.memory_space<vmem_shared>>) offsets(%arg14 : memref<128xi32, #tpu.memory_space<vmem>>) semaphore(%run_scoped3A : memref<!tpu.dma_semaphore, #tpu.memory_space<semaphore_mem>>) {add = true}
        %dma_wait3A_135 = arith.constant 0 : i32
        %dma_wait3A_136 = arith.constant 0 : i32
        %dma_wait3A_137 = tpu.memref_slice %arg18[%dma_wait3A_135, %dma_wait3A_136] : memref<10128x128xf32, #tpu.memory_space<vmem_shared>> -> memref<10128x128xf32, #tpu.memory_space<vmem_shared>>
        tpu.wait_indirect_dma semaphore(%run_scoped3A : memref<!tpu.dma_semaphore, #tpu.memory_space<semaphore_mem>>) src(%arg16 : memref<128x128xf32, #tpu.memory_space<vmem>>) dst(%dma_wait3A_137 : memref<10128x128xf32, #tpu.memory_space<vmem_shared>>)
        tpu.yield
      }) : () -> ()
      %lt3A_110 = arith.constant 76 : i32
      %lt3A_111 = arith.cmpi slt, %add3A_101, %lt3A_110 : i32
      %convert_element_type3A_112 = arith.extui %lt3A_111 : i1 to i32
      %cond3A_113 = arith.constant 0 : i32
      %cond3A_114 = arith.cmpi ne, %convert_element_type3A_112, %cond3A_113 : i32
      scf.if %cond3A_114 {
        %add3A_132 = arith.constant 4 : i32
        %add3A_133 = arith.addi %add3A_101, %add3A_132 : i32
        %mul3A_134 = arith.constant 128 : i32
        %mul3A_135 = arith.muli %add3A_133, %mul3A_134 : i32
        %add3A_136 = arith.addi %mul3A_2, %mul3A_135 : i32
        %dma_start3A_137 = tpu.memref_slice %arg3[%add3A_136] : memref<327680xi32, #tpu.memory_space<hbm>> -> memref<128xi32, #tpu.memory_space<hbm>>
        %dma_start3A_138 = tpu.memref_slice %arg3[%add3A_136] : memref<327680xi32, #tpu.memory_space<hbm>> -> memref<128xi32, #tpu.memory_space<hbm>>
        tpu.enqueue_dma source(%dma_start3A_138 : memref<128xi32, #tpu.memory_space<hbm>>) target(%arg10 : memref<128xi32, #tpu.memory_space<vmem>>) target_semaphore(%arg21 : memref<!tpu.dma_semaphore, #tpu.memory_space<semaphore_mem>>)
        %mul3A_139 = arith.constant 128 : i32
        %mul3A_140 = arith.muli %add3A_133, %mul3A_139 : i32
        %add3A_141 = arith.addi %mul3A_2, %mul3A_140 : i32
        %dma_start3A_142 = tpu.memref_slice %arg4[%add3A_141] : memref<327680xi32, #tpu.memory_space<hbm>> -> memref<128xi32, #tpu.memory_space<hbm>>
        %dma_start3A_143 = tpu.memref_slice %arg4[%add3A_141] : memref<327680xi32, #tpu.memory_space<hbm>> -> memref<128xi32, #tpu.memory_space<hbm>>
        tpu.enqueue_dma source(%dma_start3A_143 : memref<128xi32, #tpu.memory_space<hbm>>) target(%arg14 : memref<128xi32, #tpu.memory_space<vmem>>) target_semaphore(%arg21 : memref<!tpu.dma_semaphore, #tpu.memory_space<semaphore_mem>>)
      } else {
      }
      %mul3A_115 = arith.constant 4 : i32
      %mul3A_116 = arith.muli %mul3A_115, %scan3A_64 : i32
      %add3A_117 = arith.constant 3 : i32
      %add3A_118 = arith.addi %mul3A_116, %add3A_117 : i32
      %lt3A_119 = arith.constant 79 : i32
      %lt3A_120 = arith.cmpi slt, %add3A_118, %lt3A_119 : i32
      %convert_element_type3A_121 = arith.extui %lt3A_120 : i1 to i32
      %cond3A_122 = arith.constant 0 : i32
      %cond3A_123 = arith.cmpi ne, %convert_element_type3A_121, %cond3A_122 : i32
      scf.if %cond3A_123 {
        %add3A_132 = arith.constant 1 : i32
        %add3A_133 = arith.addi %add3A_118, %add3A_132 : i32
        %mul3A_134 = arith.constant 128 : i32
        %mul3A_135 = arith.muli %add3A_133, %mul3A_134 : i32
        %add3A_136 = arith.addi %mul3A_2, %mul3A_135 : i32
        %dma_wait3A_137 = tpu.memref_slice %arg3[%add3A_136] : memref<327680xi32, #tpu.memory_space<hbm>> -> memref<128xi32, #tpu.memory_space<hbm>>
        %dma_wait3A_138 = tpu.memref_slice %arg3[%add3A_136] : memref<327680xi32, #tpu.memory_space<hbm>> -> memref<128xi32, #tpu.memory_space<hbm>>
        tpu.wait_dma2 semaphore(%arg19 : memref<!tpu.dma_semaphore, #tpu.memory_space<semaphore_mem>>) src(%dma_wait3A_138 : memref<128xi32, #tpu.memory_space<hbm>>) dst(%arg8 : memref<128xi32, #tpu.memory_space<vmem>>)
        %mul3A_139 = arith.constant 128 : i32
        %mul3A_140 = arith.muli %add3A_133, %mul3A_139 : i32
        %add3A_141 = arith.addi %mul3A_2, %mul3A_140 : i32
        %dma_wait3A_142 = tpu.memref_slice %arg4[%add3A_141] : memref<327680xi32, #tpu.memory_space<hbm>> -> memref<128xi32, #tpu.memory_space<hbm>>
        %dma_wait3A_143 = tpu.memref_slice %arg4[%add3A_141] : memref<327680xi32, #tpu.memory_space<hbm>> -> memref<128xi32, #tpu.memory_space<hbm>>
        tpu.wait_dma2 semaphore(%arg19 : memref<!tpu.dma_semaphore, #tpu.memory_space<semaphore_mem>>) src(%dma_wait3A_143 : memref<128xi32, #tpu.memory_space<hbm>>) dst(%arg12 : memref<128xi32, #tpu.memory_space<vmem>>)
        %dma_start3A_144 = arith.constant 0 : i32
        %dma_start3A_145 = arith.constant 0 : i32
        %dma_start3A_146 = tpu.memref_slice %arg2[%dma_start3A_144, %dma_start3A_145] : memref<10000x128xf32, #tpu.memory_space<hbm>> -> memref<10000x128xf32, #tpu.memory_space<hbm>>
        tpu.enqueue_indirect_dma source(%dma_start3A_146 : memref<10000x128xf32, #tpu.memory_space<hbm>>) target(%arg16 : memref<128x128xf32, #tpu.memory_space<vmem>>) offsets(%arg8 : memref<128xi32, #tpu.memory_space<vmem>>) semaphore(%arg23 : memref<!tpu.dma_semaphore, #tpu.memory_space<semaphore_mem>>)
      } else {
      }
      %dma_wait3A_124 = arith.constant 0 : i32
      %dma_wait3A_125 = arith.constant 0 : i32
      %dma_wait3A_126 = tpu.memref_slice %arg2[%dma_wait3A_124, %dma_wait3A_125] : memref<10000x128xf32, #tpu.memory_space<hbm>> -> memref<10000x128xf32, #tpu.memory_space<hbm>>
      tpu.wait_indirect_dma semaphore(%arg24 : memref<!tpu.dma_semaphore, #tpu.memory_space<semaphore_mem>>) src(%dma_wait3A_126 : memref<10000x128xf32, #tpu.memory_space<hbm>>) dst(%arg17 : memref<128x128xf32, #tpu.memory_space<vmem>>)
      "tpu.region"() ({
        %run_scoped3A = tpu.sem_alloc : memref<!tpu.dma_semaphore, #tpu.memory_space<semaphore_mem>>
        %dma_start3A_132 = arith.constant 0 : i32
        %dma_start3A_133 = arith.constant 0 : i32
        %dma_start3A_134 = tpu.memref_slice %arg18[%dma_start3A_132, %dma_start3A_133] : memref<10128x128xf32, #tpu.memory_space<vmem_shared>> -> memref<10128x128xf32, #tpu.memory_space<vmem_shared>>
        tpu.enqueue_indirect_dma source(%arg17 : memref<128x128xf32, #tpu.memory_space<vmem>>) target(%dma_start3A_134 : memref<10128x128xf32, #tpu.memory_space<vmem_shared>>) offsets(%arg15 : memref<128xi32, #tpu.memory_space<vmem>>) semaphore(%run_scoped3A : memref<!tpu.dma_semaphore, #tpu.memory_space<semaphore_mem>>) {add = true}
        %dma_wait3A_135 = arith.constant 0 : i32
        %dma_wait3A_136 = arith.constant 0 : i32
        %dma_wait3A_137 = tpu.memref_slice %arg18[%dma_wait3A_135, %dma_wait3A_136] : memref<10128x128xf32, #tpu.memory_space<vmem_shared>> -> memref<10128x128xf32, #tpu.memory_space<vmem_shared>>
        tpu.wait_indirect_dma semaphore(%run_scoped3A : memref<!tpu.dma_semaphore, #tpu.memory_space<semaphore_mem>>) src(%arg17 : memref<128x128xf32, #tpu.memory_space<vmem>>) dst(%dma_wait3A_137 : memref<10128x128xf32, #tpu.memory_space<vmem_shared>>)
        tpu.yield
      }) : () -> ()
      %lt3A_127 = arith.constant 76 : i32
      %lt3A_128 = arith.cmpi slt, %add3A_118, %lt3A_127 : i32
      %convert_element_type3A_129 = arith.extui %lt3A_128 : i1 to i32
      %cond3A_130 = arith.constant 0 : i32
      %cond3A_131 = arith.cmpi ne, %convert_element_type3A_129, %cond3A_130 : i32
      scf.if %cond3A_131 {
        %add3A_132 = arith.constant 4 : i32
        %add3A_133 = arith.addi %add3A_118, %add3A_132 : i32
        %mul3A_134 = arith.constant 128 : i32
        %mul3A_135 = arith.muli %add3A_133, %mul3A_134 : i32
        %add3A_136 = arith.addi %mul3A_2, %mul3A_135 : i32
        %dma_start3A_137 = tpu.memref_slice %arg3[%add3A_136] : memref<327680xi32, #tpu.memory_space<hbm>> -> memref<128xi32, #tpu.memory_space<hbm>>
        %dma_start3A_138 = tpu.memref_slice %arg3[%add3A_136] : memref<327680xi32, #tpu.memory_space<hbm>> -> memref<128xi32, #tpu.memory_space<hbm>>
        tpu.enqueue_dma source(%dma_start3A_138 : memref<128xi32, #tpu.memory_space<hbm>>) target(%arg11 : memref<128xi32, #tpu.memory_space<vmem>>) target_semaphore(%arg22 : memref<!tpu.dma_semaphore, #tpu.memory_space<semaphore_mem>>)
        %mul3A_139 = arith.constant 128 : i32
        %mul3A_140 = arith.muli %add3A_133, %mul3A_139 : i32
        %add3A_141 = arith.addi %mul3A_2, %mul3A_140 : i32
        %dma_start3A_142 = tpu.memref_slice %arg4[%add3A_141] : memref<327680xi32, #tpu.memory_space<hbm>> -> memref<128xi32, #tpu.memory_space<hbm>>
        %dma_start3A_143 = tpu.memref_slice %arg4[%add3A_141] : memref<327680xi32, #tpu.memory_space<hbm>> -> memref<128xi32, #tpu.memory_space<hbm>>
        tpu.enqueue_dma source(%dma_start3A_143 : memref<128xi32, #tpu.memory_space<hbm>>) target(%arg15 : memref<128xi32, #tpu.memory_space<vmem>>) target_semaphore(%arg22 : memref<!tpu.dma_semaphore, #tpu.memory_space<semaphore_mem>>)
      } else {
      }
    }
    %scan3A_52 = arith.constant 20 : i32
    %barrier3A_53 = arith.constant 0 : index
    tpu.barrier barrier_id(%barrier3A_53)
    %eq3A_54 = arith.constant 0 : i32
    %eq3A_55 = arith.cmpi eq, %arg0, %eq3A_54 : i32
    %convert_element_type3A_56 = arith.extui %eq3A_55 : i1 to i32
    %cond3A_57 = arith.constant 0 : i32
    %cond3A_58 = arith.cmpi ne, %convert_element_type3A_56, %cond3A_57 : i32
    scf.if %cond3A_58 {
      "tpu.region"() ({
        %run_scoped3A = tpu.sem_alloc : memref<!tpu.dma_semaphore, #tpu.memory_space<semaphore_mem>>
        %dma_start3A_69 = arith.constant 0 : i32
        %dma_start3A_70 = tpu.memref_slice %arg6[%mul3A_35, %dma_start3A_69] : memref<10000x128xf32, #tpu.memory_space<hbm>> -> memref<624x128xf32, #tpu.memory_space<hbm>>
        %dma_start3A_71 = arith.constant 0 : i32
        %dma_start3A_72 = tpu.memref_slice %arg18[%mul3A_35, %dma_start3A_71] : memref<10128x128xf32, #tpu.memory_space<vmem_shared>> -> memref<624x128xf32, #tpu.memory_space<vmem_shared>>
        tpu.enqueue_dma source(%dma_start3A_72 : memref<624x128xf32, #tpu.memory_space<vmem_shared>>) target(%dma_start3A_70 : memref<624x128xf32, #tpu.memory_space<hbm>>) target_semaphore(%run_scoped3A : memref<!tpu.dma_semaphore, #tpu.memory_space<semaphore_mem>>)
        %dma_wait3A_73 = arith.constant 0 : i32
        %dma_wait3A_74 = tpu.memref_slice %arg6[%mul3A_35, %dma_wait3A_73] : memref<10000x128xf32, #tpu.memory_space<hbm>> -> memref<624x128xf32, #tpu.memory_space<hbm>>
        %dma_wait3A_75 = arith.constant 0 : i32
        %dma_wait3A_76 = tpu.memref_slice %arg18[%mul3A_35, %dma_wait3A_75] : memref<10128x128xf32, #tpu.memory_space<vmem_shared>> -> memref<624x128xf32, #tpu.memory_space<vmem_shared>>
        tpu.wait_dma2 semaphore(%run_scoped3A : memref<!tpu.dma_semaphore, #tpu.memory_space<semaphore_mem>>) src(%dma_wait3A_76 : memref<624x128xf32, #tpu.memory_space<vmem_shared>>) dst(%dma_wait3A_74 : memref<624x128xf32, #tpu.memory_space<hbm>>)
        tpu.yield
      }) : () -> ()
      %eq3A_64 = arith.constant 15 : i32
      %eq3A_65 = arith.cmpi eq, %arg1, %eq3A_64 : i32
      %convert_element_type3A_66 = arith.extui %eq3A_65 : i1 to i32
      %cond3A_67 = arith.constant 0 : i32
      %cond3A_68 = arith.cmpi ne, %convert_element_type3A_66, %cond3A_67 : i32
      scf.if %cond3A_68 {
        "tpu.region"() ({
          %run_scoped3A = tpu.sem_alloc : memref<!tpu.dma_semaphore, #tpu.memory_space<semaphore_mem>>
          %dma_start3A_69 = arith.constant 9984 : i32
          %dma_start3A_70 = arith.constant 0 : i32
          %dma_start3A_71 = tpu.memref_slice %arg6[%dma_start3A_69, %dma_start3A_70] : memref<10000x128xf32, #tpu.memory_space<hbm>> -> memref<16x128xf32, #tpu.memory_space<hbm>>
          %dma_start3A_72 = arith.constant 9984 : i32
          %dma_start3A_73 = arith.constant 0 : i32
          %dma_start3A_74 = tpu.memref_slice %arg18[%dma_start3A_72, %dma_start3A_73] : memref<10128x128xf32, #tpu.memory_space<vmem_shared>> -> memref<16x128xf32, #tpu.memory_space<vmem_shared>>
          tpu.enqueue_dma source(%dma_start3A_74 : memref<16x128xf32, #tpu.memory_space<vmem_shared>>) target(%dma_start3A_71 : memref<16x128xf32, #tpu.memory_space<hbm>>) target_semaphore(%run_scoped3A : memref<!tpu.dma_semaphore, #tpu.memory_space<semaphore_mem>>)
          %dma_wait3A_75 = arith.constant 9984 : i32
          %dma_wait3A_76 = arith.constant 0 : i32
          %dma_wait3A_77 = tpu.memref_slice %arg6[%dma_wait3A_75, %dma_wait3A_76] : memref<10000x128xf32, #tpu.memory_space<hbm>> -> memref<16x128xf32, #tpu.memory_space<hbm>>
          %dma_wait3A_78 = arith.constant 9984 : i32
          %dma_wait3A_79 = arith.constant 0 : i32
          %dma_wait3A_80 = tpu.memref_slice %arg18[%dma_wait3A_78, %dma_wait3A_79] : memref<10128x128xf32, #tpu.memory_space<vmem_shared>> -> memref<16x128xf32, #tpu.memory_space<vmem_shared>>
          tpu.wait_dma2 semaphore(%run_scoped3A : memref<!tpu.dma_semaphore, #tpu.memory_space<semaphore_mem>>) src(%dma_wait3A_80 : memref<16x128xf32, #tpu.memory_space<vmem_shared>>) dst(%dma_wait3A_77 : memref<16x128xf32, #tpu.memory_space<hbm>>)
          tpu.yield
        }) : () -> ()
      } else {
      }
    } else {
    }
    %eq3A_59 = arith.constant 1 : i32
    %eq3A_60 = arith.cmpi eq, %arg0, %eq3A_59 : i32
    %convert_element_type3A_61 = arith.extui %eq3A_60 : i1 to i32
    %cond3A_62 = arith.constant 0 : i32
    %cond3A_63 = arith.cmpi ne, %convert_element_type3A_61, %cond3A_62 : i32
    scf.if %cond3A_63 {
      "tpu.region"() ({
        %run_scoped3A = tpu.sem_alloc : memref<!tpu.dma_semaphore, #tpu.memory_space<semaphore_mem>>
        %dma_start3A_69 = arith.constant 0 : i32
        %dma_start3A_70 = tpu.memref_slice %arg7[%mul3A_35, %dma_start3A_69] : memref<10000x128xf32, #tpu.memory_space<hbm>> -> memref<624x128xf32, #tpu.memory_space<hbm>>
        %dma_start3A_71 = arith.constant 0 : i32
        %dma_start3A_72 = tpu.memref_slice %arg18[%mul3A_35, %dma_start3A_71] : memref<10128x128xf32, #tpu.memory_space<vmem_shared>> -> memref<624x128xf32, #tpu.memory_space<vmem_shared>>
        tpu.enqueue_dma source(%dma_start3A_72 : memref<624x128xf32, #tpu.memory_space<vmem_shared>>) target(%dma_start3A_70 : memref<624x128xf32, #tpu.memory_space<hbm>>) target_semaphore(%run_scoped3A : memref<!tpu.dma_semaphore, #tpu.memory_space<semaphore_mem>>)
        %dma_wait3A_73 = arith.constant 0 : i32
        %dma_wait3A_74 = tpu.memref_slice %arg7[%mul3A_35, %dma_wait3A_73] : memref<10000x128xf32, #tpu.memory_space<hbm>> -> memref<624x128xf32, #tpu.memory_space<hbm>>
        %dma_wait3A_75 = arith.constant 0 : i32
        %dma_wait3A_76 = tpu.memref_slice %arg18[%mul3A_35, %dma_wait3A_75] : memref<10128x128xf32, #tpu.memory_space<vmem_shared>> -> memref<624x128xf32, #tpu.memory_space<vmem_shared>>
        tpu.wait_dma2 semaphore(%run_scoped3A : memref<!tpu.dma_semaphore, #tpu.memory_space<semaphore_mem>>) src(%dma_wait3A_76 : memref<624x128xf32, #tpu.memory_space<vmem_shared>>) dst(%dma_wait3A_74 : memref<624x128xf32, #tpu.memory_space<hbm>>)
        tpu.yield
      }) : () -> ()
      %eq3A_64 = arith.constant 15 : i32
      %eq3A_65 = arith.cmpi eq, %arg1, %eq3A_64 : i32
      %convert_element_type3A_66 = arith.extui %eq3A_65 : i1 to i32
      %cond3A_67 = arith.constant 0 : i32
      %cond3A_68 = arith.cmpi ne, %convert_element_type3A_66, %cond3A_67 : i32
      scf.if %cond3A_68 {
        "tpu.region"() ({
          %run_scoped3A = tpu.sem_alloc : memref<!tpu.dma_semaphore, #tpu.memory_space<semaphore_mem>>
          %dma_start3A_69 = arith.constant 9984 : i32
          %dma_start3A_70 = arith.constant 0 : i32
          %dma_start3A_71 = tpu.memref_slice %arg7[%dma_start3A_69, %dma_start3A_70] : memref<10000x128xf32, #tpu.memory_space<hbm>> -> memref<16x128xf32, #tpu.memory_space<hbm>>
          %dma_start3A_72 = arith.constant 9984 : i32
          %dma_start3A_73 = arith.constant 0 : i32
          %dma_start3A_74 = tpu.memref_slice %arg18[%dma_start3A_72, %dma_start3A_73] : memref<10128x128xf32, #tpu.memory_space<vmem_shared>> -> memref<16x128xf32, #tpu.memory_space<vmem_shared>>
          tpu.enqueue_dma source(%dma_start3A_74 : memref<16x128xf32, #tpu.memory_space<vmem_shared>>) target(%dma_start3A_71 : memref<16x128xf32, #tpu.memory_space<hbm>>) target_semaphore(%run_scoped3A : memref<!tpu.dma_semaphore, #tpu.memory_space<semaphore_mem>>)
          %dma_wait3A_75 = arith.constant 9984 : i32
          %dma_wait3A_76 = arith.constant 0 : i32
          %dma_wait3A_77 = tpu.memref_slice %arg7[%dma_wait3A_75, %dma_wait3A_76] : memref<10000x128xf32, #tpu.memory_space<hbm>> -> memref<16x128xf32, #tpu.memory_space<hbm>>
          %dma_wait3A_78 = arith.constant 9984 : i32
          %dma_wait3A_79 = arith.constant 0 : i32
          %dma_wait3A_80 = tpu.memref_slice %arg18[%dma_wait3A_78, %dma_wait3A_79] : memref<10128x128xf32, #tpu.memory_space<vmem_shared>> -> memref<16x128xf32, #tpu.memory_space<vmem_shared>>
          tpu.wait_dma2 semaphore(%run_scoped3A : memref<!tpu.dma_semaphore, #tpu.memory_space<semaphore_mem>>) src(%dma_wait3A_80 : memref<16x128xf32, #tpu.memory_space<vmem_shared>>) dst(%dma_wait3A_77 : memref<16x128xf32, #tpu.memory_space<hbm>>)
          tpu.yield
        }) : () -> ()
      } else {
      }
    } else {
    }
    return
  }
}

#map = affine_map<(d0, d1) -> (0, 0)>
#map1 = affine_map<(d0, d1) -> (0)>
module attributes {stable_mosaic.version = 14 : i64} {
  func.func @k(%arg0: i32, %arg1: i32, %arg2: memref<10000x128xf32, #tpu.memory_space<hbm>>, %arg3: memref<327680xi32, #tpu.memory_space<hbm>>, %arg4: memref<327680xi32, #tpu.memory_space<hbm>>, %arg5: memref<624x128xf32, #tpu.memory_space<hbm>>, %arg6: memref<10000x128xf32, #tpu.memory_space<hbm>>, %arg7: memref<10000x128xf32, #tpu.memory_space<hbm>>, %arg8: memref<128xi32, #tpu.memory_space<vmem>>, %arg9: memref<128xi32, #tpu.memory_space<vmem>>, %arg10: memref<128xi32, #tpu.memory_space<vmem>>, %arg11: memref<128xi32, #tpu.memory_space<vmem>>, %arg12: memref<128xi32, #tpu.memory_space<vmem>>, %arg13: memref<128xi32, #tpu.memory_space<vmem>>, %arg14: memref<128xi32, #tpu.memory_space<vmem>>, %arg15: memref<128xi32, #tpu.memory_space<vmem>>, %arg16: memref<128x128xf32, #tpu.memory_space<vmem>>, %arg17: memref<128x128xf32, #tpu.memory_space<vmem>>, %arg18: memref<10128x128xf32, #tpu.memory_space<vmem_shared>>, %arg19: memref<!tpu.dma_semaphore, #tpu.memory_space<semaphore_mem>>, %arg20: memref<!tpu.dma_semaphore, #tpu.memory_space<semaphore_mem>>, %arg21: memref<!tpu.dma_semaphore, #tpu.memory_space<semaphore_mem>>, %arg22: memref<!tpu.dma_semaphore, #tpu.memory_space<semaphore_mem>>, %arg23: memref<!tpu.dma_semaphore, #tpu.memory_space<semaphore_mem>>, %arg24: memref<!tpu.dma_semaphore, #tpu.memory_space<semaphore_mem>>) attributes {dimension_semantics = [#tpu.dimension_semantics<core_parallel>, #tpu.dimension_semantics<subcore_parallel>], iteration_bounds = array<i64: 2, 16>, scalar_prefetch = 0 : i64, scratch_operands = 17 : i64, tpu.core_type = #tpu.core_type<sc_vector_subcore>, window_params = [{transform_indices = #map}, {transform_indices = #map1}, {transform_indices = #map1}, {transform_indices = #map}, {transform_indices = #map}, {transform_indices = #map}]} {
    %mul3A = arith.constant 2 : i32
    %mul3A_0 = arith.muli %arg1, %mul3A : i32
    %add3A = arith.addi %mul3A_0, %arg0 : i32
    %mul3A_1 = arith.constant 10240 : i32
    %mul3A_2 = arith.muli %add3A, %mul3A_1 : i32
    %add3A_3 = arith.constant 0 : i32
    %add3A_4 = arith.addi %mul3A_2, %add3A_3 : i32
    %dma_start3A = tpu.memref_slice %arg3[%add3A_4] : memref<327680xi32, #tpu.memory_space<hbm>> -> memref<128xi32, #tpu.memory_space<hbm>>
    %dma_start3A_5 = tpu.memref_slice %arg3[%add3A_4] : memref<327680xi32, #tpu.memory_space<hbm>> -> memref<128xi32, #tpu.memory_space<hbm>>
    tpu.enqueue_dma source(%dma_start3A_5 : memref<128xi32, #tpu.memory_space<hbm>>) target(%arg8 : memref<128xi32, #tpu.memory_space<vmem>>) target_semaphore(%arg19 : memref<!tpu.dma_semaphore, #tpu.memory_space<semaphore_mem>>)
    %add3A_6 = arith.constant 0 : i32
    %add3A_7 = arith.addi %mul3A_2, %add3A_6 : i32
    %dma_start3A_8 = tpu.memref_slice %arg4[%add3A_7] : memref<327680xi32, #tpu.memory_space<hbm>> -> memref<128xi32, #tpu.memory_space<hbm>>
    %dma_start3A_9 = tpu.memref_slice %arg4[%add3A_7] : memref<327680xi32, #tpu.memory_space<hbm>> -> memref<128xi32, #tpu.memory_space<hbm>>
    tpu.enqueue_dma source(%dma_start3A_9 : memref<128xi32, #tpu.memory_space<hbm>>) target(%arg12 : memref<128xi32, #tpu.memory_space<vmem>>) target_semaphore(%arg19 : memref<!tpu.dma_semaphore, #tpu.memory_space<semaphore_mem>>)
    %add3A_10 = arith.constant 128 : i32
    %add3A_11 = arith.addi %mul3A_2, %add3A_10 : i32
    %dma_start3A_12 = tpu.memref_slice %arg3[%add3A_11] : memref<327680xi32, #tpu.memory_space<hbm>> -> memref<128xi32, #tpu.memory_space<hbm>>
    %dma_start3A_13 = tpu.memref_slice %arg3[%add3A_11] : memref<327680xi32, #tpu.memory_space<hbm>> -> memref<128xi32, #tpu.memory_space<hbm>>
    tpu.enqueue_dma source(%dma_start3A_13 : memref<128xi32, #tpu.memory_space<hbm>>) target(%arg9 : memref<128xi32, #tpu.memory_space<vmem>>) target_semaphore(%arg20 : memref<!tpu.dma_semaphore, #tpu.memory_space<semaphore_mem>>)
    %add3A_14 = arith.constant 128 : i32
    %add3A_15 = arith.addi %mul3A_2, %add3A_14 : i32
    %dma_start3A_16 = tpu.memref_slice %arg4[%add3A_15] : memref<327680xi32, #tpu.memory_space<hbm>> -> memref<128xi32, #tpu.memory_space<hbm>>
    %dma_start3A_17 = tpu.memref_slice %arg4[%add3A_15] : memref<327680xi32, #tpu.memory_space<hbm>> -> memref<128xi32, #tpu.memory_space<hbm>>
    tpu.enqueue_dma source(%dma_start3A_17 : memref<128xi32, #tpu.memory_space<hbm>>) target(%arg13 : memref<128xi32, #tpu.memory_space<vmem>>) target_semaphore(%arg20 : memref<!tpu.dma_semaphore, #tpu.memory_space<semaphore_mem>>)
    %add3A_18 = arith.constant 256 : i32
    %add3A_19 = arith.addi %mul3A_2, %add3A_18 : i32
    %dma_start3A_20 = tpu.memref_slice %arg3[%add3A_19] : memref<327680xi32, #tpu.memory_space<hbm>> -> memref<128xi32, #tpu.memory_space<hbm>>
    %dma_start3A_21 = tpu.memref_slice %arg3[%add3A_19] : memref<327680xi32, #tpu.memory_space<hbm>> -> memref<128xi32, #tpu.memory_space<hbm>>
    tpu.enqueue_dma source(%dma_start3A_21 : memref<128xi32, #tpu.memory_space<hbm>>) target(%arg10 : memref<128xi32, #tpu.memory_space<vmem>>) target_semaphore(%arg21 : memref<!tpu.dma_semaphore, #tpu.memory_space<semaphore_mem>>)
    %add3A_22 = arith.constant 256 : i32
    %add3A_23 = arith.addi %mul3A_2, %add3A_22 : i32
    %dma_start3A_24 = tpu.memref_slice %arg4[%add3A_23] : memref<327680xi32, #tpu.memory_space<hbm>> -> memref<128xi32, #tpu.memory_space<hbm>>
    %dma_start3A_25 = tpu.memref_slice %arg4[%add3A_23] : memref<327680xi32, #tpu.memory_space<hbm>> -> memref<128xi32, #tpu.memory_space<hbm>>
    tpu.enqueue_dma source(%dma_start3A_25 : memref<128xi32, #tpu.memory_space<hbm>>) target(%arg14 : memref<128xi32, #tpu.memory_space<vmem>>) target_semaphore(%arg21 : memref<!tpu.dma_semaphore, #tpu.memory_space<semaphore_mem>>)
    %add3A_26 = arith.constant 384 : i32
    %add3A_27 = arith.addi %mul3A_2, %add3A_26 : i32
    %dma_start3A_28 = tpu.memref_slice %arg3[%add3A_27] : memref<327680xi32, #tpu.memory_space<hbm>> -> memref<128xi32, #tpu.memory_space<hbm>>
    %dma_start3A_29 = tpu.memref_slice %arg3[%add3A_27] : memref<327680xi32, #tpu.memory_space<hbm>> -> memref<128xi32, #tpu.memory_space<hbm>>
    tpu.enqueue_dma source(%dma_start3A_29 : memref<128xi32, #tpu.memory_space<hbm>>) target(%arg11 : memref<128xi32, #tpu.memory_space<vmem>>) target_semaphore(%arg22 : memref<!tpu.dma_semaphore, #tpu.memory_space<semaphore_mem>>)
    %add3A_30 = arith.constant 384 : i32
    %add3A_31 = arith.addi %mul3A_2, %add3A_30 : i32
    %dma_start3A_32 = tpu.memref_slice %arg4[%add3A_31] : memref<327680xi32, #tpu.memory_space<hbm>> -> memref<128xi32, #tpu.memory_space<hbm>>
    %dma_start3A_33 = tpu.memref_slice %arg4[%add3A_31] : memref<327680xi32, #tpu.memory_space<hbm>> -> memref<128xi32, #tpu.memory_space<hbm>>
    tpu.enqueue_dma source(%dma_start3A_33 : memref<128xi32, #tpu.memory_space<hbm>>) target(%arg15 : memref<128xi32, #tpu.memory_space<vmem>>) target_semaphore(%arg22 : memref<!tpu.dma_semaphore, #tpu.memory_space<semaphore_mem>>)
    %mul3A_34 = arith.constant 624 : i32
    %mul3A_35 = arith.muli %arg1, %mul3A_34 : i32
    "tpu.region"() ({
      %run_scoped3A = tpu.sem_alloc : memref<!tpu.dma_semaphore, #tpu.memory_space<semaphore_mem>>
      %dma_start3A_64 = arith.constant 0 : i32
      %dma_start3A_65 = tpu.memref_slice %arg18[%mul3A_35, %dma_start3A_64] : memref<10128x128xf32, #tpu.memory_space<vmem_shared>> -> memref<624x128xf32, #tpu.memory_space<vmem_shared>>
      tpu.enqueue_dma source(%arg5 : memref<624x128xf32, #tpu.memory_space<hbm>>) target(%dma_start3A_65 : memref<624x128xf32, #tpu.memory_space<vmem_shared>>) target_semaphore(%run_scoped3A : memref<!tpu.dma_semaphore, #tpu.memory_space<semaphore_mem>>)
      %dma_wait3A_66 = arith.constant 0 : i32
      %dma_wait3A_67 = tpu.memref_slice %arg18[%mul3A_35, %dma_wait3A_66] : memref<10128x128xf32, #tpu.memory_space<vmem_shared>> -> memref<624x128xf32, #tpu.memory_space<vmem_shared>>
      tpu.wait_dma2 semaphore(%run_scoped3A : memref<!tpu.dma_semaphore, #tpu.memory_space<semaphore_mem>>) src(%arg5 : memref<624x128xf32, #tpu.memory_space<hbm>>) dst(%dma_wait3A_67 : memref<624x128xf32, #tpu.memory_space<vmem_shared>>)
      tpu.yield
    }) : () -> ()
    %eq3A = arith.constant 15 : i32
    %eq3A_36 = arith.cmpi eq, %arg1, %eq3A : i32
    %convert_element_type3A = arith.extui %eq3A_36 : i1 to i32
    %cond3A = arith.constant 0 : i32
    %cond3A_37 = arith.cmpi ne, %convert_element_type3A, %cond3A : i32
    scf.if %cond3A_37 {
      "tpu.region"() ({
        %run_scoped3A = tpu.sem_alloc : memref<!tpu.dma_semaphore, #tpu.memory_space<semaphore_mem>>
        %dma_start3A_64 = arith.constant 9984 : i32
        %dma_start3A_65 = arith.constant 0 : i32
        %dma_start3A_66 = tpu.memref_slice %arg18[%dma_start3A_64, %dma_start3A_65] : memref<10128x128xf32, #tpu.memory_space<vmem_shared>> -> memref<16x128xf32, #tpu.memory_space<vmem_shared>>
        %dma_start3A_67 = arith.constant 0 : i32
        %dma_start3A_68 = arith.constant 0 : i32
        %dma_start3A_69 = tpu.memref_slice %arg5[%dma_start3A_67, %dma_start3A_68] : memref<624x128xf32, #tpu.memory_space<hbm>> -> memref<16x128xf32, #tpu.memory_space<hbm>>
        tpu.enqueue_dma source(%dma_start3A_69 : memref<16x128xf32, #tpu.memory_space<hbm>>) target(%dma_start3A_66 : memref<16x128xf32, #tpu.memory_space<vmem_shared>>) target_semaphore(%run_scoped3A : memref<!tpu.dma_semaphore, #tpu.memory_space<semaphore_mem>>)
        %dma_wait3A_70 = arith.constant 9984 : i32
        %dma_wait3A_71 = arith.constant 0 : i32
        %dma_wait3A_72 = tpu.memref_slice %arg18[%dma_wait3A_70, %dma_wait3A_71] : memref<10128x128xf32, #tpu.memory_space<vmem_shared>> -> memref<16x128xf32, #tpu.memory_space<vmem_shared>>
        %dma_wait3A_73 = arith.constant 0 : i32
        %dma_wait3A_74 = arith.constant 0 : i32
        %dma_wait3A_75 = tpu.memref_slice %arg5[%dma_wait3A_73, %dma_wait3A_74] : memref<624x128xf32, #tpu.memory_space<hbm>> -> memref<16x128xf32, #tpu.memory_space<hbm>>
        tpu.wait_dma2 semaphore(%run_scoped3A : memref<!tpu.dma_semaphore, #tpu.memory_space<semaphore_mem>>) src(%dma_wait3A_75 : memref<16x128xf32, #tpu.memory_space<hbm>>) dst(%dma_wait3A_72 : memref<16x128xf32, #tpu.memory_space<vmem_shared>>)
        tpu.yield
      }) : () -> ()
    } else {
    }
    %add3A_38 = arith.constant 0 : i32
    %add3A_39 = arith.addi %mul3A_2, %add3A_38 : i32
    %dma_wait3A = tpu.memref_slice %arg3[%add3A_39] : memref<327680xi32, #tpu.memory_space<hbm>> -> memref<128xi32, #tpu.memory_space<hbm>>
    %dma_wait3A_40 = tpu.memref_slice %arg3[%add3A_39] : memref<327680xi32, #tpu.memory_space<hbm>> -> memref<128xi32, #tpu.memory_space<hbm>>
    tpu.wait_dma2 semaphore(%arg19 : memref<!tpu.dma_semaphore, #tpu.memory_space<semaphore_mem>>) src(%dma_wait3A_40 : memref<128xi32, #tpu.memory_space<hbm>>) dst(%arg8 : memref<128xi32, #tpu.memory_space<vmem>>)
    %add3A_41 = arith.constant 0 : i32
    %add3A_42 = arith.addi %mul3A_2, %add3A_41 : i32
    %dma_wait3A_43 = tpu.memref_slice %arg4[%add3A_42] : memref<327680xi32, #tpu.memory_space<hbm>> -> memref<128xi32, #tpu.memory_space<hbm>>
    %dma_wait3A_44 = tpu.memref_slice %arg4[%add3A_42] : memref<327680xi32, #tpu.memory_space<hbm>> -> memref<128xi32, #tpu.memory_space<hbm>>
    tpu.wait_dma2 semaphore(%arg19 : memref<!tpu.dma_semaphore, #tpu.memory_space<semaphore_mem>>) src(%dma_wait3A_44 : memref<128xi32, #tpu.memory_space<hbm>>) dst(%arg12 : memref<128xi32, #tpu.memory_space<vmem>>)
    %dma_start3A_45 = arith.constant 0 : i32
    %dma_start3A_46 = arith.constant 0 : i32
    %dma_start3A_47 = tpu.memref_slice %arg2[%dma_start3A_45, %dma_start3A_46] : memref<10000x128xf32, #tpu.memory_space<hbm>> -> memref<10000x128xf32, #tpu.memory_space<hbm>>
    tpu.enqueue_indirect_dma source(%dma_start3A_47 : memref<10000x128xf32, #tpu.memory_space<hbm>>) target(%arg16 : memref<128x128xf32, #tpu.memory_space<vmem>>) offsets(%arg8 : memref<128xi32, #tpu.memory_space<vmem>>) semaphore(%arg23 : memref<!tpu.dma_semaphore, #tpu.memory_space<semaphore_mem>>)
    %barrier3A = arith.constant 0 : index
    tpu.barrier barrier_id(%barrier3A)
    %scan3A = arith.constant 0 : i32
    %scan3A_48 = arith.constant 0 : i32
    %scan3A_49 = arith.constant 20 : i32
    %scan3A_50 = arith.addi %scan3A_48, %scan3A_49 : i32
    %scan3A_51 = arith.constant 1 : i32
    scf.for %scan3A_64 = %scan3A_48 to %scan3A_50 step %scan3A_51  : i32 {
      %mul3A_65 = arith.constant 4 : i32
      %mul3A_66 = arith.muli %mul3A_65, %scan3A_64 : i32
      %add3A_67 = arith.constant 0 : i32
      %add3A_68 = arith.addi %mul3A_66, %add3A_67 : i32
      %lt3A = arith.constant 79 : i32
      %lt3A_69 = arith.cmpi slt, %add3A_68, %lt3A : i32
      %convert_element_type3A_70 = arith.extui %lt3A_69 : i1 to i32
      %cond3A_71 = arith.constant 0 : i32
      %cond3A_72 = arith.cmpi ne, %convert_element_type3A_70, %cond3A_71 : i32
      scf.if %cond3A_72 {
        %add3A_132 = arith.constant 1 : i32
        %add3A_133 = arith.addi %add3A_68, %add3A_132 : i32
        %mul3A_134 = arith.constant 128 : i32
        %mul3A_135 = arith.muli %add3A_133, %mul3A_134 : i32
        %add3A_136 = arith.addi %mul3A_2, %mul3A_135 : i32
        %dma_wait3A_137 = tpu.memref_slice %arg3[%add3A_136] : memref<327680xi32, #tpu.memory_space<hbm>> -> memref<128xi32, #tpu.memory_space<hbm>>
        %dma_wait3A_138 = tpu.memref_slice %arg3[%add3A_136] : memref<327680xi32, #tpu.memory_space<hbm>> -> memref<128xi32, #tpu.memory_space<hbm>>
        tpu.wait_dma2 semaphore(%arg20 : memref<!tpu.dma_semaphore, #tpu.memory_space<semaphore_mem>>) src(%dma_wait3A_138 : memref<128xi32, #tpu.memory_space<hbm>>) dst(%arg9 : memref<128xi32, #tpu.memory_space<vmem>>)
        %mul3A_139 = arith.constant 128 : i32
        %mul3A_140 = arith.muli %add3A_133, %mul3A_139 : i32
        %add3A_141 = arith.addi %mul3A_2, %mul3A_140 : i32
        %dma_wait3A_142 = tpu.memref_slice %arg4[%add3A_141] : memref<327680xi32, #tpu.memory_space<hbm>> -> memref<128xi32, #tpu.memory_space<hbm>>
        %dma_wait3A_143 = tpu.memref_slice %arg4[%add3A_141] : memref<327680xi32, #tpu.memory_space<hbm>> -> memref<128xi32, #tpu.memory_space<hbm>>
        tpu.wait_dma2 semaphore(%arg20 : memref<!tpu.dma_semaphore, #tpu.memory_space<semaphore_mem>>) src(%dma_wait3A_143 : memref<128xi32, #tpu.memory_space<hbm>>) dst(%arg13 : memref<128xi32, #tpu.memory_space<vmem>>)
        %dma_start3A_144 = arith.constant 0 : i32
        %dma_start3A_145 = arith.constant 0 : i32
        %dma_start3A_146 = tpu.memref_slice %arg2[%dma_start3A_144, %dma_start3A_145] : memref<10000x128xf32, #tpu.memory_space<hbm>> -> memref<10000x128xf32, #tpu.memory_space<hbm>>
        tpu.enqueue_indirect_dma source(%dma_start3A_146 : memref<10000x128xf32, #tpu.memory_space<hbm>>) target(%arg17 : memref<128x128xf32, #tpu.memory_space<vmem>>) offsets(%arg9 : memref<128xi32, #tpu.memory_space<vmem>>) semaphore(%arg24 : memref<!tpu.dma_semaphore, #tpu.memory_space<semaphore_mem>>)
      } else {
      }
      %dma_wait3A_73 = arith.constant 0 : i32
      %dma_wait3A_74 = arith.constant 0 : i32
      %dma_wait3A_75 = tpu.memref_slice %arg2[%dma_wait3A_73, %dma_wait3A_74] : memref<10000x128xf32, #tpu.memory_space<hbm>> -> memref<10000x128xf32, #tpu.memory_space<hbm>>
      tpu.wait_indirect_dma semaphore(%arg23 : memref<!tpu.dma_semaphore, #tpu.memory_space<semaphore_mem>>) src(%dma_wait3A_75 : memref<10000x128xf32, #tpu.memory_space<hbm>>) dst(%arg16 : memref<128x128xf32, #tpu.memory_space<vmem>>)
      "tpu.region"() ({
        %run_scoped3A = tpu.sem_alloc : memref<!tpu.dma_semaphore, #tpu.memory_space<semaphore_mem>>
        %dma_start3A_132 = arith.constant 0 : i32
        %dma_start3A_133 = arith.constant 0 : i32
        %dma_start3A_134 = tpu.memref_slice %arg18[%dma_start3A_132, %dma_start3A_133] : memref<10128x128xf32, #tpu.memory_space<vmem_shared>> -> memref<10128x128xf32, #tpu.memory_space<vmem_shared>>
        tpu.enqueue_indirect_dma source(%arg16 : memref<128x128xf32, #tpu.memory_space<vmem>>) target(%dma_start3A_134 : memref<10128x128xf32, #tpu.memory_space<vmem_shared>>) offsets(%arg12 : memref<128xi32, #tpu.memory_space<vmem>>) semaphore(%run_scoped3A : memref<!tpu.dma_semaphore, #tpu.memory_space<semaphore_mem>>) {add = true}
        %dma_wait3A_135 = arith.constant 0 : i32
        %dma_wait3A_136 = arith.constant 0 : i32
        %dma_wait3A_137 = tpu.memref_slice %arg18[%dma_wait3A_135, %dma_wait3A_136] : memref<10128x128xf32, #tpu.memory_space<vmem_shared>> -> memref<10128x128xf32, #tpu.memory_space<vmem_shared>>
        tpu.wait_indirect_dma semaphore(%run_scoped3A : memref<!tpu.dma_semaphore, #tpu.memory_space<semaphore_mem>>) src(%arg16 : memref<128x128xf32, #tpu.memory_space<vmem>>) dst(%dma_wait3A_137 : memref<10128x128xf32, #tpu.memory_space<vmem_shared>>)
        tpu.yield
      }) : () -> ()
      %lt3A_76 = arith.constant 76 : i32
      %lt3A_77 = arith.cmpi slt, %add3A_68, %lt3A_76 : i32
      %convert_element_type3A_78 = arith.extui %lt3A_77 : i1 to i32
      %cond3A_79 = arith.constant 0 : i32
      %cond3A_80 = arith.cmpi ne, %convert_element_type3A_78, %cond3A_79 : i32
      scf.if %cond3A_80 {
        %add3A_132 = arith.constant 4 : i32
        %add3A_133 = arith.addi %add3A_68, %add3A_132 : i32
        %mul3A_134 = arith.constant 128 : i32
        %mul3A_135 = arith.muli %add3A_133, %mul3A_134 : i32
        %add3A_136 = arith.addi %mul3A_2, %mul3A_135 : i32
        %dma_start3A_137 = tpu.memref_slice %arg3[%add3A_136] : memref<327680xi32, #tpu.memory_space<hbm>> -> memref<128xi32, #tpu.memory_space<hbm>>
        %dma_start3A_138 = tpu.memref_slice %arg3[%add3A_136] : memref<327680xi32, #tpu.memory_space<hbm>> -> memref<128xi32, #tpu.memory_space<hbm>>
        tpu.enqueue_dma source(%dma_start3A_138 : memref<128xi32, #tpu.memory_space<hbm>>) target(%arg8 : memref<128xi32, #tpu.memory_space<vmem>>) target_semaphore(%arg19 : memref<!tpu.dma_semaphore, #tpu.memory_space<semaphore_mem>>)
        %mul3A_139 = arith.constant 128 : i32
        %mul3A_140 = arith.muli %add3A_133, %mul3A_139 : i32
        %add3A_141 = arith.addi %mul3A_2, %mul3A_140 : i32
        %dma_start3A_142 = tpu.memref_slice %arg4[%add3A_141] : memref<327680xi32, #tpu.memory_space<hbm>> -> memref<128xi32, #tpu.memory_space<hbm>>
        %dma_start3A_143 = tpu.memref_slice %arg4[%add3A_141] : memref<327680xi32, #tpu.memory_space<hbm>> -> memref<128xi32, #tpu.memory_space<hbm>>
        tpu.enqueue_dma source(%dma_start3A_143 : memref<128xi32, #tpu.memory_space<hbm>>) target(%arg12 : memref<128xi32, #tpu.memory_space<vmem>>) target_semaphore(%arg19 : memref<!tpu.dma_semaphore, #tpu.memory_space<semaphore_mem>>)
      } else {
      }
      %mul3A_81 = arith.constant 4 : i32
      %mul3A_82 = arith.muli %mul3A_81, %scan3A_64 : i32
      %add3A_83 = arith.constant 1 : i32
      %add3A_84 = arith.addi %mul3A_82, %add3A_83 : i32
      %lt3A_85 = arith.constant 79 : i32
      %lt3A_86 = arith.cmpi slt, %add3A_84, %lt3A_85 : i32
      %convert_element_type3A_87 = arith.extui %lt3A_86 : i1 to i32
      %cond3A_88 = arith.constant 0 : i32
      %cond3A_89 = arith.cmpi ne, %convert_element_type3A_87, %cond3A_88 : i32
      scf.if %cond3A_89 {
        %add3A_132 = arith.constant 1 : i32
        %add3A_133 = arith.addi %add3A_84, %add3A_132 : i32
        %mul3A_134 = arith.constant 128 : i32
        %mul3A_135 = arith.muli %add3A_133, %mul3A_134 : i32
        %add3A_136 = arith.addi %mul3A_2, %mul3A_135 : i32
        %dma_wait3A_137 = tpu.memref_slice %arg3[%add3A_136] : memref<327680xi32, #tpu.memory_space<hbm>> -> memref<128xi32, #tpu.memory_space<hbm>>
        %dma_wait3A_138 = tpu.memref_slice %arg3[%add3A_136] : memref<327680xi32, #tpu.memory_space<hbm>> -> memref<128xi32, #tpu.memory_space<hbm>>
        tpu.wait_dma2 semaphore(%arg21 : memref<!tpu.dma_semaphore, #tpu.memory_space<semaphore_mem>>) src(%dma_wait3A_138 : memref<128xi32, #tpu.memory_space<hbm>>) dst(%arg10 : memref<128xi32, #tpu.memory_space<vmem>>)
        %mul3A_139 = arith.constant 128 : i32
        %mul3A_140 = arith.muli %add3A_133, %mul3A_139 : i32
        %add3A_141 = arith.addi %mul3A_2, %mul3A_140 : i32
        %dma_wait3A_142 = tpu.memref_slice %arg4[%add3A_141] : memref<327680xi32, #tpu.memory_space<hbm>> -> memref<128xi32, #tpu.memory_space<hbm>>
        %dma_wait3A_143 = tpu.memref_slice %arg4[%add3A_141] : memref<327680xi32, #tpu.memory_space<hbm>> -> memref<128xi32, #tpu.memory_space<hbm>>
        tpu.wait_dma2 semaphore(%arg21 : memref<!tpu.dma_semaphore, #tpu.memory_space<semaphore_mem>>) src(%dma_wait3A_143 : memref<128xi32, #tpu.memory_space<hbm>>) dst(%arg14 : memref<128xi32, #tpu.memory_space<vmem>>)
        %dma_start3A_144 = arith.constant 0 : i32
        %dma_start3A_145 = arith.constant 0 : i32
        %dma_start3A_146 = tpu.memref_slice %arg2[%dma_start3A_144, %dma_start3A_145] : memref<10000x128xf32, #tpu.memory_space<hbm>> -> memref<10000x128xf32, #tpu.memory_space<hbm>>
        tpu.enqueue_indirect_dma source(%dma_start3A_146 : memref<10000x128xf32, #tpu.memory_space<hbm>>) target(%arg16 : memref<128x128xf32, #tpu.memory_space<vmem>>) offsets(%arg10 : memref<128xi32, #tpu.memory_space<vmem>>) semaphore(%arg23 : memref<!tpu.dma_semaphore, #tpu.memory_space<semaphore_mem>>)
      } else {
      }
      %dma_wait3A_90 = arith.constant 0 : i32
      %dma_wait3A_91 = arith.constant 0 : i32
      %dma_wait3A_92 = tpu.memref_slice %arg2[%dma_wait3A_90, %dma_wait3A_91] : memref<10000x128xf32, #tpu.memory_space<hbm>> -> memref<10000x128xf32, #tpu.memory_space<hbm>>
      tpu.wait_indirect_dma semaphore(%arg24 : memref<!tpu.dma_semaphore, #tpu.memory_space<semaphore_mem>>) src(%dma_wait3A_92 : memref<10000x128xf32, #tpu.memory_space<hbm>>) dst(%arg17 : memref<128x128xf32, #tpu.memory_space<vmem>>)
      "tpu.region"() ({
        %run_scoped3A = tpu.sem_alloc : memref<!tpu.dma_semaphore, #tpu.memory_space<semaphore_mem>>
        %dma_start3A_132 = arith.constant 0 : i32
        %dma_start3A_133 = arith.constant 0 : i32
        %dma_start3A_134 = tpu.memref_slice %arg18[%dma_start3A_132, %dma_start3A_133] : memref<10128x128xf32, #tpu.memory_space<vmem_shared>> -> memref<10128x128xf32, #tpu.memory_space<vmem_shared>>
        tpu.enqueue_indirect_dma source(%arg17 : memref<128x128xf32, #tpu.memory_space<vmem>>) target(%dma_start3A_134 : memref<10128x128xf32, #tpu.memory_space<vmem_shared>>) offsets(%arg13 : memref<128xi32, #tpu.memory_space<vmem>>) semaphore(%run_scoped3A : memref<!tpu.dma_semaphore, #tpu.memory_space<semaphore_mem>>) {add = true}
        %dma_wait3A_135 = arith.constant 0 : i32
        %dma_wait3A_136 = arith.constant 0 : i32
        %dma_wait3A_137 = tpu.memref_slice %arg18[%dma_wait3A_135, %dma_wait3A_136] : memref<10128x128xf32, #tpu.memory_space<vmem_shared>> -> memref<10128x128xf32, #tpu.memory_space<vmem_shared>>
        tpu.wait_indirect_dma semaphore(%run_scoped3A : memref<!tpu.dma_semaphore, #tpu.memory_space<semaphore_mem>>) src(%arg17 : memref<128x128xf32, #tpu.memory_space<vmem>>) dst(%dma_wait3A_137 : memref<10128x128xf32, #tpu.memory_space<vmem_shared>>)
        tpu.yield
      }) : () -> ()
      %lt3A_93 = arith.constant 76 : i32
      %lt3A_94 = arith.cmpi slt, %add3A_84, %lt3A_93 : i32
      %convert_element_type3A_95 = arith.extui %lt3A_94 : i1 to i32
      %cond3A_96 = arith.constant 0 : i32
      %cond3A_97 = arith.cmpi ne, %convert_element_type3A_95, %cond3A_96 : i32
      scf.if %cond3A_97 {
        %add3A_132 = arith.constant 4 : i32
        %add3A_133 = arith.addi %add3A_84, %add3A_132 : i32
        %mul3A_134 = arith.constant 128 : i32
        %mul3A_135 = arith.muli %add3A_133, %mul3A_134 : i32
        %add3A_136 = arith.addi %mul3A_2, %mul3A_135 : i32
        %dma_start3A_137 = tpu.memref_slice %arg3[%add3A_136] : memref<327680xi32, #tpu.memory_space<hbm>> -> memref<128xi32, #tpu.memory_space<hbm>>
        %dma_start3A_138 = tpu.memref_slice %arg3[%add3A_136] : memref<327680xi32, #tpu.memory_space<hbm>> -> memref<128xi32, #tpu.memory_space<hbm>>
        tpu.enqueue_dma source(%dma_start3A_138 : memref<128xi32, #tpu.memory_space<hbm>>) target(%arg9 : memref<128xi32, #tpu.memory_space<vmem>>) target_semaphore(%arg20 : memref<!tpu.dma_semaphore, #tpu.memory_space<semaphore_mem>>)
        %mul3A_139 = arith.constant 128 : i32
        %mul3A_140 = arith.muli %add3A_133, %mul3A_139 : i32
        %add3A_141 = arith.addi %mul3A_2, %mul3A_140 : i32
        %dma_start3A_142 = tpu.memref_slice %arg4[%add3A_141] : memref<327680xi32, #tpu.memory_space<hbm>> -> memref<128xi32, #tpu.memory_space<hbm>>
        %dma_start3A_143 = tpu.memref_slice %arg4[%add3A_141] : memref<327680xi32, #tpu.memory_space<hbm>> -> memref<128xi32, #tpu.memory_space<hbm>>
        tpu.enqueue_dma source(%dma_start3A_143 : memref<128xi32, #tpu.memory_space<hbm>>) target(%arg13 : memref<128xi32, #tpu.memory_space<vmem>>) target_semaphore(%arg20 : memref<!tpu.dma_semaphore, #tpu.memory_space<semaphore_mem>>)
      } else {
      }
      %mul3A_98 = arith.constant 4 : i32
      %mul3A_99 = arith.muli %mul3A_98, %scan3A_64 : i32
      %add3A_100 = arith.constant 2 : i32
      %add3A_101 = arith.addi %mul3A_99, %add3A_100 : i32
      %lt3A_102 = arith.constant 79 : i32
      %lt3A_103 = arith.cmpi slt, %add3A_101, %lt3A_102 : i32
      %convert_element_type3A_104 = arith.extui %lt3A_103 : i1 to i32
      %cond3A_105 = arith.constant 0 : i32
      %cond3A_106 = arith.cmpi ne, %convert_element_type3A_104, %cond3A_105 : i32
      scf.if %cond3A_106 {
        %add3A_132 = arith.constant 1 : i32
        %add3A_133 = arith.addi %add3A_101, %add3A_132 : i32
        %mul3A_134 = arith.constant 128 : i32
        %mul3A_135 = arith.muli %add3A_133, %mul3A_134 : i32
        %add3A_136 = arith.addi %mul3A_2, %mul3A_135 : i32
        %dma_wait3A_137 = tpu.memref_slice %arg3[%add3A_136] : memref<327680xi32, #tpu.memory_space<hbm>> -> memref<128xi32, #tpu.memory_space<hbm>>
        %dma_wait3A_138 = tpu.memref_slice %arg3[%add3A_136] : memref<327680xi32, #tpu.memory_space<hbm>> -> memref<128xi32, #tpu.memory_space<hbm>>
        tpu.wait_dma2 semaphore(%arg22 : memref<!tpu.dma_semaphore, #tpu.memory_space<semaphore_mem>>) src(%dma_wait3A_138 : memref<128xi32, #tpu.memory_space<hbm>>) dst(%arg11 : memref<128xi32, #tpu.memory_space<vmem>>)
        %mul3A_139 = arith.constant 128 : i32
        %mul3A_140 = arith.muli %add3A_133, %mul3A_139 : i32
        %add3A_141 = arith.addi %mul3A_2, %mul3A_140 : i32
        %dma_wait3A_142 = tpu.memref_slice %arg4[%add3A_141] : memref<327680xi32, #tpu.memory_space<hbm>> -> memref<128xi32, #tpu.memory_space<hbm>>
        %dma_wait3A_143 = tpu.memref_slice %arg4[%add3A_141] : memref<327680xi32, #tpu.memory_space<hbm>> -> memref<128xi32, #tpu.memory_space<hbm>>
        tpu.wait_dma2 semaphore(%arg22 : memref<!tpu.dma_semaphore, #tpu.memory_space<semaphore_mem>>) src(%dma_wait3A_143 : memref<128xi32, #tpu.memory_space<hbm>>) dst(%arg15 : memref<128xi32, #tpu.memory_space<vmem>>)
        %dma_start3A_144 = arith.constant 0 : i32
        %dma_start3A_145 = arith.constant 0 : i32
        %dma_start3A_146 = tpu.memref_slice %arg2[%dma_start3A_144, %dma_start3A_145] : memref<10000x128xf32, #tpu.memory_space<hbm>> -> memref<10000x128xf32, #tpu.memory_space<hbm>>
        tpu.enqueue_indirect_dma source(%dma_start3A_146 : memref<10000x128xf32, #tpu.memory_space<hbm>>) target(%arg17 : memref<128x128xf32, #tpu.memory_space<vmem>>) offsets(%arg11 : memref<128xi32, #tpu.memory_space<vmem>>) semaphore(%arg24 : memref<!tpu.dma_semaphore, #tpu.memory_space<semaphore_mem>>)
      } else {
      }
      %dma_wait3A_107 = arith.constant 0 : i32
      %dma_wait3A_108 = arith.constant 0 : i32
      %dma_wait3A_109 = tpu.memref_slice %arg2[%dma_wait3A_107, %dma_wait3A_108] : memref<10000x128xf32, #tpu.memory_space<hbm>> -> memref<10000x128xf32, #tpu.memory_space<hbm>>
      tpu.wait_indirect_dma semaphore(%arg23 : memref<!tpu.dma_semaphore, #tpu.memory_space<semaphore_mem>>) src(%dma_wait3A_109 : memref<10000x128xf32, #tpu.memory_space<hbm>>) dst(%arg16 : memref<128x128xf32, #tpu.memory_space<vmem>>)
      "tpu.region"() ({
        %run_scoped3A = tpu.sem_alloc : memref<!tpu.dma_semaphore, #tpu.memory_space<semaphore_mem>>
        %dma_start3A_132 = arith.constant 0 : i32
        %dma_start3A_133 = arith.constant 0 : i32
        %dma_start3A_134 = tpu.memref_slice %arg18[%dma_start3A_132, %dma_start3A_133] : memref<10128x128xf32, #tpu.memory_space<vmem_shared>> -> memref<10128x128xf32, #tpu.memory_space<vmem_shared>>
        tpu.enqueue_indirect_dma source(%arg16 : memref<128x128xf32, #tpu.memory_space<vmem>>) target(%dma_start3A_134 : memref<10128x128xf32, #tpu.memory_space<vmem_shared>>) offsets(%arg14 : memref<128xi32, #tpu.memory_space<vmem>>) semaphore(%run_scoped3A : memref<!tpu.dma_semaphore, #tpu.memory_space<semaphore_mem>>) {add = true}
        %dma_wait3A_135 = arith.constant 0 : i32
        %dma_wait3A_136 = arith.constant 0 : i32
        %dma_wait3A_137 = tpu.memref_slice %arg18[%dma_wait3A_135, %dma_wait3A_136] : memref<10128x128xf32, #tpu.memory_space<vmem_shared>> -> memref<10128x128xf32, #tpu.memory_space<vmem_shared>>
        tpu.wait_indirect_dma semaphore(%run_scoped3A : memref<!tpu.dma_semaphore, #tpu.memory_space<semaphore_mem>>) src(%arg16 : memref<128x128xf32, #tpu.memory_space<vmem>>) dst(%dma_wait3A_137 : memref<10128x128xf32, #tpu.memory_space<vmem_shared>>)
        tpu.yield
      }) : () -> ()
      %lt3A_110 = arith.constant 76 : i32
      %lt3A_111 = arith.cmpi slt, %add3A_101, %lt3A_110 : i32
      %convert_element_type3A_112 = arith.extui %lt3A_111 : i1 to i32
      %cond3A_113 = arith.constant 0 : i32
      %cond3A_114 = arith.cmpi ne, %convert_element_type3A_112, %cond3A_113 : i32
      scf.if %cond3A_114 {
        %add3A_132 = arith.constant 4 : i32
        %add3A_133 = arith.addi %add3A_101, %add3A_132 : i32
        %mul3A_134 = arith.constant 128 : i32
        %mul3A_135 = arith.muli %add3A_133, %mul3A_134 : i32
        %add3A_136 = arith.addi %mul3A_2, %mul3A_135 : i32
        %dma_start3A_137 = tpu.memref_slice %arg3[%add3A_136] : memref<327680xi32, #tpu.memory_space<hbm>> -> memref<128xi32, #tpu.memory_space<hbm>>
        %dma_start3A_138 = tpu.memref_slice %arg3[%add3A_136] : memref<327680xi32, #tpu.memory_space<hbm>> -> memref<128xi32, #tpu.memory_space<hbm>>
        tpu.enqueue_dma source(%dma_start3A_138 : memref<128xi32, #tpu.memory_space<hbm>>) target(%arg10 : memref<128xi32, #tpu.memory_space<vmem>>) target_semaphore(%arg21 : memref<!tpu.dma_semaphore, #tpu.memory_space<semaphore_mem>>)
        %mul3A_139 = arith.constant 128 : i32
        %mul3A_140 = arith.muli %add3A_133, %mul3A_139 : i32
        %add3A_141 = arith.addi %mul3A_2, %mul3A_140 : i32
        %dma_start3A_142 = tpu.memref_slice %arg4[%add3A_141] : memref<327680xi32, #tpu.memory_space<hbm>> -> memref<128xi32, #tpu.memory_space<hbm>>
        %dma_start3A_143 = tpu.memref_slice %arg4[%add3A_141] : memref<327680xi32, #tpu.memory_space<hbm>> -> memref<128xi32, #tpu.memory_space<hbm>>
        tpu.enqueue_dma source(%dma_start3A_143 : memref<128xi32, #tpu.memory_space<hbm>>) target(%arg14 : memref<128xi32, #tpu.memory_space<vmem>>) target_semaphore(%arg21 : memref<!tpu.dma_semaphore, #tpu.memory_space<semaphore_mem>>)
      } else {
      }
      %mul3A_115 = arith.constant 4 : i32
      %mul3A_116 = arith.muli %mul3A_115, %scan3A_64 : i32
      %add3A_117 = arith.constant 3 : i32
      %add3A_118 = arith.addi %mul3A_116, %add3A_117 : i32
      %lt3A_119 = arith.constant 79 : i32
      %lt3A_120 = arith.cmpi slt, %add3A_118, %lt3A_119 : i32
      %convert_element_type3A_121 = arith.extui %lt3A_120 : i1 to i32
      %cond3A_122 = arith.constant 0 : i32
      %cond3A_123 = arith.cmpi ne, %convert_element_type3A_121, %cond3A_122 : i32
      scf.if %cond3A_123 {
        %add3A_132 = arith.constant 1 : i32
        %add3A_133 = arith.addi %add3A_118, %add3A_132 : i32
        %mul3A_134 = arith.constant 128 : i32
        %mul3A_135 = arith.muli %add3A_133, %mul3A_134 : i32
        %add3A_136 = arith.addi %mul3A_2, %mul3A_135 : i32
        %dma_wait3A_137 = tpu.memref_slice %arg3[%add3A_136] : memref<327680xi32, #tpu.memory_space<hbm>> -> memref<128xi32, #tpu.memory_space<hbm>>
        %dma_wait3A_138 = tpu.memref_slice %arg3[%add3A_136] : memref<327680xi32, #tpu.memory_space<hbm>> -> memref<128xi32, #tpu.memory_space<hbm>>
        tpu.wait_dma2 semaphore(%arg19 : memref<!tpu.dma_semaphore, #tpu.memory_space<semaphore_mem>>) src(%dma_wait3A_138 : memref<128xi32, #tpu.memory_space<hbm>>) dst(%arg8 : memref<128xi32, #tpu.memory_space<vmem>>)
        %mul3A_139 = arith.constant 128 : i32
        %mul3A_140 = arith.muli %add3A_133, %mul3A_139 : i32
        %add3A_141 = arith.addi %mul3A_2, %mul3A_140 : i32
        %dma_wait3A_142 = tpu.memref_slice %arg4[%add3A_141] : memref<327680xi32, #tpu.memory_space<hbm>> -> memref<128xi32, #tpu.memory_space<hbm>>
        %dma_wait3A_143 = tpu.memref_slice %arg4[%add3A_141] : memref<327680xi32, #tpu.memory_space<hbm>> -> memref<128xi32, #tpu.memory_space<hbm>>
        tpu.wait_dma2 semaphore(%arg19 : memref<!tpu.dma_semaphore, #tpu.memory_space<semaphore_mem>>) src(%dma_wait3A_143 : memref<128xi32, #tpu.memory_space<hbm>>) dst(%arg12 : memref<128xi32, #tpu.memory_space<vmem>>)
        %dma_start3A_144 = arith.constant 0 : i32
        %dma_start3A_145 = arith.constant 0 : i32
        %dma_start3A_146 = tpu.memref_slice %arg2[%dma_start3A_144, %dma_start3A_145] : memref<10000x128xf32, #tpu.memory_space<hbm>> -> memref<10000x128xf32, #tpu.memory_space<hbm>>
        tpu.enqueue_indirect_dma source(%dma_start3A_146 : memref<10000x128xf32, #tpu.memory_space<hbm>>) target(%arg16 : memref<128x128xf32, #tpu.memory_space<vmem>>) offsets(%arg8 : memref<128xi32, #tpu.memory_space<vmem>>) semaphore(%arg23 : memref<!tpu.dma_semaphore, #tpu.memory_space<semaphore_mem>>)
      } else {
      }
      %dma_wait3A_124 = arith.constant 0 : i32
      %dma_wait3A_125 = arith.constant 0 : i32
      %dma_wait3A_126 = tpu.memref_slice %arg2[%dma_wait3A_124, %dma_wait3A_125] : memref<10000x128xf32, #tpu.memory_space<hbm>> -> memref<10000x128xf32, #tpu.memory_space<hbm>>
      tpu.wait_indirect_dma semaphore(%arg24 : memref<!tpu.dma_semaphore, #tpu.memory_space<semaphore_mem>>) src(%dma_wait3A_126 : memref<10000x128xf32, #tpu.memory_space<hbm>>) dst(%arg17 : memref<128x128xf32, #tpu.memory_space<vmem>>)
      "tpu.region"() ({
        %run_scoped3A = tpu.sem_alloc : memref<!tpu.dma_semaphore, #tpu.memory_space<semaphore_mem>>
        %dma_start3A_132 = arith.constant 0 : i32
        %dma_start3A_133 = arith.constant 0 : i32
        %dma_start3A_134 = tpu.memref_slice %arg18[%dma_start3A_132, %dma_start3A_133] : memref<10128x128xf32, #tpu.memory_space<vmem_shared>> -> memref<10128x128xf32, #tpu.memory_space<vmem_shared>>
        tpu.enqueue_indirect_dma source(%arg17 : memref<128x128xf32, #tpu.memory_space<vmem>>) target(%dma_start3A_134 : memref<10128x128xf32, #tpu.memory_space<vmem_shared>>) offsets(%arg15 : memref<128xi32, #tpu.memory_space<vmem>>) semaphore(%run_scoped3A : memref<!tpu.dma_semaphore, #tpu.memory_space<semaphore_mem>>) {add = true}
        %dma_wait3A_135 = arith.constant 0 : i32
        %dma_wait3A_136 = arith.constant 0 : i32
        %dma_wait3A_137 = tpu.memref_slice %arg18[%dma_wait3A_135, %dma_wait3A_136] : memref<10128x128xf32, #tpu.memory_space<vmem_shared>> -> memref<10128x128xf32, #tpu.memory_space<vmem_shared>>
        tpu.wait_indirect_dma semaphore(%run_scoped3A : memref<!tpu.dma_semaphore, #tpu.memory_space<semaphore_mem>>) src(%arg17 : memref<128x128xf32, #tpu.memory_space<vmem>>) dst(%dma_wait3A_137 : memref<10128x128xf32, #tpu.memory_space<vmem_shared>>)
        tpu.yield
      }) : () -> ()
      %lt3A_127 = arith.constant 76 : i32
      %lt3A_128 = arith.cmpi slt, %add3A_118, %lt3A_127 : i32
      %convert_element_type3A_129 = arith.extui %lt3A_128 : i1 to i32
      %cond3A_130 = arith.constant 0 : i32
      %cond3A_131 = arith.cmpi ne, %convert_element_type3A_129, %cond3A_130 : i32
      scf.if %cond3A_131 {
        %add3A_132 = arith.constant 4 : i32
        %add3A_133 = arith.addi %add3A_118, %add3A_132 : i32
        %mul3A_134 = arith.constant 128 : i32
        %mul3A_135 = arith.muli %add3A_133, %mul3A_134 : i32
        %add3A_136 = arith.addi %mul3A_2, %mul3A_135 : i32
        %dma_start3A_137 = tpu.memref_slice %arg3[%add3A_136] : memref<327680xi32, #tpu.memory_space<hbm>> -> memref<128xi32, #tpu.memory_space<hbm>>
        %dma_start3A_138 = tpu.memref_slice %arg3[%add3A_136] : memref<327680xi32, #tpu.memory_space<hbm>> -> memref<128xi32, #tpu.memory_space<hbm>>
        tpu.enqueue_dma source(%dma_start3A_138 : memref<128xi32, #tpu.memory_space<hbm>>) target(%arg11 : memref<128xi32, #tpu.memory_space<vmem>>) target_semaphore(%arg22 : memref<!tpu.dma_semaphore, #tpu.memory_space<semaphore_mem>>)
        %mul3A_139 = arith.constant 128 : i32
        %mul3A_140 = arith.muli %add3A_133, %mul3A_139 : i32
        %add3A_141 = arith.addi %mul3A_2, %mul3A_140 : i32
        %dma_start3A_142 = tpu.memref_slice %arg4[%add3A_141] : memref<327680xi32, #tpu.memory_space<hbm>> -> memref<128xi32, #tpu.memory_space<hbm>>
        %dma_start3A_143 = tpu.memref_slice %arg4[%add3A_141] : memref<327680xi32, #tpu.memory_space<hbm>> -> memref<128xi32, #tpu.memory_space<hbm>>
        tpu.enqueue_dma source(%dma_start3A_143 : memref<128xi32, #tpu.memory_space<hbm>>) target(%arg15 : memref<128xi32, #tpu.memory_space<vmem>>) target_semaphore(%arg22 : memref<!tpu.dma_semaphore, #tpu.memory_space<semaphore_mem>>)
      } else {
      }
    }
    %scan3A_52 = arith.constant 20 : i32
    %barrier3A_53 = arith.constant 0 : index
    tpu.barrier barrier_id(%barrier3A_53)
    %eq3A_54 = arith.constant 0 : i32
    %eq3A_55 = arith.cmpi eq, %arg0, %eq3A_54 : i32
    %convert_element_type3A_56 = arith.extui %eq3A_55 : i1 to i32
    %cond3A_57 = arith.constant 0 : i32
    %cond3A_58 = arith.cmpi ne, %convert_element_type3A_56, %cond3A_57 : i32
    scf.if %cond3A_58 {
      "tpu.region"() ({
        %run_scoped3A = tpu.sem_alloc : memref<!tpu.dma_semaphore, #tpu.memory_space<semaphore_mem>>
        %dma_start3A_69 = arith.constant 0 : i32
        %dma_start3A_70 = tpu.memref_slice %arg6[%mul3A_35, %dma_start3A_69] : memref<10000x128xf32, #tpu.memory_space<hbm>> -> memref<624x128xf32, #tpu.memory_space<hbm>>
        %dma_start3A_71 = arith.constant 0 : i32
        %dma_start3A_72 = tpu.memref_slice %arg18[%mul3A_35, %dma_start3A_71] : memref<10128x128xf32, #tpu.memory_space<vmem_shared>> -> memref<624x128xf32, #tpu.memory_space<vmem_shared>>
        tpu.enqueue_dma source(%dma_start3A_72 : memref<624x128xf32, #tpu.memory_space<vmem_shared>>) target(%dma_start3A_70 : memref<624x128xf32, #tpu.memory_space<hbm>>) target_semaphore(%run_scoped3A : memref<!tpu.dma_semaphore, #tpu.memory_space<semaphore_mem>>)
        %dma_wait3A_73 = arith.constant 0 : i32
        %dma_wait3A_74 = tpu.memref_slice %arg6[%mul3A_35, %dma_wait3A_73] : memref<10000x128xf32, #tpu.memory_space<hbm>> -> memref<624x128xf32, #tpu.memory_space<hbm>>
        %dma_wait3A_75 = arith.constant 0 : i32
        %dma_wait3A_76 = tpu.memref_slice %arg18[%mul3A_35, %dma_wait3A_75] : memref<10128x128xf32, #tpu.memory_space<vmem_shared>> -> memref<624x128xf32, #tpu.memory_space<vmem_shared>>
        tpu.wait_dma2 semaphore(%run_scoped3A : memref<!tpu.dma_semaphore, #tpu.memory_space<semaphore_mem>>) src(%dma_wait3A_76 : memref<624x128xf32, #tpu.memory_space<vmem_shared>>) dst(%dma_wait3A_74 : memref<624x128xf32, #tpu.memory_space<hbm>>)
        tpu.yield
      }) : () -> ()
      %eq3A_64 = arith.constant 15 : i32
      %eq3A_65 = arith.cmpi eq, %arg1, %eq3A_64 : i32
      %convert_element_type3A_66 = arith.extui %eq3A_65 : i1 to i32
      %cond3A_67 = arith.constant 0 : i32
      %cond3A_68 = arith.cmpi ne, %convert_element_type3A_66, %cond3A_67 : i32
      scf.if %cond3A_68 {
        "tpu.region"() ({
          %run_scoped3A = tpu.sem_alloc : memref<!tpu.dma_semaphore, #tpu.memory_space<semaphore_mem>>
          %dma_start3A_69 = arith.constant 9984 : i32
          %dma_start3A_70 = arith.constant 0 : i32
          %dma_start3A_71 = tpu.memref_slice %arg6[%dma_start3A_69, %dma_start3A_70] : memref<10000x128xf32, #tpu.memory_space<hbm>> -> memref<16x128xf32, #tpu.memory_space<hbm>>
          %dma_start3A_72 = arith.constant 9984 : i32
          %dma_start3A_73 = arith.constant 0 : i32
          %dma_start3A_74 = tpu.memref_slice %arg18[%dma_start3A_72, %dma_start3A_73] : memref<10128x128xf32, #tpu.memory_space<vmem_shared>> -> memref<16x128xf32, #tpu.memory_space<vmem_shared>>
          tpu.enqueue_dma source(%dma_start3A_74 : memref<16x128xf32, #tpu.memory_space<vmem_shared>>) target(%dma_start3A_71 : memref<16x128xf32, #tpu.memory_space<hbm>>) target_semaphore(%run_scoped3A : memref<!tpu.dma_semaphore, #tpu.memory_space<semaphore_mem>>)
          %dma_wait3A_75 = arith.constant 9984 : i32
          %dma_wait3A_76 = arith.constant 0 : i32
          %dma_wait3A_77 = tpu.memref_slice %arg6[%dma_wait3A_75, %dma_wait3A_76] : memref<10000x128xf32, #tpu.memory_space<hbm>> -> memref<16x128xf32, #tpu.memory_space<hbm>>
          %dma_wait3A_78 = arith.constant 9984 : i32
          %dma_wait3A_79 = arith.constant 0 : i32
          %dma_wait3A_80 = tpu.memref_slice %arg18[%dma_wait3A_78, %dma_wait3A_79] : memref<10128x128xf32, #tpu.memory_space<vmem_shared>> -> memref<16x128xf32, #tpu.memory_space<vmem_shared>>
          tpu.wait_dma2 semaphore(%run_scoped3A : memref<!tpu.dma_semaphore, #tpu.memory_space<semaphore_mem>>) src(%dma_wait3A_80 : memref<16x128xf32, #tpu.memory_space<vmem_shared>>) dst(%dma_wait3A_77 : memref<16x128xf32, #tpu.memory_space<hbm>>)
          tpu.yield
        }) : () -> ()
      } else {
      }
    } else {
    }
    %eq3A_59 = arith.constant 1 : i32
    %eq3A_60 = arith.cmpi eq, %arg0, %eq3A_59 : i32
    %convert_element_type3A_61 = arith.extui %eq3A_60 : i1 to i32
    %cond3A_62 = arith.constant 0 : i32
    %cond3A_63 = arith.cmpi ne, %convert_element_type3A_61, %cond3A_62 : i32
    scf.if %cond3A_63 {
      "tpu.region"() ({
        %run_scoped3A = tpu.sem_alloc : memref<!tpu.dma_semaphore, #tpu.memory_space<semaphore_mem>>
        %dma_start3A_69 = arith.constant 0 : i32
        %dma_start3A_70 = tpu.memref_slice %arg7[%mul3A_35, %dma_start3A_69] : memref<10000x128xf32, #tpu.memory_space<hbm>> -> memref<624x128xf32, #tpu.memory_space<hbm>>
        %dma_start3A_71 = arith.constant 0 : i32
        %dma_start3A_72 = tpu.memref_slice %arg18[%mul3A_35, %dma_start3A_71] : memref<10128x128xf32, #tpu.memory_space<vmem_shared>> -> memref<624x128xf32, #tpu.memory_space<vmem_shared>>
        tpu.enqueue_dma source(%dma_start3A_72 : memref<624x128xf32, #tpu.memory_space<vmem_shared>>) target(%dma_start3A_70 : memref<624x128xf32, #tpu.memory_space<hbm>>) target_semaphore(%run_scoped3A : memref<!tpu.dma_semaphore, #tpu.memory_space<semaphore_mem>>)
        %dma_wait3A_73 = arith.constant 0 : i32
        %dma_wait3A_74 = tpu.memref_slice %arg7[%mul3A_35, %dma_wait3A_73] : memref<10000x128xf32, #tpu.memory_space<hbm>> -> memref<624x128xf32, #tpu.memory_space<hbm>>
        %dma_wait3A_75 = arith.constant 0 : i32
        %dma_wait3A_76 = tpu.memref_slice %arg18[%mul3A_35, %dma_wait3A_75] : memref<10128x128xf32, #tpu.memory_space<vmem_shared>> -> memref<624x128xf32, #tpu.memory_space<vmem_shared>>
        tpu.wait_dma2 semaphore(%run_scoped3A : memref<!tpu.dma_semaphore, #tpu.memory_space<semaphore_mem>>) src(%dma_wait3A_76 : memref<624x128xf32, #tpu.memory_space<vmem_shared>>) dst(%dma_wait3A_74 : memref<624x128xf32, #tpu.memory_space<hbm>>)
        tpu.yield
      }) : () -> ()
      %eq3A_64 = arith.constant 15 : i32
      %eq3A_65 = arith.cmpi eq, %arg1, %eq3A_64 : i32
      %convert_element_type3A_66 = arith.extui %eq3A_65 : i1 to i32
      %cond3A_67 = arith.constant 0 : i32
      %cond3A_68 = arith.cmpi ne, %convert_element_type3A_66, %cond3A_67 : i32
      scf.if %cond3A_68 {
        "tpu.region"() ({
          %run_scoped3A = tpu.sem_alloc : memref<!tpu.dma_semaphore, #tpu.memory_space<semaphore_mem>>
          %dma_start3A_69 = arith.constant 9984 : i32
          %dma_start3A_70 = arith.constant 0 : i32
          %dma_start3A_71 = tpu.memref_slice %arg7[%dma_start3A_69, %dma_start3A_70] : memref<10000x128xf32, #tpu.memory_space<hbm>> -> memref<16x128xf32, #tpu.memory_space<hbm>>
          %dma_start3A_72 = arith.constant 9984 : i32
          %dma_start3A_73 = arith.constant 0 : i32
          %dma_start3A_74 = tpu.memref_slice %arg18[%dma_start3A_72, %dma_start3A_73] : memref<10128x128xf32, #tpu.memory_space<vmem_shared>> -> memref<16x128xf32, #tpu.memory_space<vmem_shared>>
          tpu.enqueue_dma source(%dma_start3A_74 : memref<16x128xf32, #tpu.memory_space<vmem_shared>>) target(%dma_start3A_71 : memref<16x128xf32, #tpu.memory_space<hbm>>) target_semaphore(%run_scoped3A : memref<!tpu.dma_semaphore, #tpu.memory_space<semaphore_mem>>)
          %dma_wait3A_75 = arith.constant 9984 : i32
          %dma_wait3A_76 = arith.constant 0 : i32
          %dma_wait3A_77 = tpu.memref_slice %arg7[%dma_wait3A_75, %dma_wait3A_76] : memref<10000x128xf32, #tpu.memory_space<hbm>> -> memref<16x128xf32, #tpu.memory_space<hbm>>
          %dma_wait3A_78 = arith.constant 9984 : i32
          %dma_wait3A_79 = arith.constant 0 : i32
          %dma_wait3A_80 = tpu.memref_slice %arg18[%dma_wait3A_78, %dma_wait3A_79] : memref<10128x128xf32, #tpu.memory_space<vmem_shared>> -> memref<16x128xf32, #tpu.memory_space<vmem_shared>>
          tpu.wait_dma2 semaphore(%run_scoped3A : memref<!tpu.dma_semaphore, #tpu.memory_space<semaphore_mem>>) src(%dma_wait3A_80 : memref<16x128xf32, #tpu.memory_space<vmem_shared>>) dst(%dma_wait3A_77 : memref<16x128xf32, #tpu.memory_space<hbm>>)
          tpu.yield
        }) : () -> ()
      } else {
      }
    } else {
    }
    return
  }
}

#map = affine_map<(d0, d1) -> (0, 0)>
#map1 = affine_map<(d0, d1) -> (0)>
module attributes {stable_mosaic.version = 14 : i64} {
  func.func @k(%arg0: i32, %arg1: i32, %arg2: memref<10000x128xf32, #tpu.memory_space<hbm>>, %arg3: memref<327680xi32, #tpu.memory_space<hbm>>, %arg4: memref<327680xi32, #tpu.memory_space<hbm>>, %arg5: memref<624x128xf32, #tpu.memory_space<hbm>>, %arg6: memref<10000x128xf32, #tpu.memory_space<hbm>>, %arg7: memref<10000x128xf32, #tpu.memory_space<hbm>>, %arg8: memref<128xi32, #tpu.memory_space<vmem>>, %arg9: memref<128xi32, #tpu.memory_space<vmem>>, %arg10: memref<128xi32, #tpu.memory_space<vmem>>, %arg11: memref<128xi32, #tpu.memory_space<vmem>>, %arg12: memref<128xi32, #tpu.memory_space<vmem>>, %arg13: memref<128xi32, #tpu.memory_space<vmem>>, %arg14: memref<128xi32, #tpu.memory_space<vmem>>, %arg15: memref<128xi32, #tpu.memory_space<vmem>>, %arg16: memref<128x128xf32, #tpu.memory_space<vmem>>, %arg17: memref<128x128xf32, #tpu.memory_space<vmem>>, %arg18: memref<10128x128xf32, #tpu.memory_space<vmem_shared>>, %arg19: memref<!tpu.dma_semaphore, #tpu.memory_space<semaphore_mem>>, %arg20: memref<!tpu.dma_semaphore, #tpu.memory_space<semaphore_mem>>, %arg21: memref<!tpu.dma_semaphore, #tpu.memory_space<semaphore_mem>>, %arg22: memref<!tpu.dma_semaphore, #tpu.memory_space<semaphore_mem>>, %arg23: memref<!tpu.dma_semaphore, #tpu.memory_space<semaphore_mem>>, %arg24: memref<!tpu.dma_semaphore, #tpu.memory_space<semaphore_mem>>) attributes {dimension_semantics = [#tpu.dimension_semantics<core_parallel>, #tpu.dimension_semantics<subcore_parallel>], iteration_bounds = array<i64: 2, 16>, scalar_prefetch = 0 : i64, scratch_operands = 17 : i64, tpu.core_type = #tpu.core_type<sc_vector_subcore>, window_params = [{transform_indices = #map}, {transform_indices = #map1}, {transform_indices = #map1}, {transform_indices = #map}, {transform_indices = #map}, {transform_indices = #map}]} {
    %mul3A = arith.constant 2 : i32
    %mul3A_0 = arith.muli %arg1, %mul3A : i32
    %add3A = arith.addi %mul3A_0, %arg0 : i32
    %mul3A_1 = arith.constant 10240 : i32
    %mul3A_2 = arith.muli %add3A, %mul3A_1 : i32
    %add3A_3 = arith.constant 0 : i32
    %add3A_4 = arith.addi %mul3A_2, %add3A_3 : i32
    %dma_start3A = tpu.memref_slice %arg3[%add3A_4] : memref<327680xi32, #tpu.memory_space<hbm>> -> memref<128xi32, #tpu.memory_space<hbm>>
    %dma_start3A_5 = tpu.memref_slice %arg3[%add3A_4] : memref<327680xi32, #tpu.memory_space<hbm>> -> memref<128xi32, #tpu.memory_space<hbm>>
    tpu.enqueue_dma source(%dma_start3A_5 : memref<128xi32, #tpu.memory_space<hbm>>) target(%arg8 : memref<128xi32, #tpu.memory_space<vmem>>) target_semaphore(%arg19 : memref<!tpu.dma_semaphore, #tpu.memory_space<semaphore_mem>>)
    %add3A_6 = arith.constant 0 : i32
    %add3A_7 = arith.addi %mul3A_2, %add3A_6 : i32
    %dma_start3A_8 = tpu.memref_slice %arg4[%add3A_7] : memref<327680xi32, #tpu.memory_space<hbm>> -> memref<128xi32, #tpu.memory_space<hbm>>
    %dma_start3A_9 = tpu.memref_slice %arg4[%add3A_7] : memref<327680xi32, #tpu.memory_space<hbm>> -> memref<128xi32, #tpu.memory_space<hbm>>
    tpu.enqueue_dma source(%dma_start3A_9 : memref<128xi32, #tpu.memory_space<hbm>>) target(%arg12 : memref<128xi32, #tpu.memory_space<vmem>>) target_semaphore(%arg19 : memref<!tpu.dma_semaphore, #tpu.memory_space<semaphore_mem>>)
    %add3A_10 = arith.constant 128 : i32
    %add3A_11 = arith.addi %mul3A_2, %add3A_10 : i32
    %dma_start3A_12 = tpu.memref_slice %arg3[%add3A_11] : memref<327680xi32, #tpu.memory_space<hbm>> -> memref<128xi32, #tpu.memory_space<hbm>>
    %dma_start3A_13 = tpu.memref_slice %arg3[%add3A_11] : memref<327680xi32, #tpu.memory_space<hbm>> -> memref<128xi32, #tpu.memory_space<hbm>>
    tpu.enqueue_dma source(%dma_start3A_13 : memref<128xi32, #tpu.memory_space<hbm>>) target(%arg9 : memref<128xi32, #tpu.memory_space<vmem>>) target_semaphore(%arg20 : memref<!tpu.dma_semaphore, #tpu.memory_space<semaphore_mem>>)
    %add3A_14 = arith.constant 128 : i32
    %add3A_15 = arith.addi %mul3A_2, %add3A_14 : i32
    %dma_start3A_16 = tpu.memref_slice %arg4[%add3A_15] : memref<327680xi32, #tpu.memory_space<hbm>> -> memref<128xi32, #tpu.memory_space<hbm>>
    %dma_start3A_17 = tpu.memref_slice %arg4[%add3A_15] : memref<327680xi32, #tpu.memory_space<hbm>> -> memref<128xi32, #tpu.memory_space<hbm>>
    tpu.enqueue_dma source(%dma_start3A_17 : memref<128xi32, #tpu.memory_space<hbm>>) target(%arg13 : memref<128xi32, #tpu.memory_space<vmem>>) target_semaphore(%arg20 : memref<!tpu.dma_semaphore, #tpu.memory_space<semaphore_mem>>)
    %add3A_18 = arith.constant 256 : i32
    %add3A_19 = arith.addi %mul3A_2, %add3A_18 : i32
    %dma_start3A_20 = tpu.memref_slice %arg3[%add3A_19] : memref<327680xi32, #tpu.memory_space<hbm>> -> memref<128xi32, #tpu.memory_space<hbm>>
    %dma_start3A_21 = tpu.memref_slice %arg3[%add3A_19] : memref<327680xi32, #tpu.memory_space<hbm>> -> memref<128xi32, #tpu.memory_space<hbm>>
    tpu.enqueue_dma source(%dma_start3A_21 : memref<128xi32, #tpu.memory_space<hbm>>) target(%arg10 : memref<128xi32, #tpu.memory_space<vmem>>) target_semaphore(%arg21 : memref<!tpu.dma_semaphore, #tpu.memory_space<semaphore_mem>>)
    %add3A_22 = arith.constant 256 : i32
    %add3A_23 = arith.addi %mul3A_2, %add3A_22 : i32
    %dma_start3A_24 = tpu.memref_slice %arg4[%add3A_23] : memref<327680xi32, #tpu.memory_space<hbm>> -> memref<128xi32, #tpu.memory_space<hbm>>
    %dma_start3A_25 = tpu.memref_slice %arg4[%add3A_23] : memref<327680xi32, #tpu.memory_space<hbm>> -> memref<128xi32, #tpu.memory_space<hbm>>
    tpu.enqueue_dma source(%dma_start3A_25 : memref<128xi32, #tpu.memory_space<hbm>>) target(%arg14 : memref<128xi32, #tpu.memory_space<vmem>>) target_semaphore(%arg21 : memref<!tpu.dma_semaphore, #tpu.memory_space<semaphore_mem>>)
    %add3A_26 = arith.constant 384 : i32
    %add3A_27 = arith.addi %mul3A_2, %add3A_26 : i32
    %dma_start3A_28 = tpu.memref_slice %arg3[%add3A_27] : memref<327680xi32, #tpu.memory_space<hbm>> -> memref<128xi32, #tpu.memory_space<hbm>>
    %dma_start3A_29 = tpu.memref_slice %arg3[%add3A_27] : memref<327680xi32, #tpu.memory_space<hbm>> -> memref<128xi32, #tpu.memory_space<hbm>>
    tpu.enqueue_dma source(%dma_start3A_29 : memref<128xi32, #tpu.memory_space<hbm>>) target(%arg11 : memref<128xi32, #tpu.memory_space<vmem>>) target_semaphore(%arg22 : memref<!tpu.dma_semaphore, #tpu.memory_space<semaphore_mem>>)
    %add3A_30 = arith.constant 384 : i32
    %add3A_31 = arith.addi %mul3A_2, %add3A_30 : i32
    %dma_start3A_32 = tpu.memref_slice %arg4[%add3A_31] : memref<327680xi32, #tpu.memory_space<hbm>> -> memref<128xi32, #tpu.memory_space<hbm>>
    %dma_start3A_33 = tpu.memref_slice %arg4[%add3A_31] : memref<327680xi32, #tpu.memory_space<hbm>> -> memref<128xi32, #tpu.memory_space<hbm>>
    tpu.enqueue_dma source(%dma_start3A_33 : memref<128xi32, #tpu.memory_space<hbm>>) target(%arg15 : memref<128xi32, #tpu.memory_space<vmem>>) target_semaphore(%arg22 : memref<!tpu.dma_semaphore, #tpu.memory_space<semaphore_mem>>)
    %mul3A_34 = arith.constant 624 : i32
    %mul3A_35 = arith.muli %arg1, %mul3A_34 : i32
    "tpu.region"() ({
      %run_scoped3A = tpu.sem_alloc : memref<!tpu.dma_semaphore, #tpu.memory_space<semaphore_mem>>
      %dma_start3A_64 = arith.constant 0 : i32
      %dma_start3A_65 = tpu.memref_slice %arg18[%mul3A_35, %dma_start3A_64] : memref<10128x128xf32, #tpu.memory_space<vmem_shared>> -> memref<624x128xf32, #tpu.memory_space<vmem_shared>>
      tpu.enqueue_dma source(%arg5 : memref<624x128xf32, #tpu.memory_space<hbm>>) target(%dma_start3A_65 : memref<624x128xf32, #tpu.memory_space<vmem_shared>>) target_semaphore(%run_scoped3A : memref<!tpu.dma_semaphore, #tpu.memory_space<semaphore_mem>>)
      %dma_wait3A_66 = arith.constant 0 : i32
      %dma_wait3A_67 = tpu.memref_slice %arg18[%mul3A_35, %dma_wait3A_66] : memref<10128x128xf32, #tpu.memory_space<vmem_shared>> -> memref<624x128xf32, #tpu.memory_space<vmem_shared>>
      tpu.wait_dma2 semaphore(%run_scoped3A : memref<!tpu.dma_semaphore, #tpu.memory_space<semaphore_mem>>) src(%arg5 : memref<624x128xf32, #tpu.memory_space<hbm>>) dst(%dma_wait3A_67 : memref<624x128xf32, #tpu.memory_space<vmem_shared>>)
      tpu.yield
    }) : () -> ()
    %eq3A = arith.constant 15 : i32
    %eq3A_36 = arith.cmpi eq, %arg1, %eq3A : i32
    %convert_element_type3A = arith.extui %eq3A_36 : i1 to i32
    %cond3A = arith.constant 0 : i32
    %cond3A_37 = arith.cmpi ne, %convert_element_type3A, %cond3A : i32
    scf.if %cond3A_37 {
      "tpu.region"() ({
        %run_scoped3A = tpu.sem_alloc : memref<!tpu.dma_semaphore, #tpu.memory_space<semaphore_mem>>
        %dma_start3A_64 = arith.constant 9984 : i32
        %dma_start3A_65 = arith.constant 0 : i32
        %dma_start3A_66 = tpu.memref_slice %arg18[%dma_start3A_64, %dma_start3A_65] : memref<10128x128xf32, #tpu.memory_space<vmem_shared>> -> memref<16x128xf32, #tpu.memory_space<vmem_shared>>
        %dma_start3A_67 = arith.constant 0 : i32
        %dma_start3A_68 = arith.constant 0 : i32
        %dma_start3A_69 = tpu.memref_slice %arg5[%dma_start3A_67, %dma_start3A_68] : memref<624x128xf32, #tpu.memory_space<hbm>> -> memref<16x128xf32, #tpu.memory_space<hbm>>
        tpu.enqueue_dma source(%dma_start3A_69 : memref<16x128xf32, #tpu.memory_space<hbm>>) target(%dma_start3A_66 : memref<16x128xf32, #tpu.memory_space<vmem_shared>>) target_semaphore(%run_scoped3A : memref<!tpu.dma_semaphore, #tpu.memory_space<semaphore_mem>>)
        %dma_wait3A_70 = arith.constant 9984 : i32
        %dma_wait3A_71 = arith.constant 0 : i32
        %dma_wait3A_72 = tpu.memref_slice %arg18[%dma_wait3A_70, %dma_wait3A_71] : memref<10128x128xf32, #tpu.memory_space<vmem_shared>> -> memref<16x128xf32, #tpu.memory_space<vmem_shared>>
        %dma_wait3A_73 = arith.constant 0 : i32
        %dma_wait3A_74 = arith.constant 0 : i32
        %dma_wait3A_75 = tpu.memref_slice %arg5[%dma_wait3A_73, %dma_wait3A_74] : memref<624x128xf32, #tpu.memory_space<hbm>> -> memref<16x128xf32, #tpu.memory_space<hbm>>
        tpu.wait_dma2 semaphore(%run_scoped3A : memref<!tpu.dma_semaphore, #tpu.memory_space<semaphore_mem>>) src(%dma_wait3A_75 : memref<16x128xf32, #tpu.memory_space<hbm>>) dst(%dma_wait3A_72 : memref<16x128xf32, #tpu.memory_space<vmem_shared>>)
        tpu.yield
      }) : () -> ()
    } else {
    }
    %add3A_38 = arith.constant 0 : i32
    %add3A_39 = arith.addi %mul3A_2, %add3A_38 : i32
    %dma_wait3A = tpu.memref_slice %arg3[%add3A_39] : memref<327680xi32, #tpu.memory_space<hbm>> -> memref<128xi32, #tpu.memory_space<hbm>>
    %dma_wait3A_40 = tpu.memref_slice %arg3[%add3A_39] : memref<327680xi32, #tpu.memory_space<hbm>> -> memref<128xi32, #tpu.memory_space<hbm>>
    tpu.wait_dma2 semaphore(%arg19 : memref<!tpu.dma_semaphore, #tpu.memory_space<semaphore_mem>>) src(%dma_wait3A_40 : memref<128xi32, #tpu.memory_space<hbm>>) dst(%arg8 : memref<128xi32, #tpu.memory_space<vmem>>)
    %add3A_41 = arith.constant 0 : i32
    %add3A_42 = arith.addi %mul3A_2, %add3A_41 : i32
    %dma_wait3A_43 = tpu.memref_slice %arg4[%add3A_42] : memref<327680xi32, #tpu.memory_space<hbm>> -> memref<128xi32, #tpu.memory_space<hbm>>
    %dma_wait3A_44 = tpu.memref_slice %arg4[%add3A_42] : memref<327680xi32, #tpu.memory_space<hbm>> -> memref<128xi32, #tpu.memory_space<hbm>>
    tpu.wait_dma2 semaphore(%arg19 : memref<!tpu.dma_semaphore, #tpu.memory_space<semaphore_mem>>) src(%dma_wait3A_44 : memref<128xi32, #tpu.memory_space<hbm>>) dst(%arg12 : memref<128xi32, #tpu.memory_space<vmem>>)
    %dma_start3A_45 = arith.constant 0 : i32
    %dma_start3A_46 = arith.constant 0 : i32
    %dma_start3A_47 = tpu.memref_slice %arg2[%dma_start3A_45, %dma_start3A_46] : memref<10000x128xf32, #tpu.memory_space<hbm>> -> memref<10000x128xf32, #tpu.memory_space<hbm>>
    tpu.enqueue_indirect_dma source(%dma_start3A_47 : memref<10000x128xf32, #tpu.memory_space<hbm>>) target(%arg16 : memref<128x128xf32, #tpu.memory_space<vmem>>) offsets(%arg8 : memref<128xi32, #tpu.memory_space<vmem>>) semaphore(%arg23 : memref<!tpu.dma_semaphore, #tpu.memory_space<semaphore_mem>>)
    %barrier3A = arith.constant 0 : index
    tpu.barrier barrier_id(%barrier3A)
    %scan3A = arith.constant 0 : i32
    %scan3A_48 = arith.constant 0 : i32
    %scan3A_49 = arith.constant 20 : i32
    %scan3A_50 = arith.addi %scan3A_48, %scan3A_49 : i32
    %scan3A_51 = arith.constant 1 : i32
    scf.for %scan3A_64 = %scan3A_48 to %scan3A_50 step %scan3A_51  : i32 {
      %mul3A_65 = arith.constant 4 : i32
      %mul3A_66 = arith.muli %mul3A_65, %scan3A_64 : i32
      %add3A_67 = arith.constant 0 : i32
      %add3A_68 = arith.addi %mul3A_66, %add3A_67 : i32
      %lt3A = arith.constant 79 : i32
      %lt3A_69 = arith.cmpi slt, %add3A_68, %lt3A : i32
      %convert_element_type3A_70 = arith.extui %lt3A_69 : i1 to i32
      %cond3A_71 = arith.constant 0 : i32
      %cond3A_72 = arith.cmpi ne, %convert_element_type3A_70, %cond3A_71 : i32
      scf.if %cond3A_72 {
        %add3A_132 = arith.constant 1 : i32
        %add3A_133 = arith.addi %add3A_68, %add3A_132 : i32
        %mul3A_134 = arith.constant 128 : i32
        %mul3A_135 = arith.muli %add3A_133, %mul3A_134 : i32
        %add3A_136 = arith.addi %mul3A_2, %mul3A_135 : i32
        %dma_wait3A_137 = tpu.memref_slice %arg3[%add3A_136] : memref<327680xi32, #tpu.memory_space<hbm>> -> memref<128xi32, #tpu.memory_space<hbm>>
        %dma_wait3A_138 = tpu.memref_slice %arg3[%add3A_136] : memref<327680xi32, #tpu.memory_space<hbm>> -> memref<128xi32, #tpu.memory_space<hbm>>
        tpu.wait_dma2 semaphore(%arg20 : memref<!tpu.dma_semaphore, #tpu.memory_space<semaphore_mem>>) src(%dma_wait3A_138 : memref<128xi32, #tpu.memory_space<hbm>>) dst(%arg9 : memref<128xi32, #tpu.memory_space<vmem>>)
        %mul3A_139 = arith.constant 128 : i32
        %mul3A_140 = arith.muli %add3A_133, %mul3A_139 : i32
        %add3A_141 = arith.addi %mul3A_2, %mul3A_140 : i32
        %dma_wait3A_142 = tpu.memref_slice %arg4[%add3A_141] : memref<327680xi32, #tpu.memory_space<hbm>> -> memref<128xi32, #tpu.memory_space<hbm>>
        %dma_wait3A_143 = tpu.memref_slice %arg4[%add3A_141] : memref<327680xi32, #tpu.memory_space<hbm>> -> memref<128xi32, #tpu.memory_space<hbm>>
        tpu.wait_dma2 semaphore(%arg20 : memref<!tpu.dma_semaphore, #tpu.memory_space<semaphore_mem>>) src(%dma_wait3A_143 : memref<128xi32, #tpu.memory_space<hbm>>) dst(%arg13 : memref<128xi32, #tpu.memory_space<vmem>>)
        %dma_start3A_144 = arith.constant 0 : i32
        %dma_start3A_145 = arith.constant 0 : i32
        %dma_start3A_146 = tpu.memref_slice %arg2[%dma_start3A_144, %dma_start3A_145] : memref<10000x128xf32, #tpu.memory_space<hbm>> -> memref<10000x128xf32, #tpu.memory_space<hbm>>
        tpu.enqueue_indirect_dma source(%dma_start3A_146 : memref<10000x128xf32, #tpu.memory_space<hbm>>) target(%arg17 : memref<128x128xf32, #tpu.memory_space<vmem>>) offsets(%arg9 : memref<128xi32, #tpu.memory_space<vmem>>) semaphore(%arg24 : memref<!tpu.dma_semaphore, #tpu.memory_space<semaphore_mem>>)
      } else {
      }
      %dma_wait3A_73 = arith.constant 0 : i32
      %dma_wait3A_74 = arith.constant 0 : i32
      %dma_wait3A_75 = tpu.memref_slice %arg2[%dma_wait3A_73, %dma_wait3A_74] : memref<10000x128xf32, #tpu.memory_space<hbm>> -> memref<10000x128xf32, #tpu.memory_space<hbm>>
      tpu.wait_indirect_dma semaphore(%arg23 : memref<!tpu.dma_semaphore, #tpu.memory_space<semaphore_mem>>) src(%dma_wait3A_75 : memref<10000x128xf32, #tpu.memory_space<hbm>>) dst(%arg16 : memref<128x128xf32, #tpu.memory_space<vmem>>)
      "tpu.region"() ({
        %run_scoped3A = tpu.sem_alloc : memref<!tpu.dma_semaphore, #tpu.memory_space<semaphore_mem>>
        %dma_start3A_132 = arith.constant 0 : i32
        %dma_start3A_133 = arith.constant 0 : i32
        %dma_start3A_134 = tpu.memref_slice %arg18[%dma_start3A_132, %dma_start3A_133] : memref<10128x128xf32, #tpu.memory_space<vmem_shared>> -> memref<10128x128xf32, #tpu.memory_space<vmem_shared>>
        tpu.enqueue_indirect_dma source(%arg16 : memref<128x128xf32, #tpu.memory_space<vmem>>) target(%dma_start3A_134 : memref<10128x128xf32, #tpu.memory_space<vmem_shared>>) offsets(%arg12 : memref<128xi32, #tpu.memory_space<vmem>>) semaphore(%run_scoped3A : memref<!tpu.dma_semaphore, #tpu.memory_space<semaphore_mem>>) {add = true}
        %dma_wait3A_135 = arith.constant 0 : i32
        %dma_wait3A_136 = arith.constant 0 : i32
        %dma_wait3A_137 = tpu.memref_slice %arg18[%dma_wait3A_135, %dma_wait3A_136] : memref<10128x128xf32, #tpu.memory_space<vmem_shared>> -> memref<10128x128xf32, #tpu.memory_space<vmem_shared>>
        tpu.wait_indirect_dma semaphore(%run_scoped3A : memref<!tpu.dma_semaphore, #tpu.memory_space<semaphore_mem>>) src(%arg16 : memref<128x128xf32, #tpu.memory_space<vmem>>) dst(%dma_wait3A_137 : memref<10128x128xf32, #tpu.memory_space<vmem_shared>>)
        tpu.yield
      }) : () -> ()
      %lt3A_76 = arith.constant 76 : i32
      %lt3A_77 = arith.cmpi slt, %add3A_68, %lt3A_76 : i32
      %convert_element_type3A_78 = arith.extui %lt3A_77 : i1 to i32
      %cond3A_79 = arith.constant 0 : i32
      %cond3A_80 = arith.cmpi ne, %convert_element_type3A_78, %cond3A_79 : i32
      scf.if %cond3A_80 {
        %add3A_132 = arith.constant 4 : i32
        %add3A_133 = arith.addi %add3A_68, %add3A_132 : i32
        %mul3A_134 = arith.constant 128 : i32
        %mul3A_135 = arith.muli %add3A_133, %mul3A_134 : i32
        %add3A_136 = arith.addi %mul3A_2, %mul3A_135 : i32
        %dma_start3A_137 = tpu.memref_slice %arg3[%add3A_136] : memref<327680xi32, #tpu.memory_space<hbm>> -> memref<128xi32, #tpu.memory_space<hbm>>
        %dma_start3A_138 = tpu.memref_slice %arg3[%add3A_136] : memref<327680xi32, #tpu.memory_space<hbm>> -> memref<128xi32, #tpu.memory_space<hbm>>
        tpu.enqueue_dma source(%dma_start3A_138 : memref<128xi32, #tpu.memory_space<hbm>>) target(%arg8 : memref<128xi32, #tpu.memory_space<vmem>>) target_semaphore(%arg19 : memref<!tpu.dma_semaphore, #tpu.memory_space<semaphore_mem>>)
        %mul3A_139 = arith.constant 128 : i32
        %mul3A_140 = arith.muli %add3A_133, %mul3A_139 : i32
        %add3A_141 = arith.addi %mul3A_2, %mul3A_140 : i32
        %dma_start3A_142 = tpu.memref_slice %arg4[%add3A_141] : memref<327680xi32, #tpu.memory_space<hbm>> -> memref<128xi32, #tpu.memory_space<hbm>>
        %dma_start3A_143 = tpu.memref_slice %arg4[%add3A_141] : memref<327680xi32, #tpu.memory_space<hbm>> -> memref<128xi32, #tpu.memory_space<hbm>>
        tpu.enqueue_dma source(%dma_start3A_143 : memref<128xi32, #tpu.memory_space<hbm>>) target(%arg12 : memref<128xi32, #tpu.memory_space<vmem>>) target_semaphore(%arg19 : memref<!tpu.dma_semaphore, #tpu.memory_space<semaphore_mem>>)
      } else {
      }
      %mul3A_81 = arith.constant 4 : i32
      %mul3A_82 = arith.muli %mul3A_81, %scan3A_64 : i32
      %add3A_83 = arith.constant 1 : i32
      %add3A_84 = arith.addi %mul3A_82, %add3A_83 : i32
      %lt3A_85 = arith.constant 79 : i32
      %lt3A_86 = arith.cmpi slt, %add3A_84, %lt3A_85 : i32
      %convert_element_type3A_87 = arith.extui %lt3A_86 : i1 to i32
      %cond3A_88 = arith.constant 0 : i32
      %cond3A_89 = arith.cmpi ne, %convert_element_type3A_87, %cond3A_88 : i32
      scf.if %cond3A_89 {
        %add3A_132 = arith.constant 1 : i32
        %add3A_133 = arith.addi %add3A_84, %add3A_132 : i32
        %mul3A_134 = arith.constant 128 : i32
        %mul3A_135 = arith.muli %add3A_133, %mul3A_134 : i32
        %add3A_136 = arith.addi %mul3A_2, %mul3A_135 : i32
        %dma_wait3A_137 = tpu.memref_slice %arg3[%add3A_136] : memref<327680xi32, #tpu.memory_space<hbm>> -> memref<128xi32, #tpu.memory_space<hbm>>
        %dma_wait3A_138 = tpu.memref_slice %arg3[%add3A_136] : memref<327680xi32, #tpu.memory_space<hbm>> -> memref<128xi32, #tpu.memory_space<hbm>>
        tpu.wait_dma2 semaphore(%arg21 : memref<!tpu.dma_semaphore, #tpu.memory_space<semaphore_mem>>) src(%dma_wait3A_138 : memref<128xi32, #tpu.memory_space<hbm>>) dst(%arg10 : memref<128xi32, #tpu.memory_space<vmem>>)
        %mul3A_139 = arith.constant 128 : i32
        %mul3A_140 = arith.muli %add3A_133, %mul3A_139 : i32
        %add3A_141 = arith.addi %mul3A_2, %mul3A_140 : i32
        %dma_wait3A_142 = tpu.memref_slice %arg4[%add3A_141] : memref<327680xi32, #tpu.memory_space<hbm>> -> memref<128xi32, #tpu.memory_space<hbm>>
        %dma_wait3A_143 = tpu.memref_slice %arg4[%add3A_141] : memref<327680xi32, #tpu.memory_space<hbm>> -> memref<128xi32, #tpu.memory_space<hbm>>
        tpu.wait_dma2 semaphore(%arg21 : memref<!tpu.dma_semaphore, #tpu.memory_space<semaphore_mem>>) src(%dma_wait3A_143 : memref<128xi32, #tpu.memory_space<hbm>>) dst(%arg14 : memref<128xi32, #tpu.memory_space<vmem>>)
        %dma_start3A_144 = arith.constant 0 : i32
        %dma_start3A_145 = arith.constant 0 : i32
        %dma_start3A_146 = tpu.memref_slice %arg2[%dma_start3A_144, %dma_start3A_145] : memref<10000x128xf32, #tpu.memory_space<hbm>> -> memref<10000x128xf32, #tpu.memory_space<hbm>>
        tpu.enqueue_indirect_dma source(%dma_start3A_146 : memref<10000x128xf32, #tpu.memory_space<hbm>>) target(%arg16 : memref<128x128xf32, #tpu.memory_space<vmem>>) offsets(%arg10 : memref<128xi32, #tpu.memory_space<vmem>>) semaphore(%arg23 : memref<!tpu.dma_semaphore, #tpu.memory_space<semaphore_mem>>)
      } else {
      }
      %dma_wait3A_90 = arith.constant 0 : i32
      %dma_wait3A_91 = arith.constant 0 : i32
      %dma_wait3A_92 = tpu.memref_slice %arg2[%dma_wait3A_90, %dma_wait3A_91] : memref<10000x128xf32, #tpu.memory_space<hbm>> -> memref<10000x128xf32, #tpu.memory_space<hbm>>
      tpu.wait_indirect_dma semaphore(%arg24 : memref<!tpu.dma_semaphore, #tpu.memory_space<semaphore_mem>>) src(%dma_wait3A_92 : memref<10000x128xf32, #tpu.memory_space<hbm>>) dst(%arg17 : memref<128x128xf32, #tpu.memory_space<vmem>>)
      "tpu.region"() ({
        %run_scoped3A = tpu.sem_alloc : memref<!tpu.dma_semaphore, #tpu.memory_space<semaphore_mem>>
        %dma_start3A_132 = arith.constant 0 : i32
        %dma_start3A_133 = arith.constant 0 : i32
        %dma_start3A_134 = tpu.memref_slice %arg18[%dma_start3A_132, %dma_start3A_133] : memref<10128x128xf32, #tpu.memory_space<vmem_shared>> -> memref<10128x128xf32, #tpu.memory_space<vmem_shared>>
        tpu.enqueue_indirect_dma source(%arg17 : memref<128x128xf32, #tpu.memory_space<vmem>>) target(%dma_start3A_134 : memref<10128x128xf32, #tpu.memory_space<vmem_shared>>) offsets(%arg13 : memref<128xi32, #tpu.memory_space<vmem>>) semaphore(%run_scoped3A : memref<!tpu.dma_semaphore, #tpu.memory_space<semaphore_mem>>) {add = true}
        %dma_wait3A_135 = arith.constant 0 : i32
        %dma_wait3A_136 = arith.constant 0 : i32
        %dma_wait3A_137 = tpu.memref_slice %arg18[%dma_wait3A_135, %dma_wait3A_136] : memref<10128x128xf32, #tpu.memory_space<vmem_shared>> -> memref<10128x128xf32, #tpu.memory_space<vmem_shared>>
        tpu.wait_indirect_dma semaphore(%run_scoped3A : memref<!tpu.dma_semaphore, #tpu.memory_space<semaphore_mem>>) src(%arg17 : memref<128x128xf32, #tpu.memory_space<vmem>>) dst(%dma_wait3A_137 : memref<10128x128xf32, #tpu.memory_space<vmem_shared>>)
        tpu.yield
      }) : () -> ()
      %lt3A_93 = arith.constant 76 : i32
      %lt3A_94 = arith.cmpi slt, %add3A_84, %lt3A_93 : i32
      %convert_element_type3A_95 = arith.extui %lt3A_94 : i1 to i32
      %cond3A_96 = arith.constant 0 : i32
      %cond3A_97 = arith.cmpi ne, %convert_element_type3A_95, %cond3A_96 : i32
      scf.if %cond3A_97 {
        %add3A_132 = arith.constant 4 : i32
        %add3A_133 = arith.addi %add3A_84, %add3A_132 : i32
        %mul3A_134 = arith.constant 128 : i32
        %mul3A_135 = arith.muli %add3A_133, %mul3A_134 : i32
        %add3A_136 = arith.addi %mul3A_2, %mul3A_135 : i32
        %dma_start3A_137 = tpu.memref_slice %arg3[%add3A_136] : memref<327680xi32, #tpu.memory_space<hbm>> -> memref<128xi32, #tpu.memory_space<hbm>>
        %dma_start3A_138 = tpu.memref_slice %arg3[%add3A_136] : memref<327680xi32, #tpu.memory_space<hbm>> -> memref<128xi32, #tpu.memory_space<hbm>>
        tpu.enqueue_dma source(%dma_start3A_138 : memref<128xi32, #tpu.memory_space<hbm>>) target(%arg9 : memref<128xi32, #tpu.memory_space<vmem>>) target_semaphore(%arg20 : memref<!tpu.dma_semaphore, #tpu.memory_space<semaphore_mem>>)
        %mul3A_139 = arith.constant 128 : i32
        %mul3A_140 = arith.muli %add3A_133, %mul3A_139 : i32
        %add3A_141 = arith.addi %mul3A_2, %mul3A_140 : i32
        %dma_start3A_142 = tpu.memref_slice %arg4[%add3A_141] : memref<327680xi32, #tpu.memory_space<hbm>> -> memref<128xi32, #tpu.memory_space<hbm>>
        %dma_start3A_143 = tpu.memref_slice %arg4[%add3A_141] : memref<327680xi32, #tpu.memory_space<hbm>> -> memref<128xi32, #tpu.memory_space<hbm>>
        tpu.enqueue_dma source(%dma_start3A_143 : memref<128xi32, #tpu.memory_space<hbm>>) target(%arg13 : memref<128xi32, #tpu.memory_space<vmem>>) target_semaphore(%arg20 : memref<!tpu.dma_semaphore, #tpu.memory_space<semaphore_mem>>)
      } else {
      }
      %mul3A_98 = arith.constant 4 : i32
      %mul3A_99 = arith.muli %mul3A_98, %scan3A_64 : i32
      %add3A_100 = arith.constant 2 : i32
      %add3A_101 = arith.addi %mul3A_99, %add3A_100 : i32
      %lt3A_102 = arith.constant 79 : i32
      %lt3A_103 = arith.cmpi slt, %add3A_101, %lt3A_102 : i32
      %convert_element_type3A_104 = arith.extui %lt3A_103 : i1 to i32
      %cond3A_105 = arith.constant 0 : i32
      %cond3A_106 = arith.cmpi ne, %convert_element_type3A_104, %cond3A_105 : i32
      scf.if %cond3A_106 {
        %add3A_132 = arith.constant 1 : i32
        %add3A_133 = arith.addi %add3A_101, %add3A_132 : i32
        %mul3A_134 = arith.constant 128 : i32
        %mul3A_135 = arith.muli %add3A_133, %mul3A_134 : i32
        %add3A_136 = arith.addi %mul3A_2, %mul3A_135 : i32
        %dma_wait3A_137 = tpu.memref_slice %arg3[%add3A_136] : memref<327680xi32, #tpu.memory_space<hbm>> -> memref<128xi32, #tpu.memory_space<hbm>>
        %dma_wait3A_138 = tpu.memref_slice %arg3[%add3A_136] : memref<327680xi32, #tpu.memory_space<hbm>> -> memref<128xi32, #tpu.memory_space<hbm>>
        tpu.wait_dma2 semaphore(%arg22 : memref<!tpu.dma_semaphore, #tpu.memory_space<semaphore_mem>>) src(%dma_wait3A_138 : memref<128xi32, #tpu.memory_space<hbm>>) dst(%arg11 : memref<128xi32, #tpu.memory_space<vmem>>)
        %mul3A_139 = arith.constant 128 : i32
        %mul3A_140 = arith.muli %add3A_133, %mul3A_139 : i32
        %add3A_141 = arith.addi %mul3A_2, %mul3A_140 : i32
        %dma_wait3A_142 = tpu.memref_slice %arg4[%add3A_141] : memref<327680xi32, #tpu.memory_space<hbm>> -> memref<128xi32, #tpu.memory_space<hbm>>
        %dma_wait3A_143 = tpu.memref_slice %arg4[%add3A_141] : memref<327680xi32, #tpu.memory_space<hbm>> -> memref<128xi32, #tpu.memory_space<hbm>>
        tpu.wait_dma2 semaphore(%arg22 : memref<!tpu.dma_semaphore, #tpu.memory_space<semaphore_mem>>) src(%dma_wait3A_143 : memref<128xi32, #tpu.memory_space<hbm>>) dst(%arg15 : memref<128xi32, #tpu.memory_space<vmem>>)
        %dma_start3A_144 = arith.constant 0 : i32
        %dma_start3A_145 = arith.constant 0 : i32
        %dma_start3A_146 = tpu.memref_slice %arg2[%dma_start3A_144, %dma_start3A_145] : memref<10000x128xf32, #tpu.memory_space<hbm>> -> memref<10000x128xf32, #tpu.memory_space<hbm>>
        tpu.enqueue_indirect_dma source(%dma_start3A_146 : memref<10000x128xf32, #tpu.memory_space<hbm>>) target(%arg17 : memref<128x128xf32, #tpu.memory_space<vmem>>) offsets(%arg11 : memref<128xi32, #tpu.memory_space<vmem>>) semaphore(%arg24 : memref<!tpu.dma_semaphore, #tpu.memory_space<semaphore_mem>>)
      } else {
      }
      %dma_wait3A_107 = arith.constant 0 : i32
      %dma_wait3A_108 = arith.constant 0 : i32
      %dma_wait3A_109 = tpu.memref_slice %arg2[%dma_wait3A_107, %dma_wait3A_108] : memref<10000x128xf32, #tpu.memory_space<hbm>> -> memref<10000x128xf32, #tpu.memory_space<hbm>>
      tpu.wait_indirect_dma semaphore(%arg23 : memref<!tpu.dma_semaphore, #tpu.memory_space<semaphore_mem>>) src(%dma_wait3A_109 : memref<10000x128xf32, #tpu.memory_space<hbm>>) dst(%arg16 : memref<128x128xf32, #tpu.memory_space<vmem>>)
      "tpu.region"() ({
        %run_scoped3A = tpu.sem_alloc : memref<!tpu.dma_semaphore, #tpu.memory_space<semaphore_mem>>
        %dma_start3A_132 = arith.constant 0 : i32
        %dma_start3A_133 = arith.constant 0 : i32
        %dma_start3A_134 = tpu.memref_slice %arg18[%dma_start3A_132, %dma_start3A_133] : memref<10128x128xf32, #tpu.memory_space<vmem_shared>> -> memref<10128x128xf32, #tpu.memory_space<vmem_shared>>
        tpu.enqueue_indirect_dma source(%arg16 : memref<128x128xf32, #tpu.memory_space<vmem>>) target(%dma_start3A_134 : memref<10128x128xf32, #tpu.memory_space<vmem_shared>>) offsets(%arg14 : memref<128xi32, #tpu.memory_space<vmem>>) semaphore(%run_scoped3A : memref<!tpu.dma_semaphore, #tpu.memory_space<semaphore_mem>>) {add = true}
        %dma_wait3A_135 = arith.constant 0 : i32
        %dma_wait3A_136 = arith.constant 0 : i32
        %dma_wait3A_137 = tpu.memref_slice %arg18[%dma_wait3A_135, %dma_wait3A_136] : memref<10128x128xf32, #tpu.memory_space<vmem_shared>> -> memref<10128x128xf32, #tpu.memory_space<vmem_shared>>
        tpu.wait_indirect_dma semaphore(%run_scoped3A : memref<!tpu.dma_semaphore, #tpu.memory_space<semaphore_mem>>) src(%arg16 : memref<128x128xf32, #tpu.memory_space<vmem>>) dst(%dma_wait3A_137 : memref<10128x128xf32, #tpu.memory_space<vmem_shared>>)
        tpu.yield
      }) : () -> ()
      %lt3A_110 = arith.constant 76 : i32
      %lt3A_111 = arith.cmpi slt, %add3A_101, %lt3A_110 : i32
      %convert_element_type3A_112 = arith.extui %lt3A_111 : i1 to i32
      %cond3A_113 = arith.constant 0 : i32
      %cond3A_114 = arith.cmpi ne, %convert_element_type3A_112, %cond3A_113 : i32
      scf.if %cond3A_114 {
        %add3A_132 = arith.constant 4 : i32
        %add3A_133 = arith.addi %add3A_101, %add3A_132 : i32
        %mul3A_134 = arith.constant 128 : i32
        %mul3A_135 = arith.muli %add3A_133, %mul3A_134 : i32
        %add3A_136 = arith.addi %mul3A_2, %mul3A_135 : i32
        %dma_start3A_137 = tpu.memref_slice %arg3[%add3A_136] : memref<327680xi32, #tpu.memory_space<hbm>> -> memref<128xi32, #tpu.memory_space<hbm>>
        %dma_start3A_138 = tpu.memref_slice %arg3[%add3A_136] : memref<327680xi32, #tpu.memory_space<hbm>> -> memref<128xi32, #tpu.memory_space<hbm>>
        tpu.enqueue_dma source(%dma_start3A_138 : memref<128xi32, #tpu.memory_space<hbm>>) target(%arg10 : memref<128xi32, #tpu.memory_space<vmem>>) target_semaphore(%arg21 : memref<!tpu.dma_semaphore, #tpu.memory_space<semaphore_mem>>)
        %mul3A_139 = arith.constant 128 : i32
        %mul3A_140 = arith.muli %add3A_133, %mul3A_139 : i32
        %add3A_141 = arith.addi %mul3A_2, %mul3A_140 : i32
        %dma_start3A_142 = tpu.memref_slice %arg4[%add3A_141] : memref<327680xi32, #tpu.memory_space<hbm>> -> memref<128xi32, #tpu.memory_space<hbm>>
        %dma_start3A_143 = tpu.memref_slice %arg4[%add3A_141] : memref<327680xi32, #tpu.memory_space<hbm>> -> memref<128xi32, #tpu.memory_space<hbm>>
        tpu.enqueue_dma source(%dma_start3A_143 : memref<128xi32, #tpu.memory_space<hbm>>) target(%arg14 : memref<128xi32, #tpu.memory_space<vmem>>) target_semaphore(%arg21 : memref<!tpu.dma_semaphore, #tpu.memory_space<semaphore_mem>>)
      } else {
      }
      %mul3A_115 = arith.constant 4 : i32
      %mul3A_116 = arith.muli %mul3A_115, %scan3A_64 : i32
      %add3A_117 = arith.constant 3 : i32
      %add3A_118 = arith.addi %mul3A_116, %add3A_117 : i32
      %lt3A_119 = arith.constant 79 : i32
      %lt3A_120 = arith.cmpi slt, %add3A_118, %lt3A_119 : i32
      %convert_element_type3A_121 = arith.extui %lt3A_120 : i1 to i32
      %cond3A_122 = arith.constant 0 : i32
      %cond3A_123 = arith.cmpi ne, %convert_element_type3A_121, %cond3A_122 : i32
      scf.if %cond3A_123 {
        %add3A_132 = arith.constant 1 : i32
        %add3A_133 = arith.addi %add3A_118, %add3A_132 : i32
        %mul3A_134 = arith.constant 128 : i32
        %mul3A_135 = arith.muli %add3A_133, %mul3A_134 : i32
        %add3A_136 = arith.addi %mul3A_2, %mul3A_135 : i32
        %dma_wait3A_137 = tpu.memref_slice %arg3[%add3A_136] : memref<327680xi32, #tpu.memory_space<hbm>> -> memref<128xi32, #tpu.memory_space<hbm>>
        %dma_wait3A_138 = tpu.memref_slice %arg3[%add3A_136] : memref<327680xi32, #tpu.memory_space<hbm>> -> memref<128xi32, #tpu.memory_space<hbm>>
        tpu.wait_dma2 semaphore(%arg19 : memref<!tpu.dma_semaphore, #tpu.memory_space<semaphore_mem>>) src(%dma_wait3A_138 : memref<128xi32, #tpu.memory_space<hbm>>) dst(%arg8 : memref<128xi32, #tpu.memory_space<vmem>>)
        %mul3A_139 = arith.constant 128 : i32
        %mul3A_140 = arith.muli %add3A_133, %mul3A_139 : i32
        %add3A_141 = arith.addi %mul3A_2, %mul3A_140 : i32
        %dma_wait3A_142 = tpu.memref_slice %arg4[%add3A_141] : memref<327680xi32, #tpu.memory_space<hbm>> -> memref<128xi32, #tpu.memory_space<hbm>>
        %dma_wait3A_143 = tpu.memref_slice %arg4[%add3A_141] : memref<327680xi32, #tpu.memory_space<hbm>> -> memref<128xi32, #tpu.memory_space<hbm>>
        tpu.wait_dma2 semaphore(%arg19 : memref<!tpu.dma_semaphore, #tpu.memory_space<semaphore_mem>>) src(%dma_wait3A_143 : memref<128xi32, #tpu.memory_space<hbm>>) dst(%arg12 : memref<128xi32, #tpu.memory_space<vmem>>)
        %dma_start3A_144 = arith.constant 0 : i32
        %dma_start3A_145 = arith.constant 0 : i32
        %dma_start3A_146 = tpu.memref_slice %arg2[%dma_start3A_144, %dma_start3A_145] : memref<10000x128xf32, #tpu.memory_space<hbm>> -> memref<10000x128xf32, #tpu.memory_space<hbm>>
        tpu.enqueue_indirect_dma source(%dma_start3A_146 : memref<10000x128xf32, #tpu.memory_space<hbm>>) target(%arg16 : memref<128x128xf32, #tpu.memory_space<vmem>>) offsets(%arg8 : memref<128xi32, #tpu.memory_space<vmem>>) semaphore(%arg23 : memref<!tpu.dma_semaphore, #tpu.memory_space<semaphore_mem>>)
      } else {
      }
      %dma_wait3A_124 = arith.constant 0 : i32
      %dma_wait3A_125 = arith.constant 0 : i32
      %dma_wait3A_126 = tpu.memref_slice %arg2[%dma_wait3A_124, %dma_wait3A_125] : memref<10000x128xf32, #tpu.memory_space<hbm>> -> memref<10000x128xf32, #tpu.memory_space<hbm>>
      tpu.wait_indirect_dma semaphore(%arg24 : memref<!tpu.dma_semaphore, #tpu.memory_space<semaphore_mem>>) src(%dma_wait3A_126 : memref<10000x128xf32, #tpu.memory_space<hbm>>) dst(%arg17 : memref<128x128xf32, #tpu.memory_space<vmem>>)
      "tpu.region"() ({
        %run_scoped3A = tpu.sem_alloc : memref<!tpu.dma_semaphore, #tpu.memory_space<semaphore_mem>>
        %dma_start3A_132 = arith.constant 0 : i32
        %dma_start3A_133 = arith.constant 0 : i32
        %dma_start3A_134 = tpu.memref_slice %arg18[%dma_start3A_132, %dma_start3A_133] : memref<10128x128xf32, #tpu.memory_space<vmem_shared>> -> memref<10128x128xf32, #tpu.memory_space<vmem_shared>>
        tpu.enqueue_indirect_dma source(%arg17 : memref<128x128xf32, #tpu.memory_space<vmem>>) target(%dma_start3A_134 : memref<10128x128xf32, #tpu.memory_space<vmem_shared>>) offsets(%arg15 : memref<128xi32, #tpu.memory_space<vmem>>) semaphore(%run_scoped3A : memref<!tpu.dma_semaphore, #tpu.memory_space<semaphore_mem>>) {add = true}
        %dma_wait3A_135 = arith.constant 0 : i32
        %dma_wait3A_136 = arith.constant 0 : i32
        %dma_wait3A_137 = tpu.memref_slice %arg18[%dma_wait3A_135, %dma_wait3A_136] : memref<10128x128xf32, #tpu.memory_space<vmem_shared>> -> memref<10128x128xf32, #tpu.memory_space<vmem_shared>>
        tpu.wait_indirect_dma semaphore(%run_scoped3A : memref<!tpu.dma_semaphore, #tpu.memory_space<semaphore_mem>>) src(%arg17 : memref<128x128xf32, #tpu.memory_space<vmem>>) dst(%dma_wait3A_137 : memref<10128x128xf32, #tpu.memory_space<vmem_shared>>)
        tpu.yield
      }) : () -> ()
      %lt3A_127 = arith.constant 76 : i32
      %lt3A_128 = arith.cmpi slt, %add3A_118, %lt3A_127 : i32
      %convert_element_type3A_129 = arith.extui %lt3A_128 : i1 to i32
      %cond3A_130 = arith.constant 0 : i32
      %cond3A_131 = arith.cmpi ne, %convert_element_type3A_129, %cond3A_130 : i32
      scf.if %cond3A_131 {
        %add3A_132 = arith.constant 4 : i32
        %add3A_133 = arith.addi %add3A_118, %add3A_132 : i32
        %mul3A_134 = arith.constant 128 : i32
        %mul3A_135 = arith.muli %add3A_133, %mul3A_134 : i32
        %add3A_136 = arith.addi %mul3A_2, %mul3A_135 : i32
        %dma_start3A_137 = tpu.memref_slice %arg3[%add3A_136] : memref<327680xi32, #tpu.memory_space<hbm>> -> memref<128xi32, #tpu.memory_space<hbm>>
        %dma_start3A_138 = tpu.memref_slice %arg3[%add3A_136] : memref<327680xi32, #tpu.memory_space<hbm>> -> memref<128xi32, #tpu.memory_space<hbm>>
        tpu.enqueue_dma source(%dma_start3A_138 : memref<128xi32, #tpu.memory_space<hbm>>) target(%arg11 : memref<128xi32, #tpu.memory_space<vmem>>) target_semaphore(%arg22 : memref<!tpu.dma_semaphore, #tpu.memory_space<semaphore_mem>>)
        %mul3A_139 = arith.constant 128 : i32
        %mul3A_140 = arith.muli %add3A_133, %mul3A_139 : i32
        %add3A_141 = arith.addi %mul3A_2, %mul3A_140 : i32
        %dma_start3A_142 = tpu.memref_slice %arg4[%add3A_141] : memref<327680xi32, #tpu.memory_space<hbm>> -> memref<128xi32, #tpu.memory_space<hbm>>
        %dma_start3A_143 = tpu.memref_slice %arg4[%add3A_141] : memref<327680xi32, #tpu.memory_space<hbm>> -> memref<128xi32, #tpu.memory_space<hbm>>
        tpu.enqueue_dma source(%dma_start3A_143 : memref<128xi32, #tpu.memory_space<hbm>>) target(%arg15 : memref<128xi32, #tpu.memory_space<vmem>>) target_semaphore(%arg22 : memref<!tpu.dma_semaphore, #tpu.memory_space<semaphore_mem>>)
      } else {
      }
    }
    %scan3A_52 = arith.constant 20 : i32
    %barrier3A_53 = arith.constant 0 : index
    tpu.barrier barrier_id(%barrier3A_53)
    %eq3A_54 = arith.constant 0 : i32
    %eq3A_55 = arith.cmpi eq, %arg0, %eq3A_54 : i32
    %convert_element_type3A_56 = arith.extui %eq3A_55 : i1 to i32
    %cond3A_57 = arith.constant 0 : i32
    %cond3A_58 = arith.cmpi ne, %convert_element_type3A_56, %cond3A_57 : i32
    scf.if %cond3A_58 {
      "tpu.region"() ({
        %run_scoped3A = tpu.sem_alloc : memref<!tpu.dma_semaphore, #tpu.memory_space<semaphore_mem>>
        %dma_start3A_69 = arith.constant 0 : i32
        %dma_start3A_70 = tpu.memref_slice %arg6[%mul3A_35, %dma_start3A_69] : memref<10000x128xf32, #tpu.memory_space<hbm>> -> memref<624x128xf32, #tpu.memory_space<hbm>>
        %dma_start3A_71 = arith.constant 0 : i32
        %dma_start3A_72 = tpu.memref_slice %arg18[%mul3A_35, %dma_start3A_71] : memref<10128x128xf32, #tpu.memory_space<vmem_shared>> -> memref<624x128xf32, #tpu.memory_space<vmem_shared>>
        tpu.enqueue_dma source(%dma_start3A_72 : memref<624x128xf32, #tpu.memory_space<vmem_shared>>) target(%dma_start3A_70 : memref<624x128xf32, #tpu.memory_space<hbm>>) target_semaphore(%run_scoped3A : memref<!tpu.dma_semaphore, #tpu.memory_space<semaphore_mem>>)
        %dma_wait3A_73 = arith.constant 0 : i32
        %dma_wait3A_74 = tpu.memref_slice %arg6[%mul3A_35, %dma_wait3A_73] : memref<10000x128xf32, #tpu.memory_space<hbm>> -> memref<624x128xf32, #tpu.memory_space<hbm>>
        %dma_wait3A_75 = arith.constant 0 : i32
        %dma_wait3A_76 = tpu.memref_slice %arg18[%mul3A_35, %dma_wait3A_75] : memref<10128x128xf32, #tpu.memory_space<vmem_shared>> -> memref<624x128xf32, #tpu.memory_space<vmem_shared>>
        tpu.wait_dma2 semaphore(%run_scoped3A : memref<!tpu.dma_semaphore, #tpu.memory_space<semaphore_mem>>) src(%dma_wait3A_76 : memref<624x128xf32, #tpu.memory_space<vmem_shared>>) dst(%dma_wait3A_74 : memref<624x128xf32, #tpu.memory_space<hbm>>)
        tpu.yield
      }) : () -> ()
      %eq3A_64 = arith.constant 15 : i32
      %eq3A_65 = arith.cmpi eq, %arg1, %eq3A_64 : i32
      %convert_element_type3A_66 = arith.extui %eq3A_65 : i1 to i32
      %cond3A_67 = arith.constant 0 : i32
      %cond3A_68 = arith.cmpi ne, %convert_element_type3A_66, %cond3A_67 : i32
      scf.if %cond3A_68 {
        "tpu.region"() ({
          %run_scoped3A = tpu.sem_alloc : memref<!tpu.dma_semaphore, #tpu.memory_space<semaphore_mem>>
          %dma_start3A_69 = arith.constant 9984 : i32
          %dma_start3A_70 = arith.constant 0 : i32
          %dma_start3A_71 = tpu.memref_slice %arg6[%dma_start3A_69, %dma_start3A_70] : memref<10000x128xf32, #tpu.memory_space<hbm>> -> memref<16x128xf32, #tpu.memory_space<hbm>>
          %dma_start3A_72 = arith.constant 9984 : i32
          %dma_start3A_73 = arith.constant 0 : i32
          %dma_start3A_74 = tpu.memref_slice %arg18[%dma_start3A_72, %dma_start3A_73] : memref<10128x128xf32, #tpu.memory_space<vmem_shared>> -> memref<16x128xf32, #tpu.memory_space<vmem_shared>>
          tpu.enqueue_dma source(%dma_start3A_74 : memref<16x128xf32, #tpu.memory_space<vmem_shared>>) target(%dma_start3A_71 : memref<16x128xf32, #tpu.memory_space<hbm>>) target_semaphore(%run_scoped3A : memref<!tpu.dma_semaphore, #tpu.memory_space<semaphore_mem>>)
          %dma_wait3A_75 = arith.constant 9984 : i32
          %dma_wait3A_76 = arith.constant 0 : i32
          %dma_wait3A_77 = tpu.memref_slice %arg6[%dma_wait3A_75, %dma_wait3A_76] : memref<10000x128xf32, #tpu.memory_space<hbm>> -> memref<16x128xf32, #tpu.memory_space<hbm>>
          %dma_wait3A_78 = arith.constant 9984 : i32
          %dma_wait3A_79 = arith.constant 0 : i32
          %dma_wait3A_80 = tpu.memref_slice %arg18[%dma_wait3A_78, %dma_wait3A_79] : memref<10128x128xf32, #tpu.memory_space<vmem_shared>> -> memref<16x128xf32, #tpu.memory_space<vmem_shared>>
          tpu.wait_dma2 semaphore(%run_scoped3A : memref<!tpu.dma_semaphore, #tpu.memory_space<semaphore_mem>>) src(%dma_wait3A_80 : memref<16x128xf32, #tpu.memory_space<vmem_shared>>) dst(%dma_wait3A_77 : memref<16x128xf32, #tpu.memory_space<hbm>>)
          tpu.yield
        }) : () -> ()
      } else {
      }
    } else {
    }
    %eq3A_59 = arith.constant 1 : i32
    %eq3A_60 = arith.cmpi eq, %arg0, %eq3A_59 : i32
    %convert_element_type3A_61 = arith.extui %eq3A_60 : i1 to i32
    %cond3A_62 = arith.constant 0 : i32
    %cond3A_63 = arith.cmpi ne, %convert_element_type3A_61, %cond3A_62 : i32
    scf.if %cond3A_63 {
      "tpu.region"() ({
        %run_scoped3A = tpu.sem_alloc : memref<!tpu.dma_semaphore, #tpu.memory_space<semaphore_mem>>
        %dma_start3A_69 = arith.constant 0 : i32
        %dma_start3A_70 = tpu.memref_slice %arg7[%mul3A_35, %dma_start3A_69] : memref<10000x128xf32, #tpu.memory_space<hbm>> -> memref<624x128xf32, #tpu.memory_space<hbm>>
        %dma_start3A_71 = arith.constant 0 : i32
        %dma_start3A_72 = tpu.memref_slice %arg18[%mul3A_35, %dma_start3A_71] : memref<10128x128xf32, #tpu.memory_space<vmem_shared>> -> memref<624x128xf32, #tpu.memory_space<vmem_shared>>
        tpu.enqueue_dma source(%dma_start3A_72 : memref<624x128xf32, #tpu.memory_space<vmem_shared>>) target(%dma_start3A_70 : memref<624x128xf32, #tpu.memory_space<hbm>>) target_semaphore(%run_scoped3A : memref<!tpu.dma_semaphore, #tpu.memory_space<semaphore_mem>>)
        %dma_wait3A_73 = arith.constant 0 : i32
        %dma_wait3A_74 = tpu.memref_slice %arg7[%mul3A_35, %dma_wait3A_73] : memref<10000x128xf32, #tpu.memory_space<hbm>> -> memref<624x128xf32, #tpu.memory_space<hbm>>
        %dma_wait3A_75 = arith.constant 0 : i32
        %dma_wait3A_76 = tpu.memref_slice %arg18[%mul3A_35, %dma_wait3A_75] : memref<10128x128xf32, #tpu.memory_space<vmem_shared>> -> memref<624x128xf32, #tpu.memory_space<vmem_shared>>
        tpu.wait_dma2 semaphore(%run_scoped3A : memref<!tpu.dma_semaphore, #tpu.memory_space<semaphore_mem>>) src(%dma_wait3A_76 : memref<624x128xf32, #tpu.memory_space<vmem_shared>>) dst(%dma_wait3A_74 : memref<624x128xf32, #tpu.memory_space<hbm>>)
        tpu.yield
      }) : () -> ()
      %eq3A_64 = arith.constant 15 : i32
      %eq3A_65 = arith.cmpi eq, %arg1, %eq3A_64 : i32
      %convert_element_type3A_66 = arith.extui %eq3A_65 : i1 to i32
      %cond3A_67 = arith.constant 0 : i32
      %cond3A_68 = arith.cmpi ne, %convert_element_type3A_66, %cond3A_67 : i32
      scf.if %cond3A_68 {
        "tpu.region"() ({
          %run_scoped3A = tpu.sem_alloc : memref<!tpu.dma_semaphore, #tpu.memory_space<semaphore_mem>>
          %dma_start3A_69 = arith.constant 9984 : i32
          %dma_start3A_70 = arith.constant 0 : i32
          %dma_start3A_71 = tpu.memref_slice %arg7[%dma_start3A_69, %dma_start3A_70] : memref<10000x128xf32, #tpu.memory_space<hbm>> -> memref<16x128xf32, #tpu.memory_space<hbm>>
          %dma_start3A_72 = arith.constant 9984 : i32
          %dma_start3A_73 = arith.constant 0 : i32
          %dma_start3A_74 = tpu.memref_slice %arg18[%dma_start3A_72, %dma_start3A_73] : memref<10128x128xf32, #tpu.memory_space<vmem_shared>> -> memref<16x128xf32, #tpu.memory_space<vmem_shared>>
          tpu.enqueue_dma source(%dma_start3A_74 : memref<16x128xf32, #tpu.memory_space<vmem_shared>>) target(%dma_start3A_71 : memref<16x128xf32, #tpu.memory_space<hbm>>) target_semaphore(%run_scoped3A : memref<!tpu.dma_semaphore, #tpu.memory_space<semaphore_mem>>)
          %dma_wait3A_75 = arith.constant 9984 : i32
          %dma_wait3A_76 = arith.constant 0 : i32
          %dma_wait3A_77 = tpu.memref_slice %arg7[%dma_wait3A_75, %dma_wait3A_76] : memref<10000x128xf32, #tpu.memory_space<hbm>> -> memref<16x128xf32, #tpu.memory_space<hbm>>
          %dma_wait3A_78 = arith.constant 9984 : i32
          %dma_wait3A_79 = arith.constant 0 : i32
          %dma_wait3A_80 = tpu.memref_slice %arg18[%dma_wait3A_78, %dma_wait3A_79] : memref<10128x128xf32, #tpu.memory_space<vmem_shared>> -> memref<16x128xf32, #tpu.memory_space<vmem_shared>>
          tpu.wait_dma2 semaphore(%run_scoped3A : memref<!tpu.dma_semaphore, #tpu.memory_space<semaphore_mem>>) src(%dma_wait3A_80 : memref<16x128xf32, #tpu.memory_space<vmem_shared>>) dst(%dma_wait3A_77 : memref<16x128xf32, #tpu.memory_space<hbm>>)
          tpu.yield
        }) : () -> ()
      } else {
      }
    } else {
    }
    return
  }
}

module attributes {stable_mosaic.version = 14 : i64} {
  func.func @_mlp_stats_body(%arg0: i32, %arg1: memref<1000x128xf32, #tpu.memory_space<vmem>>, %arg2: memref<1000x128xf32, #tpu.memory_space<vmem>>, %arg3: memref<1000x128xf32, #tpu.memory_space<vmem>>, %arg4: memref<128x128xf32, #tpu.memory_space<vmem>>, %arg5: memref<128xf32, #tpu.memory_space<vmem>>, %arg6: memref<128x128xf32, #tpu.memory_space<vmem>>, %arg7: memref<128xf32, #tpu.memory_space<vmem>>, %arg8: memref<1000x128xf32, #tpu.memory_space<vmem>>, %arg9: memref<8x128xf32, #tpu.memory_space<vmem>>, %arg10: memref<8x128xf32, #tpu.memory_space<vmem>>, %arg11: memref<8x128xf32, #tpu.memory_space<vmem>>, %arg12: memref<8x128xf32, #tpu.memory_space<vmem>>) attributes {dimension_semantics = [#tpu.dimension_semantics<arbitrary>], iteration_bounds = array<i64: 10>, scalar_prefetch = 0 : i64, scratch_operands = 2 : i64, tpu.core_type = #tpu.core_type<tc>, window_params = [{transform_indices = @transform_0, window_bounds = array<i64: 1000, 128>}, {transform_indices = @transform_1, window_bounds = array<i64: 1000, 128>}, {transform_indices = @transform_2, window_bounds = array<i64: 1000, 128>}, {pipeline_mode = #tpu.pipeline_mode<synchronous>, transform_indices = @transform_3, window_bounds = array<i64: 128, 128>}, {pipeline_mode = #tpu.pipeline_mode<synchronous>, transform_indices = @transform_4, window_bounds = array<i64: 128>}, {pipeline_mode = #tpu.pipeline_mode<synchronous>, transform_indices = @transform_5, window_bounds = array<i64: 128, 128>}, {pipeline_mode = #tpu.pipeline_mode<synchronous>, transform_indices = @transform_6, window_bounds = array<i64: 128>}, {transform_indices = @transform_7, window_bounds = array<i64: 1000, 128>}, {pipeline_mode = #tpu.pipeline_mode<synchronous>, transform_indices = @transform_8, window_bounds = array<i64: 8, 128>}, {pipeline_mode = #tpu.pipeline_mode<synchronous>, transform_indices = @transform_9, window_bounds = array<i64: 8, 128>}]} {
    %get3A = arith.constant 0 : index
    %get3A_0 = arith.constant 0 : index
    %get3A_1 = vector.load %arg1[%get3A, %get3A_0] : memref<1000x128xf32, #tpu.memory_space<vmem>>, vector<1000x128xf32>
    %get3A_2 = arith.constant 0 : index
    %get3A_3 = arith.constant 0 : index
    %get3A_4 = vector.load %arg2[%get3A_2, %get3A_3] : memref<1000x128xf32, #tpu.memory_space<vmem>>, vector<1000x128xf32>
    %add3A = arith.addf %get3A_1, %get3A_4 : vector<1000x128xf32>
    %get3A_5 = arith.constant 0 : index
    %get3A_6 = arith.constant 0 : index
    %get3A_7 = vector.load %arg3[%get3A_5, %get3A_6] : memref<1000x128xf32, #tpu.memory_space<vmem>>, vector<1000x128xf32>
    %add3A_8 = arith.addf %add3A, %get3A_7 : vector<1000x128xf32>
    %get3A_9 = arith.constant 0 : index
    %get3A_10 = arith.constant 0 : index
    %get3A_11 = vector.load %arg4[%get3A_9, %get3A_10] : memref<128x128xf32, #tpu.memory_space<vmem>>, vector<128x128xf32>
    %dot_general3A = arith.constant dense<0.000000e+00> : vector<1000x128xf32>
    %dot_general3A_12 = tpu.matmul %add3A_8, %get3A_11, %dot_general3A {dimension_numbers = #tpu.dot_dimension_numbers<[1], [0], [0], [1], [0, 0, 1, 1], [], []>, transpose_lhs_hint = false} : vector<1000x128xf32>, vector<128x128xf32>, vector<1000x128xf32> -> vector<1000x128xf32>
    %get3A_13 = arith.constant 0 : index
    %get3A_14 = vector.load %arg5[%get3A_13] : memref<128xf32, #tpu.memory_space<vmem>>, vector<128xf32>
    %broadcast_in_dim3A = vector.shape_cast %get3A_14 : vector<128xf32> to vector<1x128xf32>
    %add3A_15 = vector.broadcast %broadcast_in_dim3A : vector<1x128xf32> to vector<1000x128xf32>
    %add3A_16 = arith.addf %dot_general3A_12, %add3A_15 : vector<1000x128xf32>
    %max3A = arith.constant 0.000000e+00 : f32
    %max3A_17 = vector.broadcast %max3A : f32 to vector<1000x128xf32>
    %max3A_18 = arith.maximumf %add3A_16, %max3A_17 : vector<1000x128xf32>
    %get3A_19 = arith.constant 0 : index
    %get3A_20 = arith.constant 0 : index
    %get3A_21 = vector.load %arg6[%get3A_19, %get3A_20] : memref<128x128xf32, #tpu.memory_space<vmem>>, vector<128x128xf32>
    %dot_general3A_22 = arith.constant dense<0.000000e+00> : vector<1000x128xf32>
    %dot_general3A_23 = tpu.matmul %max3A_18, %get3A_21, %dot_general3A_22 {dimension_numbers = #tpu.dot_dimension_numbers<[1], [0], [0], [1], [0, 0, 1, 1], [], []>, transpose_lhs_hint = false} : vector<1000x128xf32>, vector<128x128xf32>, vector<1000x128xf32> -> vector<1000x128xf32>
    %get3A_24 = arith.constant 0 : index
    %get3A_25 = vector.load %arg7[%get3A_24] : memref<128xf32, #tpu.memory_space<vmem>>, vector<128xf32>
    %broadcast_in_dim3A_26 = vector.shape_cast %get3A_25 : vector<128xf32> to vector<1x128xf32>
    %add3A_27 = vector.broadcast %broadcast_in_dim3A_26 : vector<1x128xf32> to vector<1000x128xf32>
    %add3A_28 = arith.addf %dot_general3A_23, %add3A_27 : vector<1000x128xf32>
    %swap3A = arith.constant 0 : index
    %swap3A_29 = arith.constant 0 : index
    %swap3A_30 = vector.load %arg8[%swap3A, %swap3A_29] : memref<1000x128xf32, #tpu.memory_space<vmem>>, vector<1000x128xf32>
    tpu.vector_store %arg8[%swap3A, %swap3A_29], %add3A_28 {strides = array<i32>} : memref<1000x128xf32, #tpu.memory_space<vmem>>, vector<1000x128xf32>,
    %reshape3A = vector.shape_cast %add3A_28 : vector<1000x128xf32> to vector<125x8x128xf32>
    %reduce_sum3A = arith.constant dense<0.000000e+00> : vector<8x128xf32>
    %reduce_sum3A_31 = vector.multi_reduction <add>, %reshape3A, %reduce_sum3A [0] : vector<125x8x128xf32> to vector<8x128xf32>
    %mul3A = arith.mulf %reshape3A, %reshape3A : vector<125x8x128xf32>
    %reduce_sum3A_32 = arith.constant dense<0.000000e+00> : vector<8x128xf32>
    %reduce_sum3A_33 = vector.multi_reduction <add>, %mul3A, %reduce_sum3A_32 [0] : vector<125x8x128xf32> to vector<8x128xf32>
    %eq3A = arith.constant 0 : i32
    %eq3A_34 = arith.cmpi eq, %arg0, %eq3A : i32
    %convert_element_type3A = arith.extui %eq3A_34 : i1 to i32
    %cond3A = arith.constant 0 : i32
    %cond3A_35 = arith.cmpi ne, %convert_element_type3A, %cond3A : i32
    scf.if %cond3A_35 {
      %swap3A_45 = arith.constant 0 : index
      %swap3A_46 = arith.constant 0 : index
      %swap3A_47 = vector.load %arg11[%swap3A_45, %swap3A_46] : memref<8x128xf32, #tpu.memory_space<vmem>>, vector<8x128xf32>
      tpu.vector_store %arg11[%swap3A_45, %swap3A_46], %reduce_sum3A_31 {strides = array<i32>} : memref<8x128xf32, #tpu.memory_space<vmem>>, vector<8x128xf32>,
      %swap3A_48 = arith.constant 0 : index
      %swap3A_49 = arith.constant 0 : index
      %swap3A_50 = vector.load %arg12[%swap3A_48, %swap3A_49] : memref<8x128xf32, #tpu.memory_space<vmem>>, vector<8x128xf32>
      tpu.vector_store %arg12[%swap3A_48, %swap3A_49], %reduce_sum3A_33 {strides = array<i32>} : memref<8x128xf32, #tpu.memory_space<vmem>>, vector<8x128xf32>,
    } else {
    }
    %gt3A = arith.constant 0 : i32
    %gt3A_36 = arith.cmpi sgt, %arg0, %gt3A : i32
    %convert_element_type3A_37 = arith.extui %gt3A_36 : i1 to i32
    %cond3A_38 = arith.constant 0 : i32
    %cond3A_39 = arith.cmpi ne, %convert_element_type3A_37, %cond3A_38 : i32
    scf.if %cond3A_39 {
      %get3A_45 = arith.constant 0 : index
      %get3A_46 = arith.constant 0 : index
      %get3A_47 = vector.load %arg11[%get3A_45, %get3A_46] : memref<8x128xf32, #tpu.memory_space<vmem>>, vector<8x128xf32>
      %add3A_48 = arith.addf %get3A_47, %reduce_sum3A_31 : vector<8x128xf32>
      %swap3A_49 = arith.constant 0 : index
      %swap3A_50 = arith.constant 0 : index
      %swap3A_51 = vector.load %arg11[%swap3A_49, %swap3A_50] : memref<8x128xf32, #tpu.memory_space<vmem>>, vector<8x128xf32>
      tpu.vector_store %arg11[%swap3A_49, %swap3A_50], %add3A_48 {strides = array<i32>} : memref<8x128xf32, #tpu.memory_space<vmem>>, vector<8x128xf32>,
      %get3A_52 = arith.constant 0 : index
      %get3A_53 = arith.constant 0 : index
      %get3A_54 = vector.load %arg12[%get3A_52, %get3A_53] : memref<8x128xf32, #tpu.memory_space<vmem>>, vector<8x128xf32>
      %add3A_55 = arith.addf %get3A_54, %reduce_sum3A_33 : vector<8x128xf32>
      %swap3A_56 = arith.constant 0 : index
      %swap3A_57 = arith.constant 0 : index
      %swap3A_58 = vector.load %arg12[%swap3A_56, %swap3A_57] : memref<8x128xf32, #tpu.memory_space<vmem>>, vector<8x128xf32>
      tpu.vector_store %arg12[%swap3A_56, %swap3A_57], %add3A_55 {strides = array<i32>} : memref<8x128xf32, #tpu.memory_space<vmem>>, vector<8x128xf32>,
    } else {
    }
    %eq3A_40 = arith.constant 9 : i32
    %eq3A_41 = arith.cmpi eq, %arg0, %eq3A_40 : i32
    %convert_element_type3A_42 = arith.extui %eq3A_41 : i1 to i32
    %cond3A_43 = arith.constant 0 : i32
    %cond3A_44 = arith.cmpi ne, %convert_element_type3A_42, %cond3A_43 : i32
    scf.if %cond3A_44 {
      %get3A_45 = arith.constant 0 : index
      %get3A_46 = arith.constant 0 : index
      %get3A_47 = vector.load %arg11[%get3A_45, %get3A_46] : memref<8x128xf32, #tpu.memory_space<vmem>>, vector<8x128xf32>
      %swap3A_48 = arith.constant 0 : index
      %swap3A_49 = arith.constant 0 : index
      %swap3A_50 = vector.load %arg9[%swap3A_48, %swap3A_49] : memref<8x128xf32, #tpu.memory_space<vmem>>, vector<8x128xf32>
      tpu.vector_store %arg9[%swap3A_48, %swap3A_49], %get3A_47 {strides = array<i32>} : memref<8x128xf32, #tpu.memory_space<vmem>>, vector<8x128xf32>,
      %get3A_51 = arith.constant 0 : index
      %get3A_52 = arith.constant 0 : index
      %get3A_53 = vector.load %arg12[%get3A_51, %get3A_52] : memref<8x128xf32, #tpu.memory_space<vmem>>, vector<8x128xf32>
      %swap3A_54 = arith.constant 0 : index
      %swap3A_55 = arith.constant 0 : index
      %swap3A_56 = vector.load %arg10[%swap3A_54, %swap3A_55] : memref<8x128xf32, #tpu.memory_space<vmem>>, vector<8x128xf32>
      tpu.vector_store %arg10[%swap3A_54, %swap3A_55], %get3A_53 {strides = array<i32>} : memref<8x128xf32, #tpu.memory_space<vmem>>, vector<8x128xf32>,
    } else {
    }
    return
  }
  func.func @transform_0(%arg0: i32) -> (i32, i32) {
    %c0_i32 = arith.constant 0 : i32
    %c0_i32_0 = arith.constant 0 : i32
    return %arg0, %c0_i32 : i32, i32
  }
  func.func @transform_1(%arg0: i32) -> (i32, i32) {
    %c0_i32 = arith.constant 0 : i32
    %c0_i32_0 = arith.constant 0 : i32
    return %arg0, %c0_i32 : i32, i32
  }
  func.func @transform_2(%arg0: i32) -> (i32, i32) {
    %c0_i32 = arith.constant 0 : i32
    %c0_i32_0 = arith.constant 0 : i32
    return %arg0, %c0_i32 : i32, i32
  }
  func.func @transform_3(%arg0: i32) -> (i32, i32) {
    %c0_i32 = arith.constant 0 : i32
    %c0_i32_0 = arith.constant 0 : i32
    %c0_i32_1 = arith.constant 0 : i32
    return %c0_i32, %c0_i32_0 : i32, i32
  }
  func.func @transform_4(%arg0: i32) -> i32 {
    %c0_i32 = arith.constant 0 : i32
    %c0_i32_0 = arith.constant 0 : i32
    return %c0_i32 : i32
  }
  func.func @transform_5(%arg0: i32) -> (i32, i32) {
    %c0_i32 = arith.constant 0 : i32
    %c0_i32_0 = arith.constant 0 : i32
    %c0_i32_1 = arith.constant 0 : i32
    return %c0_i32, %c0_i32_0 : i32, i32
  }
  func.func @transform_6(%arg0: i32) -> i32 {
    %c0_i32 = arith.constant 0 : i32
    %c0_i32_0 = arith.constant 0 : i32
    return %c0_i32 : i32
  }
  func.func @transform_7(%arg0: i32) -> (i32, i32) {
    %c0_i32 = arith.constant 0 : i32
    %c0_i32_0 = arith.constant 0 : i32
    return %arg0, %c0_i32 : i32, i32
  }
  func.func @transform_8(%arg0: i32) -> (i32, i32) {
    %c0_i32 = arith.constant 0 : i32
    %c0_i32_0 = arith.constant 0 : i32
    %c0_i32_1 = arith.constant 0 : i32
    return %c0_i32, %c0_i32_0 : i32, i32
  }
  func.func @transform_9(%arg0: i32) -> (i32, i32) {
    %c0_i32 = arith.constant 0 : i32
    %c0_i32_0 = arith.constant 0 : i32
    %c0_i32_1 = arith.constant 0 : i32
    return %c0_i32, %c0_i32_0 : i32, i32
  }
}

module attributes {stable_mosaic.version = 14 : i64} {
  func.func @_bn_relu_body(%arg0: i32, %arg1: memref<1000x128xf32, #tpu.memory_space<vmem>>, %arg2: memref<8x128xf32, #tpu.memory_space<vmem>>, %arg3: memref<8x128xf32, #tpu.memory_space<vmem>>, %arg4: memref<128xf32, #tpu.memory_space<vmem>>, %arg5: memref<128xf32, #tpu.memory_space<vmem>>, %arg6: memref<1000x128xf32, #tpu.memory_space<vmem>>) attributes {dimension_semantics = [#tpu.dimension_semantics<arbitrary>], iteration_bounds = array<i64: 10>, scalar_prefetch = 0 : i64, scratch_operands = 0 : i64, tpu.core_type = #tpu.core_type<tc>, window_params = [{transform_indices = @transform_0, window_bounds = array<i64: 1000, 128>}, {pipeline_mode = #tpu.pipeline_mode<synchronous>, transform_indices = @transform_1, window_bounds = array<i64: 8, 128>}, {pipeline_mode = #tpu.pipeline_mode<synchronous>, transform_indices = @transform_2, window_bounds = array<i64: 8, 128>}, {pipeline_mode = #tpu.pipeline_mode<synchronous>, transform_indices = @transform_3, window_bounds = array<i64: 128>}, {pipeline_mode = #tpu.pipeline_mode<synchronous>, transform_indices = @transform_4, window_bounds = array<i64: 128>}, {transform_indices = @transform_5, window_bounds = array<i64: 1000, 128>}]} {
    %get3A = arith.constant 0 : index
    %get3A_0 = arith.constant 0 : index
    %get3A_1 = vector.load %arg2[%get3A, %get3A_0] : memref<8x128xf32, #tpu.memory_space<vmem>>, vector<8x128xf32>
    %reduce_sum3A = arith.constant dense<0.000000e+00> : vector<128xf32>
    %reduce_sum3A_2 = vector.multi_reduction <add>, %get3A_1, %reduce_sum3A [0] : vector<8x128xf32> to vector<128xf32>
    %div3A = arith.constant 1.000000e+04 : f32
    %div3A_3 = vector.broadcast %div3A : f32 to vector<128xf32>
    %div3A_4 = arith.divf %reduce_sum3A_2, %div3A_3 : vector<128xf32>
    %get3A_5 = arith.constant 0 : index
    %get3A_6 = arith.constant 0 : index
    %get3A_7 = vector.load %arg3[%get3A_5, %get3A_6] : memref<8x128xf32, #tpu.memory_space<vmem>>, vector<8x128xf32>
    %reduce_sum3A_8 = arith.constant dense<0.000000e+00> : vector<128xf32>
    %reduce_sum3A_9 = vector.multi_reduction <add>, %get3A_7, %reduce_sum3A_8 [0] : vector<8x128xf32> to vector<128xf32>
    %div3A_10 = arith.constant 1.000000e+04 : f32
    %div3A_11 = vector.broadcast %div3A_10 : f32 to vector<128xf32>
    %div3A_12 = arith.divf %reduce_sum3A_9, %div3A_11 : vector<128xf32>
    %mul3A = arith.mulf %div3A_4, %div3A_4 : vector<128xf32>
    %sub3A = arith.subf %div3A_12, %mul3A : vector<128xf32>
    %add3A = arith.constant 9.99999974E-6 : f32
    %add3A_13 = vector.broadcast %add3A : f32 to vector<128xf32>
    %add3A_14 = arith.addf %sub3A, %add3A_13 : vector<128xf32>
    %rsqrt3A = math.rsqrt %add3A_14 : vector<128xf32>
    %get3A_15 = arith.constant 0 : index
    %get3A_16 = vector.load %arg4[%get3A_15] : memref<128xf32, #tpu.memory_space<vmem>>, vector<128xf32>
    %mul3A_17 = arith.mulf %rsqrt3A, %get3A_16 : vector<128xf32>
    %get3A_18 = arith.constant 0 : index
    %get3A_19 = arith.constant 0 : index
    %get3A_20 = vector.load %arg1[%get3A_18, %get3A_19] : memref<1000x128xf32, #tpu.memory_space<vmem>>, vector<1000x128xf32>
    %broadcast_in_dim3A = vector.shape_cast %div3A_4 : vector<128xf32> to vector<1x128xf32>
    %sub3A_21 = vector.broadcast %broadcast_in_dim3A : vector<1x128xf32> to vector<1000x128xf32>
    %sub3A_22 = arith.subf %get3A_20, %sub3A_21 : vector<1000x128xf32>
    %broadcast_in_dim3A_23 = vector.shape_cast %mul3A_17 : vector<128xf32> to vector<1x128xf32>
    %mul3A_24 = vector.broadcast %broadcast_in_dim3A_23 : vector<1x128xf32> to vector<1000x128xf32>
    %mul3A_25 = arith.mulf %sub3A_22, %mul3A_24 : vector<1000x128xf32>
    %get3A_26 = arith.constant 0 : index
    %get3A_27 = vector.load %arg5[%get3A_26] : memref<128xf32, #tpu.memory_space<vmem>>, vector<128xf32>
    %broadcast_in_dim3A_28 = vector.shape_cast %get3A_27 : vector<128xf32> to vector<1x128xf32>
    %add3A_29 = vector.broadcast %broadcast_in_dim3A_28 : vector<1x128xf32> to vector<1000x128xf32>
    %add3A_30 = arith.addf %mul3A_25, %add3A_29 : vector<1000x128xf32>
    %max3A = arith.constant 0.000000e+00 : f32
    %max3A_31 = vector.broadcast %max3A : f32 to vector<1000x128xf32>
    %max3A_32 = arith.maximumf %add3A_30, %max3A_31 : vector<1000x128xf32>
    %swap3A = arith.constant 0 : index
    %swap3A_33 = arith.constant 0 : index
    %swap3A_34 = vector.load %arg6[%swap3A, %swap3A_33] : memref<1000x128xf32, #tpu.memory_space<vmem>>, vector<1000x128xf32>
    tpu.vector_store %arg6[%swap3A, %swap3A_33], %max3A_32 {strides = array<i32>} : memref<1000x128xf32, #tpu.memory_space<vmem>>, vector<1000x128xf32>,
    return
  }
  func.func @transform_0(%arg0: i32) -> (i32, i32) {
    %c0_i32 = arith.constant 0 : i32
    %c0_i32_0 = arith.constant 0 : i32
    return %arg0, %c0_i32 : i32, i32
  }
  func.func @transform_1(%arg0: i32) -> (i32, i32) {
    %c0_i32 = arith.constant 0 : i32
    %c0_i32_0 = arith.constant 0 : i32
    %c0_i32_1 = arith.constant 0 : i32
    return %c0_i32, %c0_i32_0 : i32, i32
  }
  func.func @transform_2(%arg0: i32) -> (i32, i32) {
    %c0_i32 = arith.constant 0 : i32
    %c0_i32_0 = arith.constant 0 : i32
    %c0_i32_1 = arith.constant 0 : i32
    return %c0_i32, %c0_i32_0 : i32, i32
  }
  func.func @transform_3(%arg0: i32) -> i32 {
    %c0_i32 = arith.constant 0 : i32
    %c0_i32_0 = arith.constant 0 : i32
    return %c0_i32 : i32
  }
  func.func @transform_4(%arg0: i32) -> i32 {
    %c0_i32 = arith.constant 0 : i32
    %c0_i32_0 = arith.constant 0 : i32
    return %c0_i32 : i32
  }
  func.func @transform_5(%arg0: i32) -> (i32, i32) {
    %c0_i32 = arith.constant 0 : i32
    %c0_i32_0 = arith.constant 0 : i32
    return %arg0, %c0_i32 : i32, i32
  }
}

module attributes {stable_mosaic.version = 14 : i64} {
  func.func @_pool_body(%arg0: i32, %arg1: memref<1000x128xf32, #tpu.memory_space<vmem>>, %arg2: memref<8x128xf32, #tpu.memory_space<vmem>>, %arg3: memref<8x128xf32, #tpu.memory_space<vmem>>, %arg4: memref<128xf32, #tpu.memory_space<vmem>>, %arg5: memref<128xf32, #tpu.memory_space<vmem>>, %arg6: memref<1x1x1000xi32, #tpu.memory_space<vmem>>, %arg7: memref<128x128xf32, #tpu.memory_space<vmem>>, %arg8: memref<128xf32, #tpu.memory_space<vmem>>, %arg9: memref<128x128xf32, #tpu.memory_space<vmem>>, %arg10: memref<128x128xf32, #tpu.memory_space<vmem>>, %arg11: memref<128x128xf32, #tpu.memory_space<vmem>>) attributes {dimension_semantics = [#tpu.dimension_semantics<arbitrary>], iteration_bounds = array<i64: 10>, scalar_prefetch = 0 : i64, scratch_operands = 2 : i64, tpu.core_type = #tpu.core_type<tc>, window_params = [{transform_indices = @transform_0, window_bounds = array<i64: 1000, 128>}, {pipeline_mode = #tpu.pipeline_mode<synchronous>, transform_indices = @transform_1, window_bounds = array<i64: 8, 128>}, {pipeline_mode = #tpu.pipeline_mode<synchronous>, transform_indices = @transform_2, window_bounds = array<i64: 8, 128>}, {pipeline_mode = #tpu.pipeline_mode<synchronous>, transform_indices = @transform_3, window_bounds = array<i64: 128>}, {pipeline_mode = #tpu.pipeline_mode<synchronous>, transform_indices = @transform_4, window_bounds = array<i64: 128>}, {transform_indices = @transform_5, window_bounds = array<i64: 1, 1, 1000>}, {pipeline_mode = #tpu.pipeline_mode<synchronous>, transform_indices = @transform_6, window_bounds = array<i64: 128, 128>}, {pipeline_mode = #tpu.pipeline_mode<synchronous>, transform_indices = @transform_7, window_bounds = array<i64: 128>}, {pipeline_mode = #tpu.pipeline_mode<synchronous>, transform_indices = @transform_8, window_bounds = array<i64: 128, 128>}]} {
    %get3A = arith.constant 0 : index
    %get3A_0 = arith.constant 0 : index
    %get3A_1 = vector.load %arg2[%get3A, %get3A_0] : memref<8x128xf32, #tpu.memory_space<vmem>>, vector<8x128xf32>
    %reduce_sum3A = arith.constant dense<0.000000e+00> : vector<128xf32>
    %reduce_sum3A_2 = vector.multi_reduction <add>, %get3A_1, %reduce_sum3A [0] : vector<8x128xf32> to vector<128xf32>
    %div3A = arith.constant 1.000000e+04 : f32
    %div3A_3 = vector.broadcast %div3A : f32 to vector<128xf32>
    %div3A_4 = arith.divf %reduce_sum3A_2, %div3A_3 : vector<128xf32>
    %get3A_5 = arith.constant 0 : index
    %get3A_6 = arith.constant 0 : index
    %get3A_7 = vector.load %arg3[%get3A_5, %get3A_6] : memref<8x128xf32, #tpu.memory_space<vmem>>, vector<8x128xf32>
    %reduce_sum3A_8 = arith.constant dense<0.000000e+00> : vector<128xf32>
    %reduce_sum3A_9 = vector.multi_reduction <add>, %get3A_7, %reduce_sum3A_8 [0] : vector<8x128xf32> to vector<128xf32>
    %div3A_10 = arith.constant 1.000000e+04 : f32
    %div3A_11 = vector.broadcast %div3A_10 : f32 to vector<128xf32>
    %div3A_12 = arith.divf %reduce_sum3A_9, %div3A_11 : vector<128xf32>
    %mul3A = arith.mulf %div3A_4, %div3A_4 : vector<128xf32>
    %sub3A = arith.subf %div3A_12, %mul3A : vector<128xf32>
    %add3A = arith.constant 9.99999974E-6 : f32
    %add3A_13 = vector.broadcast %add3A : f32 to vector<128xf32>
    %add3A_14 = arith.addf %sub3A, %add3A_13 : vector<128xf32>
    %rsqrt3A = math.rsqrt %add3A_14 : vector<128xf32>
    %get3A_15 = arith.constant 0 : index
    %get3A_16 = vector.load %arg4[%get3A_15] : memref<128xf32, #tpu.memory_space<vmem>>, vector<128xf32>
    %mul3A_17 = arith.mulf %rsqrt3A, %get3A_16 : vector<128xf32>
    %get3A_18 = arith.constant 0 : index
    %get3A_19 = arith.constant 0 : index
    %get3A_20 = vector.load %arg1[%get3A_18, %get3A_19] : memref<1000x128xf32, #tpu.memory_space<vmem>>, vector<1000x128xf32>
    %broadcast_in_dim3A = vector.shape_cast %div3A_4 : vector<128xf32> to vector<1x128xf32>
    %sub3A_21 = vector.broadcast %broadcast_in_dim3A : vector<1x128xf32> to vector<1000x128xf32>
    %sub3A_22 = arith.subf %get3A_20, %sub3A_21 : vector<1000x128xf32>
    %broadcast_in_dim3A_23 = vector.shape_cast %mul3A_17 : vector<128xf32> to vector<1x128xf32>
    %mul3A_24 = vector.broadcast %broadcast_in_dim3A_23 : vector<1x128xf32> to vector<1000x128xf32>
    %mul3A_25 = arith.mulf %sub3A_22, %mul3A_24 : vector<1000x128xf32>
    %get3A_26 = arith.constant 0 : index
    %get3A_27 = vector.load %arg5[%get3A_26] : memref<128xf32, #tpu.memory_space<vmem>>, vector<128xf32>
    %broadcast_in_dim3A_28 = vector.shape_cast %get3A_27 : vector<128xf32> to vector<1x128xf32>
    %add3A_29 = vector.broadcast %broadcast_in_dim3A_28 : vector<1x128xf32> to vector<1000x128xf32>
    %add3A_30 = arith.addf %mul3A_25, %add3A_29 : vector<1000x128xf32>
    %max3A = arith.constant 0.000000e+00 : f32
    %max3A_31 = vector.broadcast %max3A : f32 to vector<1000x128xf32>
    %max3A_32 = arith.maximumf %add3A_30, %max3A_31 : vector<1000x128xf32>
    %get3A_33 = arith.constant 0 : index
    %get3A_34 = arith.constant 0 : index
    %get3A_35 = arith.constant 0 : index
    %get3A_36 = vector.load %arg6[%get3A_33, %get3A_34, %get3A_35] : memref<1x1x1000xi32, #tpu.memory_space<vmem>>, vector<1x1x1000xi32>
    %get3A_37 = vector.shape_cast %get3A_36 : vector<1x1x1000xi32> to vector<1000xi32>
    %iota3A = tpu.iota {dimensions = array<i32: 0>} : vector<128x1000xi32>
    %broadcast_in_dim3A_38 = vector.shape_cast %get3A_37 : vector<1000xi32> to vector<1x1000xi32>
    %eq3A = vector.broadcast %broadcast_in_dim3A_38 : vector<1x1000xi32> to vector<128x1000xi32>
    %eq3A_39 = arith.cmpi eq, %iota3A, %eq3A : vector<128x1000xi32>
    %convert_element_type3A = arith.extui %eq3A_39 : vector<128x1000xi1> to vector<128x1000xi32>
    %convert_element_type3A_40 = arith.sitofp %convert_element_type3A : vector<128x1000xi32> to vector<128x1000xf32>
    %dot_general3A = arith.constant dense<0.000000e+00> : vector<128x128xf32>
    %dot_general3A_41 = tpu.matmul %convert_element_type3A_40, %max3A_32, %dot_general3A {dimension_numbers = #tpu.dot_dimension_numbers<[1], [0], [0], [1], [0, 0, 1, 1], [], []>, transpose_lhs_hint = false} : vector<128x1000xf32>, vector<1000x128xf32>, vector<128x128xf32> -> vector<128x128xf32>
    %broadcast_in_dim3A_42 = arith.constant 1.000000e+00 : f32
    %broadcast_in_dim3A_43 = vector.broadcast %broadcast_in_dim3A_42 : f32 to vector<1000x128xf32>
    %dot_general3A_44 = arith.constant dense<0.000000e+00> : vector<128x128xf32>
    %dot_general3A_45 = tpu.matmul %convert_element_type3A_40, %broadcast_in_dim3A_43, %dot_general3A_44 {dimension_numbers = #tpu.dot_dimension_numbers<[1], [0], [0], [1], [0, 0, 1, 1], [], []>, transpose_lhs_hint = false} : vector<128x1000xf32>, vector<1000x128xf32>, vector<128x128xf32> -> vector<128x128xf32>
    %eq3A_46 = arith.constant 0 : i32
    %eq3A_47 = arith.cmpi eq, %arg0, %eq3A_46 : i32
    %convert_element_type3A_48 = arith.extui %eq3A_47 : i1 to i32
    %cond3A = arith.constant 0 : i32
    %cond3A_49 = arith.cmpi ne, %convert_element_type3A_48, %cond3A : i32
    scf.if %cond3A_49 {
      %swap3A = arith.constant 0 : index
      %swap3A_59 = arith.constant 0 : index
      %swap3A_60 = vector.load %arg10[%swap3A, %swap3A_59] : memref<128x128xf32, #tpu.memory_space<vmem>>, vector<128x128xf32>
      tpu.vector_store %arg10[%swap3A, %swap3A_59], %dot_general3A_41 {strides = array<i32>} : memref<128x128xf32, #tpu.memory_space<vmem>>, vector<128x128xf32>,
      %swap3A_61 = arith.constant 0 : index
      %swap3A_62 = arith.constant 0 : index
      %swap3A_63 = vector.load %arg11[%swap3A_61, %swap3A_62] : memref<128x128xf32, #tpu.memory_space<vmem>>, vector<128x128xf32>
      tpu.vector_store %arg11[%swap3A_61, %swap3A_62], %dot_general3A_45 {strides = array<i32>} : memref<128x128xf32, #tpu.memory_space<vmem>>, vector<128x128xf32>,
    } else {
    }
    %gt3A = arith.constant 0 : i32
    %gt3A_50 = arith.cmpi sgt, %arg0, %gt3A : i32
    %convert_element_type3A_51 = arith.extui %gt3A_50 : i1 to i32
    %cond3A_52 = arith.constant 0 : i32
    %cond3A_53 = arith.cmpi ne, %convert_element_type3A_51, %cond3A_52 : i32
    scf.if %cond3A_53 {
      %get3A_59 = arith.constant 0 : index
      %get3A_60 = arith.constant 0 : index
      %get3A_61 = vector.load %arg10[%get3A_59, %get3A_60] : memref<128x128xf32, #tpu.memory_space<vmem>>, vector<128x128xf32>
      %add3A_62 = arith.addf %get3A_61, %dot_general3A_41 : vector<128x128xf32>
      %swap3A = arith.constant 0 : index
      %swap3A_63 = arith.constant 0 : index
      %swap3A_64 = vector.load %arg10[%swap3A, %swap3A_63] : memref<128x128xf32, #tpu.memory_space<vmem>>, vector<128x128xf32>
      tpu.vector_store %arg10[%swap3A, %swap3A_63], %add3A_62 {strides = array<i32>} : memref<128x128xf32, #tpu.memory_space<vmem>>, vector<128x128xf32>,
      %get3A_65 = arith.constant 0 : index
      %get3A_66 = arith.constant 0 : index
      %get3A_67 = vector.load %arg11[%get3A_65, %get3A_66] : memref<128x128xf32, #tpu.memory_space<vmem>>, vector<128x128xf32>
      %add3A_68 = arith.addf %get3A_67, %dot_general3A_45 : vector<128x128xf32>
      %swap3A_69 = arith.constant 0 : index
      %swap3A_70 = arith.constant 0 : index
      %swap3A_71 = vector.load %arg11[%swap3A_69, %swap3A_70] : memref<128x128xf32, #tpu.memory_space<vmem>>, vector<128x128xf32>
      tpu.vector_store %arg11[%swap3A_69, %swap3A_70], %add3A_68 {strides = array<i32>} : memref<128x128xf32, #tpu.memory_space<vmem>>, vector<128x128xf32>,
    } else {
    }
    %eq3A_54 = arith.constant 9 : i32
    %eq3A_55 = arith.cmpi eq, %arg0, %eq3A_54 : i32
    %convert_element_type3A_56 = arith.extui %eq3A_55 : i1 to i32
    %cond3A_57 = arith.constant 0 : i32
    %cond3A_58 = arith.cmpi ne, %convert_element_type3A_56, %cond3A_57 : i32
    scf.if %cond3A_58 {
      %get3A_59 = arith.constant 0 : index
      %get3A_60 = arith.constant 0 : index
      %get3A_61 = vector.load %arg10[%get3A_59, %get3A_60] : memref<128x128xf32, #tpu.memory_space<vmem>>, vector<128x128xf32>
      %get3A_62 = arith.constant 0 : index
      %get3A_63 = arith.constant 0 : index
      %get3A_64 = vector.load %arg11[%get3A_62, %get3A_63] : memref<128x128xf32, #tpu.memory_space<vmem>>, vector<128x128xf32>
      %max3A_65 = arith.constant 1.000000e+00 : f32
      %max3A_66 = vector.broadcast %max3A_65 : f32 to vector<128x128xf32>
      %max3A_67 = arith.maximumf %get3A_64, %max3A_66 : vector<128x128xf32>
      %div3A_68 = arith.divf %get3A_61, %max3A_67 : vector<128x128xf32>
      %get3A_69 = arith.constant 0 : index
      %get3A_70 = arith.constant 0 : index
      %get3A_71 = vector.load %arg7[%get3A_69, %get3A_70] : memref<128x128xf32, #tpu.memory_space<vmem>>, vector<128x128xf32>
      %dot_general3A_72 = arith.constant dense<0.000000e+00> : vector<128x128xf32>
      %dot_general3A_73 = tpu.matmul %div3A_68, %get3A_71, %dot_general3A_72 {dimension_numbers = #tpu.dot_dimension_numbers<[1], [0], [0], [1], [0, 0, 1, 1], [], []>, transpose_lhs_hint = false} : vector<128x128xf32>, vector<128x128xf32>, vector<128x128xf32> -> vector<128x128xf32>
      %get3A_74 = arith.constant 0 : index
      %get3A_75 = vector.load %arg8[%get3A_74] : memref<128xf32, #tpu.memory_space<vmem>>, vector<128xf32>
      %broadcast_in_dim3A_76 = vector.shape_cast %get3A_75 : vector<128xf32> to vector<1x128xf32>
      %add3A_77 = vector.broadcast %broadcast_in_dim3A_76 : vector<1x128xf32> to vector<128x128xf32>
      %add3A_78 = arith.addf %dot_general3A_73, %add3A_77 : vector<128x128xf32>
      %swap3A = arith.constant 0 : index
      %swap3A_79 = arith.constant 0 : index
      %swap3A_80 = vector.load %arg9[%swap3A, %swap3A_79] : memref<128x128xf32, #tpu.memory_space<vmem>>, vector<128x128xf32>
      tpu.vector_store %arg9[%swap3A, %swap3A_79], %add3A_78 {strides = array<i32>} : memref<128x128xf32, #tpu.memory_space<vmem>>, vector<128x128xf32>,
    } else {
    }
    return
  }
  func.func @transform_0(%arg0: i32) -> (i32, i32) {
    %c0_i32 = arith.constant 0 : i32
    %c0_i32_0 = arith.constant 0 : i32
    return %arg0, %c0_i32 : i32, i32
  }
  func.func @transform_1(%arg0: i32) -> (i32, i32) {
    %c0_i32 = arith.constant 0 : i32
    %c0_i32_0 = arith.constant 0 : i32
    %c0_i32_1 = arith.constant 0 : i32
    return %c0_i32, %c0_i32_0 : i32, i32
  }
  func.func @transform_2(%arg0: i32) -> (i32, i32) {
    %c0_i32 = arith.constant 0 : i32
    %c0_i32_0 = arith.constant 0 : i32
    %c0_i32_1 = arith.constant 0 : i32
    return %c0_i32, %c0_i32_0 : i32, i32
  }
  func.func @transform_3(%arg0: i32) -> i32 {
    %c0_i32 = arith.constant 0 : i32
    %c0_i32_0 = arith.constant 0 : i32
    return %c0_i32 : i32
  }
  func.func @transform_4(%arg0: i32) -> i32 {
    %c0_i32 = arith.constant 0 : i32
    %c0_i32_0 = arith.constant 0 : i32
    return %c0_i32 : i32
  }
  func.func @transform_5(%arg0: i32) -> (i32, i32, i32) {
    %c0_i32 = arith.constant 0 : i32
    %c0_i32_0 = arith.constant 0 : i32
    %c0_i32_1 = arith.constant 0 : i32
    return %arg0, %c0_i32, %c0_i32_0 : i32, i32, i32
  }
  func.func @transform_6(%arg0: i32) -> (i32, i32) {
    %c0_i32 = arith.constant 0 : i32
    %c0_i32_0 = arith.constant 0 : i32
    %c0_i32_1 = arith.constant 0 : i32
    return %c0_i32, %c0_i32_0 : i32, i32
  }
  func.func @transform_7(%arg0: i32) -> i32 {
    %c0_i32 = arith.constant 0 : i32
    %c0_i32_0 = arith.constant 0 : i32
    return %c0_i32 : i32
  }
  func.func @transform_8(%arg0: i32) -> (i32, i32) {
    %c0_i32 = arith.constant 0 : i32
    %c0_i32_0 = arith.constant 0 : i32
    %c0_i32_1 = arith.constant 0 : i32
    return %c0_i32, %c0_i32_0 : i32, i32
  }
}

</mosaic_0001>

<sc_bundles>
// kernel: kernel.11.cloned.1.call-start
scs
__scs_entry_jumppad:
0x0: {  	(pc) =	sbr.rel $0x88, $3  }
0x1: {  	(tag) =	ssettag $0x0;
	lr =	simm.s32 $0x1  }
0x2: {  	[smem:$0x3F8A] =	sst lr;
	_ =	strace $0xD0000000  }
0x3: {  	_ = 	snop  }
0x4: {  	_ = 	snop  }
0x5: {  	_ = 	snop  }
0x6: {  	_ = 	snop  }
0x7: {  	_ = 	snop  }
__scs_overlays_trampoline_lowered:
0x8: {  	[smem:$0x3F99] =	sst s0  }
0x9: {  	[smem:$0x3F9A] =	sst s1  }
0xa: {  	[smem:$0x3F9B] =	sst s2  }
0xb: {  	[smem:$0x3F9C] =	sst s3  }
0xc: {  	[smem:$0x3F9D] =	sst s4  }
0xd: {  	[smem:$0x3F9E] =	sst s5  }
0xe: {  	[smem:$0x3F9F] =	sst s6  }
0xf: {  	[smem:$0x3FA0] =	sst s7  }
0x10: {  	[smem:$0x3FA1] =	sst s8  }
0x11: {  	[smem:$0x3FA2] =	sst s9;
	s0 =	simm.s32 @!p0 $0x0  }
0x12: {  	s1 =	sld [smem:$0x3F88];
	s0 =	simm.s32 @p0 $0x1  }
0x13: {  	[smem:$0x3FA3] =	sst s0;
	s0 =	simm.s32 @!p1 $0x0  }
0x14: {  	s2 =	sld [smem:$0x3F87];
	s0 =	simm.s32 @p1 $0x1  }
0x15: {  	[smem:$0x3FA4] =	sst s0;
	s0 =	simm.s32 @!p2 $0x0  }
0x16: {  	s3 =	sld [smem:$0x3FDB];
	s0 =	simm.s32 @p2 $0x1  }
0x17: {  	s4 =	simm.s32 $0x1BF5;
	[smem:$0x3FA6] =	sst s0  }
0x18: {  	s0 =	sld [smem:$0x3F89];
	_ =	swait.ge [sflag:s4], $0x0  }
0x19: {  	s7 =	sld [smem:$0x3F8A]  }
0x1a: {  	s8 =	sadd.s32 $0xFFFFE003, lr  }
0x1b: {  	s9 =	sadd.s32 $0xFFFFFEF7, lr;
	s5 =	simm.s32 $0xFFFFFFFF;
	p2 =	slt.u32 s8, $0xFFFFF086  }
0x1c: {  	p1 =	slt.u32 s9, $0xF7A;
	s5 =	simm.s32 @!p2 $0x0  }
0x1d: {  	s5 =	simm.s32 @p1 $0x1;
	p0 =	seq.s32 s7, s2  }
0x1e: {  	s7 =	smul.u32 @!p0 $0xF7A, s2;
	p2 =	seq.s32 @!p0 s5, $0x0  }
0x1f: {  	s9 =	smul.u32 $0xF7A, s1;
	s8 =	simm.s32 @!p0 $0x1BF5;
	p2 =	por !p2, p0  }
0x20: {  	[sflag:s8] =	ssyncset.s32 @!p0 $0xFFFFF086;
	s6 =	sadd.s32 @!p0 s3, s7;
	s7 =	simm.s32 @!p0 $0x108  }
0x21: {  	s3 =	sadd.s32 s3, s9;
	s6 =	sadd.s32 @!p0 $0x88, s6;
	s7 =	simm.s32 @p2 $0x1082  }
0x22: {  	[simem:s7], [sflag:s8] =	dma.local @!p0 [hbm:s6], $0xF7A  }
0x23: {  	s9 =	sor.u32 $0xD0000000, s2;
	s6 =	simm.s32 $0x108;
	_ =	swait.ge @!p0 [sflag:s8], $0x0  }
0x24: {  	s3 =	sadd.s32 $0x88, s3;
	s6 =	simm.s32 @!p1 $0x1082;
	[sflag:s4] =	ssyncset.s32 $0xFFFFF086  }
0x25: {  	[simem:s6], [sflag:s4] =	dma.local [hbm:s3], $0xF7A  }
0x26: {  	[smem:$0x3F8A] =	sst s1;
	(tag) =	ssettag s2;
	_ =	strace s9  }
0x27: {  	s1 =	sld [smem:$0x3F9A]  }
0x28: {  	s2 =	sld [smem:$0x3F9B]  }
0x29: {  	s4 =	sld [smem:$0x3F9D]  }
0x2a: {  	p0 =	seq.s32 s5, $0x0;
	s5 =	sld [smem:$0x3F9E]  }
0x2b: {  	s6 =	sld [smem:$0x3F9F]  }
0x2c: {  	s7 =	sld [smem:$0x3FA0]  }
0x2d: {  	s3 =	simm.s32 $0x108;
	s8 =	sld [smem:$0x3FA1]  }
0x2e: {  	s3 =	simm.s32 @!p0 $0x1082;
	s9 =	sld [smem:$0x3FA2]  }
0x2f: {  	lr =	sadd.s32 s0, s3;
	s0 =	sld [smem:$0x3F99]  }
0x30: {  	s3 =	sld [smem:$0x3F9C]  }
0x31: {  	[smem:$0x3FA5] =	sst s10  }
0x32: {  	s10 =	sld [smem:$0x3FA3];
	_ =	sdelay $0x3  }
0x33: {  	p0 =	seq.s32 s10, $0x1;
	s10 =	sld [smem:$0x3FA5];
	_ =	sdelay $0x3  }
0x34: {  	[smem:$0x3FA5] =	sst s10  }
0x35: {  	s10 =	sld [smem:$0x3FA4];
	_ =	sdelay $0x3  }
0x36: {  	p1 =	seq.s32 s10, $0x1;
	s10 =	sld [smem:$0x3FA5];
	_ =	sdelay $0x3  }
0x37: {  	[smem:$0x3FA5] =	sst s10  }
0x38: {  	s10 =	sld [smem:$0x3FA6]  }
0x39: {  	_ = 	snop;
	(pc) =	sbr.ind lr, $3  }
0x3a: {  	_ = 	snop  }
0x3b: {  	_ = 	snop  }
0x3c: {  	p2 =	seq.s32 s10, $0x1;
	s10 =	sld [smem:$0x3FA5]  }
0x3d: {  	_ =	shalt  }
0x3e: {  	_ =	shalt  }
0x3f: {  	_ =	shalt  }
0x40: {  	_ =	shalt  }
0x41: {  	_ =	shalt  }
0x42: {  	_ =	shalt  }
0x43: {  	_ =	shalt  }
0x44: {  	_ =	shalt  }
0x45: {  	_ =	shalt  }
0x46: {  	_ =	shalt  }
0x47: {  	_ =	shalt  }
0x48: {  	_ =	shalt  }
0x49: {  	_ =	shalt  }
0x4a: {  	_ =	shalt  }
0x4b: {  	_ =	shalt  }
0x4c: {  	_ =	shalt  }
0x4d: {  	_ =	shalt  }
0x4e: {  	_ =	shalt  }
0x4f: {  	_ =	shalt  }
0x50: {  	_ =	shalt  }
0x51: {  	_ =	shalt  }
0x52: {  	_ =	shalt  }
0x53: {  	_ =	shalt  }
0x54: {  	_ =	shalt  }
0x55: {  	_ =	shalt  }
0x56: {  	_ =	shalt  }
0x57: {  	_ =	shalt  }
0x58: {  	_ =	shalt  }
0x59: {  	_ =	shalt  }
0x5a: {  	_ =	shalt  }
0x5b: {  	_ =	shalt  }
0x5c: {  	_ =	shalt  }
0x5d: {  	_ =	shalt  }
0x5e: {  	_ =	shalt  }
0x5f: {  	_ =	shalt  }
0x60: {  	_ =	shalt  }
0x61: {  	_ =	shalt  }
0x62: {  	_ =	shalt  }
0x63: {  	_ =	shalt  }
0x64: {  	_ =	shalt  }
0x65: {  	_ =	shalt  }
0x66: {  	_ =	shalt  }
0x67: {  	_ =	shalt  }
0x68: {  	_ =	shalt  }
0x69: {  	_ =	shalt  }
0x6a: {  	_ =	shalt  }
0x6b: {  	_ =	shalt  }
0x6c: {  	_ =	shalt  }
0x6d: {  	_ =	shalt  }
0x6e: {  	_ =	shalt  }
0x6f: {  	_ =	shalt  }
0x70: {  	_ =	shalt  }
0x71: {  	_ =	shalt  }
0x72: {  	_ =	shalt  }
0x73: {  	_ =	shalt  }
0x74: {  	_ =	shalt  }
0x75: {  	_ =	shalt  }
0x76: {  	_ =	shalt  }
0x77: {  	_ =	shalt  }
0x78: {  	_ =	shalt  }
0x79: {  	_ =	shalt  }
0x7a: {  	_ =	shalt  }
0x7b: {  	_ =	shalt  }
0x7c: {  	_ =	shalt  }
0x7d: {  	_ =	shalt  }
0x7e: {  	_ =	shalt  }
0x7f: {  	_ =	shalt  }
0x80: {  	_ =	shalt  }
0x81: {  	_ =	shalt  }
0x82: {  	_ =	shalt  }
0x83: {  	_ =	shalt  }
0x84: {  	_ =	shalt  }
0x85: {  	_ =	shalt  }
0x86: {  	_ =	shalt  }
0x87: {  	_ =	shalt  }
.Lfunc_end0:
.L_simem_size_0:
called_computation_lowered:
.L_overlay_start_0:
0x88: {  	s2 =	sld [smem:$0x3FD9]  }
0x89: {  	s3 =	sld [smem:$0x3FFE];
	_ =	sdelay $0x1  }
0x8a: {  	s1 =	srdreg.scid  }
0x8b: {  	s0 =	sand.u32 $0x1, s1  }
0x8c: {  	s17 =	sshll.u32 s0, $0xA;
	s2 =	sadd.s32 s3, s2  }
0x8d: {  	s2 =	sadd.s32 s2, s17  }
0x8e: {  	[smem:$0x3FB1] =	sst s2  }
0x8f: {  	_ = 	snop  }
0x90: {  	s2 =	sld [smem:$0x3FC9];
	(tm) =	ssettm $0x1  }
0x91: {  	s18 =	sld [smem:$0x3FFB];
	_ =	sdelay $0x3  }
0x92: {  	_ =	strace s18  }
0x93: {  	s3 =	sld [smem:$0x3FFC];
	_ =	sdelay $0x3  }
0x94: {  	_ =	strace s3  }
0x95: {  	s3 =	sld [smem:$0x3FFD];
	_ =	sdelay $0x3  }
0x96: {  	_ =	strace s3  }
0x97: {  	_ =	strace $0x8FFFFFFF  }
0x98: {  	s19 =	sld [smem:$0x3FDB];
	_ =	sdelay $0x1  }
0x99: {  	s4 =	simm.s32 $_scs_section_size  }
0x9a: {  	s5 =	simm.s32 $_size__tile_overlayer_lowered;
	s6 =	simm.s32 $_tile_overlayer_lowered  }
0x9b: {  	s22 =	simm.s32 $0x1BFF;
	s21 =	sshll.u32 s6, $0x1;
	s3 =	sadd.s32 s4, s19  }
0x9c: {  	s7 =	simm.s32 $0x0;
	s20 =	sshll.u32 s5, $0x1;
	s5 =	sadd.s32 s21, s3  }
0x9d: {  	[timem:s7], [sflag:s22] =	dma.local [hbm:s5], s20  }
0x9e: {  	_ =	swait.ge [sflag:s22], s20  }
0x9f: {  	s4 =	ssub.s32 $0x0, s20;
	[sflag:s22] =	ssyncset.done $0x0  }
0xa0: {  	[sflag:s22] =	ssyncadd.s32 s4;
	_ =	sdelay $0x1  }
0xa1: {  	s23 =	simm.s32 $0x1B8B  }
0xa2: {  	_ =	swait.ge [sflag:s23], $0x1  }
0xa3: {  	[sflag:s23] =	ssyncset.done $0x0  }
0xa4: {  	s25 =	simm.s32 $0x1B8E;
	s24 =	sld [smem:$0x3FFE];
	[sflag:s23] =	ssyncadd.s32 $0xFFFFFFFF  }
0xa5: {  	s26 =	simm.s32 $execute0_lowered;
	[smem:$0x3FD2] =	sst s25  }
0xa6: {  	s5 =	sshll.u32 s26, $0x1;
	_ =	strace $0x80000046;
	[dreg:$0x1] =	wrdreg $0xFFFFFFFF  }
0xa7: {  	s28 =	simm.s32 $_size_execute0_lowered;
	s3 =	sadd.s32 s3, s5;
	[dreg:$0x0] =	wrdreg $0x0  }
0xa8: {  	s5 =	sshll.u32 s28, $0x1;
	[dreg:$0x2] =	wrdreg s3  }
0xa9: {  	[dreg:$0x3] =	wrdreg s5  }
0xaa: {  	[dreg:$0x4] =	wrdreg $0xC0  }
0xab: {  	_ =	task [dreg:s7], $0x5FFFF  }
0xac: {  	[dreg:$0x1] =	wrdreg $0xFFFFFFFF  }
0xad: {  	[dreg:$0x0] =	wrdreg $0x60  }
0xae: {  	[dreg:$0x2] =	wrdreg s2  }
0xaf: {  	[dreg:$0x3] =	wrdreg s24  }
0xb0: {  	[dreg:$0x4] =	wrdreg $0x84000  }
0xb1: {  	[dreg:$0x5] =	wrdreg $0x9  }
0xb2: {  	_ =	task.clear_ibuf [dreg:s7], $0x6FFFF;
	_ =	strace $0x90000046  }
0xb3: {  	s29 =	simm.s32 $0x9;
	_ =	strace $0x80000048  }
0xb4: {  	_ =	swait.ge [sflag:s29], $0x1  }
0xb5: {  	[sflag:s29] =	ssyncadd.s32 $0xFFFFFFFF  }
0xb6: {  	_ =	strace $0x90000048  }
0xb7: {  	_ =	sfence  }
0xb8: {  	s30 =	sld [smem:$0x0];
	_ =	sdelay $0x2  }
0xb9: {  	s31 =	sshll.u32 s1, $0xD;
	s1 =	sshrl.u32 s1, $0x2  }
0xba: {  	s3 =	sand.u32 $0x4000, s31;
	s1 =	sadd.s32 s1, s30  }
0xbb: {  	s0 =	sor.u32 s3, s0;
	s1 =	sshll.u32 s1, $0x11  }
0xbc: {  	s0 =	sor.u32 s1, s0  }
0xbd: {  	s0 =	sadd.s32 $0x8F2B, s0  }
0xbe: {  	[sflag:s0] =	ssyncadd.remote.s32 $0x1  }
0xbf: {  	_ =	sfence.sel $0xFFFF  }
0xc0: {  	[dreg:$0x0] =	wrdreg $0xFFFFFFFF;
	(pc) =	sbr.abs _section_cstart, $3  }
0xc1: {  	[dreg:$0x1] =	wrdreg $0xFFFFFFFF  }
0xc2: {  	_ =	task.clear_ibuf [dreg:s7], $0x2FFFF;
	_ =	strace $0x9FFFFFFF  }
0xc3: {  	(tm) =	ssettm $0x7FFFFFFF  }
tec
execute0_lowered:
.L_overlay_start_1:
0x0: {  	(tag) =	ssettag $0x1  }
0x1: {  	s1 =	rddreg [dreg:$0x0]  }
0x2: {  	s0 =	rddreg [dreg:$0x1]  }
0x3: {  	s3 =	rddreg [dreg:$0x2]  }
0x4: {  	s2 =	srdreg.scid;
	s12 =	stileid.u32;
	s4 =	simm.s32 $0x0  }
0x5: {  	s31 =	simm.s32 $0x200;
	s28 =	simm.s32 $0x300;
	s30 =	simm.s32 $0x0  }
0x6: {  	s2 =	sand.u32 $0x1, s2;
	s5 =	sshll.u32 s12, $0x1;
	[smem:$0x7FF] =	sst s4  }
0x7: {  	s6 =	sadd.s32 $0x5E00, s0;
	s7 =	sadd.s32 $0xFE00, s0;
	s17 =	smul.u32 $0x5000, s12  }
0x8: {  	s9 =	sadd.s32 $0x19E00, s0;
	s23 =	smul.u32 $0x4E000, s12;
	p1 =	sne.s32 s12, $0xF  }
0x9: {  	p2 =	seq.s32 s12, $0xF;
	s5 =	sor.u32 s2, s5;
	_ =	strace $0x80000047  }
0xa: {  	s8 =	ssub.s32 $0x2, s2;
	[dreg:$0x4] =	wrdreg s9;
	s11 =	smul.u32 $0x2800, s2  }
0xb: {  	p0 =	seq.s32 s2, $0x1;
	s5 =	smul.u32 $0x2800, s5;
	s15 =	sshrl.u32 s8, $0x1  }
0xc: {  	s8 =	ssub.s32 s8, s15;
	s9 =	sadd.s32 s11, s17;
	s11 =	sadd.s32 $0x43800, s0  }
0xd: {  	s5 =	sshrl.u32 s5, $0x3;
	s22 =	sor.u32 $0x380, s9;
	s24 =	sor.u32 $0x300, s9  }
0xe: {  	s25 =	sor.u32 $0x280, s9;
	s9 =	sor.u32 $0x200, s9;
	[dreg:$0xe] =	wrdreg s11  }
0xf: {  	s16 =	sadd.s32 s6, s5;
	s10 =	sadd.s32 s7, s5;
	s18 =	sor.u32 $0x10, s5  }
0x10: {  	s19 =	sor.u32 $0x20, s5;
	s5 =	sor.u32 $0x30, s5;
	[dreg:$0x5] =	wrdreg s16  }
0x11: {  	s2 =	sshrl.u32 s24, $0x3;
	[dreg:$0x6] =	wrdreg s10;
	s13 =	sadd.s32 s6, s18  }
0x12: {  	s26 =	sshrl.u32 s9, $0x3;
	s10 =	sadd.s32 s7, s18;
	[dreg:$0x7] =	wrdreg s13  }
0x13: {  	s9 =	sshrl.u32 s23, $0x2;
	s20 =	sadd.s32 s6, s19;
	[dreg:$0x8] =	wrdreg s10  }
0x14: {  	s21 =	sadd.s32 s6, s5;
	s5 =	sadd.s32 s7, s5;
	[dreg:$0x9] =	wrdreg s20  }
0x15: {  	s16 =	sadd.s32 s2, s7;
	s17 =	sadd.s32 s2, s6;
	[dreg:$0xb] =	wrdreg s21  }
0x16: {  	s2 =	simm.s32 $0x280;
	s10 =	sadd.s32 s7, s19;
	[dreg:$0xc] =	wrdreg s5  }
0x17: {  	s20 =	sadd.s32 s26, s7;
	s21 =	sadd.s32 s26, s6;
	s13 =	sadd.s32 s9, s3  }
0x18: {  	s26 =	sadd.s32 $0x138000, s3;
	s9 =	simm.s32 $0x2;
	[dreg:$0xa] =	wrdreg s10  }
0x19: {  	s10 =	sshrl.u32 s22, $0x3;
	[dreg:$0xf] =	wrdreg s13;
	s22 =	sshll.u32 s12, $0x6  }
0x1a: {  	[dreg:$0x14] =	wrdreg s26;
	s26 =	simm.s32 $0x100;
	s13 =	simm.s32 $0x6  }
0x1b: {  	s14 =	sadd.s32 s10, s7;
	s15 =	sadd.s32 s10, s6;
	s10 =	sshrl.u32 s25, $0x3  }
0x1c: {  	s29 =	sor.u32 $0x1C07, s22;
	s25 =	smax.u32 s8, $0x1;
	s22 =	simm.s32 $0x180  }
0x1d: {  	s8 =	simm.s32 $0x400;
	s18 =	sadd.s32 s10, s7;
	s19 =	sadd.s32 s10, s6  }
0x1e: {  	s7 =	sadd.s32 $0x1C600, s0;
	s10 =	smul.u32 $0x2700, s12;
	[dreg:$0x13] =	wrdreg s25  }
.Ltmp0:
0x1f: {  	s0 =	simm.s32 $0x80;
	[dreg:$0x10] =	wrdreg s29;
	(pc) =	sbr.rel .LBB2_1-.Ltmp0, $4  }
0x20: {  	s6 =	simm.s32 $0x7;
	s12 =	simm.s32 $0x3;
	[dreg:$0xd] =	wrdreg s7  }
0x21: {  	s23 =	sadd.s32 s7, s10;
	s24 =	sadd.s32 s11, s10;
	s7 =	simm.s32 $0x1  }
0x22: {  	s10 =	simm.s32 $0x4400;
	s11 =	simm.s32 $0x5;
	[dreg:$0x11] =	wrdreg s23  }
0x23: {  	[dreg:$0x12] =	wrdreg s24;
	s23 =	simm.s32 $0x380;
	s24 =	simm.s32 $0x4  }
.LBB2_7:
0x24: {  	s25 =	rddreg [dreg:$0x14]  }
0x25: {  	s5 =	sadd.s32 $0x27000, s5;
	s25 =	sshrl.u32 s25, $0x3  }
0x26: {  	[hbm:s5], [sflag:s29] =	dma.local [spmem:s25], $0x100  }
0x27: {  	_ =	swait.ge [sflag:s6], $0x100  }
0x28: {  	[sflag:s6] =	ssyncset.done $0x0  }
0x29: {  	[sflag:s6] =	ssyncadd.s32 $0xFFFFFF00  }
.LBB2_8:
0x2a: {  	s30 =	sadd.s32 $0x1, s30;
	s5 =	rddreg [dreg:$0x13]  }
0x2b: {  	p3 =	sne.s32 s30, s5  }
.Ltmp1:
0x2c: {  	_ = 	snop;
	(pc) =	sbr.rel @!p3 .LBB2_9-.Ltmp1, $1  }
0x2d: {  	_ =	sdelay $0x3  }
.LBB2_1:
0x2e: {  	[dreg:$0x15] =	wrdreg s30  }
0x2f: {  	s5 =	rddreg [dreg:$0x5]  }
0x30: {  	s25 =	rddreg [dreg:$0x6]  }
0x31: {  	[tilespmem:s4], [sflag:$0x1] =	stream.linear.gather [hbm4b:s5+s4], $0x80, $0x38;
	[tilespmem:$0x1C080] =	vst v63  }
0x32: {  	s30 =	rddreg [dreg:$0x7]  }
0x33: {  	[tilespmem:s31], [sflag:$0x1] =	stream.linear.gather [hbm4b:s25+s4], $0x80, $0x38;
	[tilespmem:$0x1C080] =	vst v63  }
0x34: {  	s25 =	rddreg [dreg:$0x8]  }
0x35: {  	[tilespmem:s0], [sflag:$0x2] =	stream.linear.gather [hbm4b:s30+s4], $0x80, $0x38;
	[tilespmem:$0x1C080] =	vst v63  }
0x36: {  	s30 =	rddreg [dreg:$0x9]  }
0x37: {  	[tilespmem:s2], [sflag:$0x2] =	stream.linear.gather [hbm4b:s25+s4], $0x80, $0x38;
	[tilespmem:$0x1C080] =	vst v63  }
0x38: {  	s25 =	rddreg [dreg:$0xa]  }
0x39: {  	[tilespmem:s26], [sflag:$0x3] =	stream.linear.gather [hbm4b:s30+s4], $0x80, $0x38;
	[tilespmem:$0x1C080] =	vst v63  }
0x3a: {  	s30 =	rddreg [dreg:$0xb]  }
0x3b: {  	[tilespmem:s28], [sflag:$0x3] =	stream.linear.gather [hbm4b:s25+s4], $0x80, $0x38;
	[tilespmem:$0x1C080] =	vst v63  }
0x3c: {  	s25 =	rddreg [dreg:$0xc]  }
0x3d: {  	[tilespmem:s22], [sflag:$0x4] =	stream.linear.gather [hbm4b:s30+s4], $0x80, $0x38;
	[tilespmem:$0x1C080] =	vst v63  }
0x3e: {  	s30 =	rddreg [dreg:$0xf]  }
0x3f: {  	[tilespmem:s23], [sflag:$0x4] =	stream.linear.gather [hbm4b:s25+s4], $0x80, $0x38;
	[tilespmem:$0x1C080] =	vst v63  }
0x40: {  	s5 =	sshrl.u32 s30, $0x3;
	s25 =	rddreg [dreg:$0x4]  }
0x41: {  	[dreg:$0x16] =	wrdreg s5  }
0x42: {  	[spmem:s5], [sflag:s29] =	dma.local [hbm:s25], $0x2700  }
0x43: {  	_ =	swait.ge [sflag:s6], $0x2700  }
0x44: {  	[sflag:s6] =	ssyncset.done $0x0;
	s5 =	rddreg [dreg:$0x14]  }
0x45: {  	[sflag:s6] =	ssyncadd.s32 $0xFFFFD900;
	s5 =	sshrl.u32 @!p1 s5, $0x3  }
0x46: {  	[spmem:s5], [sflag:s29] =	dma.local @!p1 [hbm:s25], $0x100  }
0x47: {  	s5 =	simm.s32 @!p1 $0x7  }
0x48: {  	_ =	swait.ge @!p1 [sflag:s5], $0x100  }
0x49: {  	[sflag:s5] =	ssyncset.done @!p1 $0x0  }
0x4a: {  	[sflag:s5] =	ssyncadd.s32 @!p1 $0xFFFFFF00  }
0x4b: {  	_ =	swait.ge [sflag:s7], $0x80  }
0x4c: {  	[sflag:s7] =	ssyncset.done $0x0  }
0x4d: {  	[sflag:s7] =	ssyncadd.s32 $0xFFFFFF80  }
0x4e: {  	_ =	swait.ge [sflag:s7], $0x80  }
0x4f: {  	[sflag:s7] =	ssyncset.done $0x0  }
0x50: {  	[sflag:s7] =	ssyncadd.s32 $0xFFFFFF80  }
0x51: {  	[tilespmem:s8], [sflag:$0x5] =	stream.indirect.gather [hbm4b:s1+s0], $0x80, s4, s0, $0xb8;
	[tilespmem:$0x1C080] =	vst v63  }
0x52: {  	s5 =	simm.s32 $0x0;
	[bflag:$0x0] =	sbarrier.arrive $0xFFFF  }
.LBB2_2:
0x53: {  	_ =	swait.ge [sflag:s9], $0x80  }
0x54: {  	[sflag:s9] =	ssyncset.done $0x0  }
0x55: {  	[sflag:s9] =	ssyncadd.s32 $0xFFFFFF80  }
0x56: {  	_ =	swait.ge [sflag:s9], $0x80  }
0x57: {  	[sflag:s9] =	ssyncset.done $0x0  }
0x58: {  	[sflag:s9] =	ssyncadd.s32 $0xFFFFFF80  }
0x59: {  	[tilespmem:s10], [sflag:$0x6] =	stream.indirect.gather [hbm4b:s1+s0], $0x80, s0, s0, $0xb8;
	[tilespmem:$0x1C080] =	vst v63  }
0x5a: {  	_ =	swait.ge [sflag:s11], $0x4000  }
0x5b: {  	[sflag:s11] =	ssyncset.done $0x0  }
0x5c: {  	[sflag:s11] =	ssyncadd.s32 $0xFFFFC000  }
0x5d: {  	[spmem:s3] =	stream.indirect.scatter.add.f32 [tilespmem:s8], [sflag:$0x7], $0x80, s31, s0, $0xb8;
	[tilespmem:$0x1C080] =	vst v63  }
0x5e: {  	_ =	swait.ge [sflag:s6], $0x4000  }
0x5f: {  	p3 =	seq.s32 s5, $0x4C0;
	[sflag:s6] =	ssyncset.done $0x0  }
0x60: {  	s25 =	sadd.s32 @!p3 s5, s21;
	s30 =	simm.s32 @!p3 $0x0;
	[sflag:s6] =	ssyncadd.s32 $0xFFFFC000  }
0x61: {  	[tilespmem:s30], [sflag:$0x1] =	stream.linear.gather @!p3 [hbm4b:s25+s30], $0x80, $0x38;
	[tilespmem:$0x1C080] =	vst v63  }
0x62: {  	s29 =	simm.s32 @!p3 $0x200;
	s25 =	sadd.s32 @!p3 s5, s20  }
0x63: {  	[tilespmem:s29], [sflag:$0x1] =	stream.linear.gather @!p3 [hbm4b:s25+s30], $0x80, $0x38;
	[tilespmem:$0x1C080] =	vst v63  }
0x64: {  	_ =	swait.ge [sflag:s12], $0x80  }
0x65: {  	[sflag:s12] =	ssyncset.done $0x0  }
0x66: {  	[sflag:s12] =	ssyncadd.s32 $0xFFFFFF80  }
0x67: {  	_ =	swait.ge [sflag:s12], $0x80  }
0x68: {  	[sflag:s12] =	ssyncset.done $0x0  }
0x69: {  	[sflag:s12] =	ssyncadd.s32 $0xFFFFFF80  }
0x6a: {  	[tilespmem:s8], [sflag:$0x5] =	stream.indirect.gather [hbm4b:s1+s0], $0x80, s26, s0, $0xb8;
	[tilespmem:$0x1C080] =	vst v63  }
0x6b: {  	_ =	swait.ge [sflag:s13], $0x4000  }
0x6c: {  	[sflag:s13] =	ssyncset.done $0x0  }
0x6d: {  	[sflag:s13] =	ssyncadd.s32 $0xFFFFC000  }
0x6e: {  	[spmem:s3] =	stream.indirect.scatter.add.f32 [tilespmem:s10], [sflag:$0x7], $0x80, s2, s0, $0xb8;
	[tilespmem:$0x1C080] =	vst v63  }
0x6f: {  	_ =	swait.ge [sflag:s6], $0x4000  }
0x70: {  	[sflag:s6] =	ssyncset.done $0x0  }
0x71: {  	s25 =	sadd.s32 @!p3 s5, s19;
	s29 =	simm.s32 @!p3 $0x80;
	[sflag:s6] =	ssyncadd.s32 $0xFFFFC000  }
0x72: {  	[tilespmem:s29], [sflag:$0x2] =	stream.linear.gather @!p3 [hbm4b:s25+s30], $0x80, $0x38;
	[tilespmem:$0x1C080] =	vst v63  }
0x73: {  	s25 =	sadd.s32 @!p3 s5, s18;
	s29 =	simm.s32 @!p3 $0x280  }
0x74: {  	[tilespmem:s29], [sflag:$0x2] =	stream.linear.gather @!p3 [hbm4b:s25+s30], $0x80, $0x38;
	[tilespmem:$0x1C080] =	vst v63  }
0x75: {  	_ =	swait.ge [sflag:s24], $0x80  }
0x76: {  	[sflag:s24] =	ssyncset.done $0x0  }
0x77: {  	[sflag:s24] =	ssyncadd.s32 $0xFFFFFF80  }
0x78: {  	_ =	swait.ge [sflag:s24], $0x80  }
0x79: {  	[sflag:s24] =	ssyncset.done $0x0  }
0x7a: {  	[sflag:s24] =	ssyncadd.s32 $0xFFFFFF80  }
0x7b: {  	[tilespmem:s10], [sflag:$0x6] =	stream.indirect.gather [hbm4b:s1+s0], $0x80, s22, s0, $0xb8;
	[tilespmem:$0x1C080] =	vst v63  }
0x7c: {  	_ =	swait.ge [sflag:s11], $0x4000  }
0x7d: {  	[sflag:s11] =	ssyncset.done $0x0  }
.Ltmp2:
0x7e: {  	[sflag:s11] =	ssyncadd.s32 $0xFFFFC000;
	(pc) =	sbr.rel @p3 .LBB2_4-.Ltmp2, $4  }
0x7f: {  	[spmem:s3] =	stream.indirect.scatter.add.f32 [tilespmem:s8], [sflag:$0x7], $0x80, s28, s0, $0xb8;
	[tilespmem:$0x1C080] =	vst v63  }
0x80: {  	_ =	swait.ge [sflag:s6], $0x4000  }
0x81: {  	[sflag:s6] =	ssyncset.done $0x0  }
0x82: {  	[sflag:s6] =	ssyncadd.s32 $0xFFFFC000  }
0x83: {  	s25 =	sadd.s32 s5, s17  }
0x84: {  	[tilespmem:s26], [sflag:$0x3] =	stream.linear.gather [hbm4b:s25+s4], $0x80, $0x38;
	[tilespmem:$0x1C080] =	vst v63  }
0x85: {  	s30 =	sadd.s32 s5, s16  }
0x86: {  	[tilespmem:s28], [sflag:$0x3] =	stream.linear.gather [hbm4b:s30+s4], $0x80, $0x38;
	[tilespmem:$0x1C080] =	vst v63  }
0x87: {  	_ =	swait.ge [sflag:s7], $0x80  }
0x88: {  	[sflag:s7] =	ssyncset.done $0x0  }
0x89: {  	[sflag:s7] =	ssyncadd.s32 $0xFFFFFF80  }
0x8a: {  	_ =	swait.ge [sflag:s7], $0x80  }
0x8b: {  	[sflag:s7] =	ssyncset.done $0x0  }
0x8c: {  	[sflag:s7] =	ssyncadd.s32 $0xFFFFFF80  }
0x8d: {  	[tilespmem:s8], [sflag:$0x5] =	stream.indirect.gather [hbm4b:s1+s0], $0x80, s4, s0, $0xb8;
	[tilespmem:$0x1C080] =	vst v63  }
0x8e: {  	_ =	swait.ge [sflag:s13], $0x4000  }
0x8f: {  	[sflag:s13] =	ssyncset.done $0x0  }
0x90: {  	[sflag:s13] =	ssyncadd.s32 $0xFFFFC000  }
0x91: {  	[spmem:s3] =	stream.indirect.scatter.add.f32 [tilespmem:s10], [sflag:$0x7], $0x80, s23, s0, $0xb8;
	[tilespmem:$0x1C080] =	vst v63  }
0x92: {  	_ =	swait.ge [sflag:s6], $0x4000  }
.Ltmp3:
0x93: {  	[sflag:s6] =	ssyncset.done $0x0;
	(pc) =	sbr.rel .LBB2_2-.Ltmp3, $4  }
0x94: {  	s29 =	sadd.s32 s5, s15;
	[sflag:s6] =	ssyncadd.s32 $0xFFFFC000  }
0x95: {  	[tilespmem:s22], [sflag:$0x4] =	stream.linear.gather [hbm4b:s29+s4], $0x80, $0x38;
	[tilespmem:$0x1C080] =	vst v63  }
0x96: {  	s30 =	sadd.s32 s5, s14;
	s5 =	sadd.s32 $0x40, s5  }
0x97: {  	[tilespmem:s23], [sflag:$0x4] =	stream.linear.gather [hbm4b:s30+s4], $0x80, $0x38;
	[tilespmem:$0x1C080] =	vst v63  }
.LBB2_4:
0x98: {  	_ =	swait.ge [sflag:s13], $0x4000  }
0x99: {  	[sflag:s13] =	ssyncset.done $0x0  }
0x9a: {  	[sflag:s13] =	ssyncadd.s32 $0xFFFFC000  }
0x9b: {  	[spmem:s3] =	stream.indirect.scatter.add.f32 [tilespmem:s10], [sflag:$0x7], $0x80, s23, s0, $0xb8;
	[tilespmem:$0x1C080] =	vst v63  }
.Ltmp4:
0x9c: {  	_ =	swait.ge [sflag:s6], $0x4000;
	(pc) =	sbr.rel @!p0 .LBB2_5-.Ltmp4, $4  }
0x9d: {  	[sflag:s6] =	ssyncset.done $0x0  }
0x9e: {  	[sflag:s6] =	ssyncadd.s32 $0xFFFFC000  }
0x9f: {  	[bflag:$0x0] =	sbarrier.arrive $0xFFFF  }
0xa0: {  	s29 =	rddreg [dreg:$0x10]  }
0xa1: {  	s5 =	rddreg [dreg:$0x12]  }
0xa2: {  	s25 =	rddreg [dreg:$0x16]  }
0xa3: {  	[hbm:s5], [sflag:s29] =	dma.local [spmem:s25], $0x2700  }
.Ltmp5:
0xa4: {  	_ = 	snop;
	(pc) =	sbr.rel @p1 .LBB2_8-.Ltmp5, $4  }
.Ltmp6:
0xa5: {  	_ = 	snop;
	(pc) =	sbr.rel @!p1 .LBB2_7-.Ltmp6, $4  }
0xa6: {  	_ =	swait.ge [sflag:s6], $0x2700  }
0xa7: {  	[sflag:s6] =	ssyncset.done $0x0;
	s5 =	rddreg [dreg:$0xe]  }
0xa8: {  	s30 =	rddreg [dreg:$0x15];
	[sflag:s6] =	ssyncadd.s32 $0xFFFFD900  }
0xa9: {  	_ = 	snop  }
.LBB2_5:
0xaa: {  	s5 =	rddreg [dreg:$0x11]  }
0xab: {  	s25 =	rddreg [dreg:$0x16]  }
0xac: {  	[hbm:s5], [sflag:s29] =	dma.local [spmem:s25], $0x2700  }
.Ltmp7:
0xad: {  	_ = 	snop;
	(pc) =	sbr.rel @p2 .LBB2_7-.Ltmp7, $4  }
.Ltmp8:
0xae: {  	_ = 	snop;
	(pc) =	sbr.rel @!p2 .LBB2_8-.Ltmp8, $4  }
0xaf: {  	_ =	swait.ge [sflag:s6], $0x2700  }
0xb0: {  	[sflag:s6] =	ssyncset.done $0x0;
	s5 =	rddreg [dreg:$0xd]  }
0xb1: {  	s30 =	rddreg [dreg:$0x15];
	[sflag:s6] =	ssyncadd.s32 $0xFFFFD900  }
0xb2: {  	_ = 	snop  }
.LBB2_9:
0xb3: {  	_ =	sfence.sel $0x180000  }
0xb4: {  	[bflag:$0x0] =	sbarrier.arrive $0xFFFF  }
0xb5: {  	_ =	strace $0x90000047  }
0xb6: {  	s0 =	stileid.u32;
	[bflag:$0x2] =	sbarrier.arrive $0xFFFF  }
0xb7: {  	p0 =	sne.s32 s0, $0x0;
	s0 =	rddreg [dreg:$0x3]  }
0xb8: {  	s0 =	sadd.s32 @!p0 $0x100000, s0  }
0xb9: {  	[sflag:s0] =	ssyncadd.tile.s32 @!p0 $0x1;
	_ =	shalt  }
.Lfunc_end2:
_tile_overlayer_lowered:
.L_overlay_start_2:
0xba: {  	(tag) =	ssettag $0x2  }
0xbb: {  	s0 =	rddreg [dreg:$0x0];
	s2 =	stileid.u32  }
0xbc: {  	s1 =	rddreg [dreg:$0x1];
	p0 =	sne.s32 s2, $0x0  }
0xbd: {  	s3 =	rddreg [dreg:$0x2];
	[bflag:$0x3] =	sbarrier.arrive $0xFFFF;
	s2 =	simm.s32 @!p0 $0x1C07  }
0xbe: {  	[timem:s3], [sflag:s2] =	dma.local @!p0 [hbm:s0], s1  }
0xbf: {  	s0 =	simm.s32 @!p0 $0x7  }
0xc0: {  	_ =	swait.ge @!p0 [sflag:s0], s1  }
0xc1: {  	s1 =	ssub.s32 @!p0 $0x0, s1;
	[sflag:s0] =	ssyncset.done @!p0 $0x0  }
0xc2: {  	[sflag:s0] =	ssyncadd.s32 @!p0 s1  }
0xc3: {  	[bflag:$0x3] =	sbarrier.arrive $0xFFFF  }
0xc4: {  	_ =	shalt  }

// kernel: kernel.14.cloned.1.call-start
scs
__scs_entry_jumppad:
0x0: {  	(pc) =	sbr.rel $0x88, $3  }
0x1: {  	(tag) =	ssettag $0x0;
	lr =	simm.s32 $0x1  }
0x2: {  	[smem:$0x3F8A] =	sst lr;
	_ =	strace $0xD0000000  }
0x3: {  	_ = 	snop  }
0x4: {  	_ = 	snop  }
0x5: {  	_ = 	snop  }
0x6: {  	_ = 	snop  }
0x7: {  	_ = 	snop  }
__scs_overlays_trampoline_lowered:
0x8: {  	[smem:$0x3F99] =	sst s0  }
0x9: {  	[smem:$0x3F9A] =	sst s1  }
0xa: {  	[smem:$0x3F9B] =	sst s2  }
0xb: {  	[smem:$0x3F9C] =	sst s3  }
0xc: {  	[smem:$0x3F9D] =	sst s4  }
0xd: {  	[smem:$0x3F9E] =	sst s5  }
0xe: {  	[smem:$0x3F9F] =	sst s6  }
0xf: {  	[smem:$0x3FA0] =	sst s7  }
0x10: {  	[smem:$0x3FA1] =	sst s8  }
0x11: {  	[smem:$0x3FA2] =	sst s9;
	s0 =	simm.s32 @!p0 $0x0  }
0x12: {  	s1 =	sld [smem:$0x3F88];
	s0 =	simm.s32 @p0 $0x1  }
0x13: {  	[smem:$0x3FA3] =	sst s0;
	s0 =	simm.s32 @!p1 $0x0  }
0x14: {  	s2 =	sld [smem:$0x3F87];
	s0 =	simm.s32 @p1 $0x1  }
0x15: {  	[smem:$0x3FA4] =	sst s0;
	s0 =	simm.s32 @!p2 $0x0  }
0x16: {  	s3 =	sld [smem:$0x3FDB];
	s0 =	simm.s32 @p2 $0x1  }
0x17: {  	s4 =	simm.s32 $0x1BF5;
	[smem:$0x3FA6] =	sst s0  }
0x18: {  	s0 =	sld [smem:$0x3F89];
	_ =	swait.ge [sflag:s4], $0x0  }
0x19: {  	s7 =	sld [smem:$0x3F8A]  }
0x1a: {  	s8 =	sadd.s32 $0xFFFFE003, lr  }
0x1b: {  	s9 =	sadd.s32 $0xFFFFFEF7, lr;
	s5 =	simm.s32 $0xFFFFFFFF;
	p2 =	slt.u32 s8, $0xFFFFF086  }
0x1c: {  	p1 =	slt.u32 s9, $0xF7A;
	s5 =	simm.s32 @!p2 $0x0  }
0x1d: {  	s5 =	simm.s32 @p1 $0x1;
	p0 =	seq.s32 s7, s2  }
0x1e: {  	s7 =	smul.u32 @!p0 $0xF7A, s2;
	p2 =	seq.s32 @!p0 s5, $0x0  }
0x1f: {  	s9 =	smul.u32 $0xF7A, s1;
	s8 =	simm.s32 @!p0 $0x1BF5;
	p2 =	por !p2, p0  }
0x20: {  	[sflag:s8] =	ssyncset.s32 @!p0 $0xFFFFF086;
	s6 =	sadd.s32 @!p0 s3, s7;
	s7 =	simm.s32 @!p0 $0x108  }
0x21: {  	s3 =	sadd.s32 s3, s9;
	s6 =	sadd.s32 @!p0 $0x88, s6;
	s7 =	simm.s32 @p2 $0x1082  }
0x22: {  	[simem:s7], [sflag:s8] =	dma.local @!p0 [hbm:s6], $0xF7A  }
0x23: {  	s9 =	sor.u32 $0xD0000000, s2;
	s6 =	simm.s32 $0x108;
	_ =	swait.ge @!p0 [sflag:s8], $0x0  }
0x24: {  	s3 =	sadd.s32 $0x88, s3;
	s6 =	simm.s32 @!p1 $0x1082;
	[sflag:s4] =	ssyncset.s32 $0xFFFFF086  }
0x25: {  	[simem:s6], [sflag:s4] =	dma.local [hbm:s3], $0xF7A  }
0x26: {  	[smem:$0x3F8A] =	sst s1;
	(tag) =	ssettag s2;
	_ =	strace s9  }
0x27: {  	s1 =	sld [smem:$0x3F9A]  }
0x28: {  	s2 =	sld [smem:$0x3F9B]  }
0x29: {  	s4 =	sld [smem:$0x3F9D]  }
0x2a: {  	p0 =	seq.s32 s5, $0x0;
	s5 =	sld [smem:$0x3F9E]  }
0x2b: {  	s6 =	sld [smem:$0x3F9F]  }
0x2c: {  	s7 =	sld [smem:$0x3FA0]  }
0x2d: {  	s3 =	simm.s32 $0x108;
	s8 =	sld [smem:$0x3FA1]  }
0x2e: {  	s3 =	simm.s32 @!p0 $0x1082;
	s9 =	sld [smem:$0x3FA2]  }
0x2f: {  	lr =	sadd.s32 s0, s3;
	s0 =	sld [smem:$0x3F99]  }
0x30: {  	s3 =	sld [smem:$0x3F9C]  }
0x31: {  	[smem:$0x3FA5] =	sst s10  }
0x32: {  	s10 =	sld [smem:$0x3FA3];
	_ =	sdelay $0x3  }
0x33: {  	p0 =	seq.s32 s10, $0x1;
	s10 =	sld [smem:$0x3FA5];
	_ =	sdelay $0x3  }
0x34: {  	[smem:$0x3FA5] =	sst s10  }
0x35: {  	s10 =	sld [smem:$0x3FA4];
	_ =	sdelay $0x3  }
0x36: {  	p1 =	seq.s32 s10, $0x1;
	s10 =	sld [smem:$0x3FA5];
	_ =	sdelay $0x3  }
0x37: {  	[smem:$0x3FA5] =	sst s10  }
0x38: {  	s10 =	sld [smem:$0x3FA6]  }
0x39: {  	_ = 	snop;
	(pc) =	sbr.ind lr, $3  }
0x3a: {  	_ = 	snop  }
0x3b: {  	_ = 	snop  }
0x3c: {  	p2 =	seq.s32 s10, $0x1;
	s10 =	sld [smem:$0x3FA5]  }
0x3d: {  	_ =	shalt  }
0x3e: {  	_ =	shalt  }
0x3f: {  	_ =	shalt  }
0x40: {  	_ =	shalt  }
0x41: {  	_ =	shalt  }
0x42: {  	_ =	shalt  }
0x43: {  	_ =	shalt  }
0x44: {  	_ =	shalt  }
0x45: {  	_ =	shalt  }
0x46: {  	_ =	shalt  }
0x47: {  	_ =	shalt  }
0x48: {  	_ =	shalt  }
0x49: {  	_ =	shalt  }
0x4a: {  	_ =	shalt  }
0x4b: {  	_ =	shalt  }
0x4c: {  	_ =	shalt  }
0x4d: {  	_ =	shalt  }
0x4e: {  	_ =	shalt  }
0x4f: {  	_ =	shalt  }
0x50: {  	_ =	shalt  }
0x51: {  	_ =	shalt  }
0x52: {  	_ =	shalt  }
0x53: {  	_ =	shalt  }
0x54: {  	_ =	shalt  }
0x55: {  	_ =	shalt  }
0x56: {  	_ =	shalt  }
0x57: {  	_ =	shalt  }
0x58: {  	_ =	shalt  }
0x59: {  	_ =	shalt  }
0x5a: {  	_ =	shalt  }
0x5b: {  	_ =	shalt  }
0x5c: {  	_ =	shalt  }
0x5d: {  	_ =	shalt  }
0x5e: {  	_ =	shalt  }
0x5f: {  	_ =	shalt  }
0x60: {  	_ =	shalt  }
0x61: {  	_ =	shalt  }
0x62: {  	_ =	shalt  }
0x63: {  	_ =	shalt  }
0x64: {  	_ =	shalt  }
0x65: {  	_ =	shalt  }
0x66: {  	_ =	shalt  }
0x67: {  	_ =	shalt  }
0x68: {  	_ =	shalt  }
0x69: {  	_ =	shalt  }
0x6a: {  	_ =	shalt  }
0x6b: {  	_ =	shalt  }
0x6c: {  	_ =	shalt  }
0x6d: {  	_ =	shalt  }
0x6e: {  	_ =	shalt  }
0x6f: {  	_ =	shalt  }
0x70: {  	_ =	shalt  }
0x71: {  	_ =	shalt  }
0x72: {  	_ =	shalt  }
0x73: {  	_ =	shalt  }
0x74: {  	_ =	shalt  }
0x75: {  	_ =	shalt  }
0x76: {  	_ =	shalt  }
0x77: {  	_ =	shalt  }
0x78: {  	_ =	shalt  }
0x79: {  	_ =	shalt  }
0x7a: {  	_ =	shalt  }
0x7b: {  	_ =	shalt  }
0x7c: {  	_ =	shalt  }
0x7d: {  	_ =	shalt  }
0x7e: {  	_ =	shalt  }
0x7f: {  	_ =	shalt  }
0x80: {  	_ =	shalt  }
0x81: {  	_ =	shalt  }
0x82: {  	_ =	shalt  }
0x83: {  	_ =	shalt  }
0x84: {  	_ =	shalt  }
0x85: {  	_ =	shalt  }
0x86: {  	_ =	shalt  }
0x87: {  	_ =	shalt  }
.Lfunc_end0:
.L_simem_size_0:
called_computation.1_lowered:
.L_overlay_start_0:
0x88: {  	s2 =	sld [smem:$0x3FD9]  }
0x89: {  	s3 =	sld [smem:$0x3FFE];
	_ =	sdelay $0x1  }
0x8a: {  	s1 =	srdreg.scid  }
0x8b: {  	s0 =	sand.u32 $0x1, s1  }
0x8c: {  	s16 =	sshll.u32 s0, $0xA;
	s2 =	sadd.s32 s3, s2  }
0x8d: {  	s2 =	sadd.s32 s2, s16  }
0x8e: {  	[smem:$0x3FB1] =	sst s2  }
0x8f: {  	_ = 	snop  }
0x90: {  	(tm) =	ssettm $0x1  }
0x91: {  	s17 =	sld [smem:$0x3FFB];
	_ =	sdelay $0x3  }
0x92: {  	_ =	strace s17  }
0x93: {  	s2 =	sld [smem:$0x3FFC];
	_ =	sdelay $0x3  }
0x94: {  	_ =	strace s2  }
0x95: {  	s2 =	sld [smem:$0x3FFD];
	_ =	sdelay $0x3  }
0x96: {  	_ =	strace s2  }
0x97: {  	_ =	strace $0x8FFFFFFF  }
0x98: {  	s18 =	sld [smem:$0x3FDB];
	_ =	sdelay $0x1  }
0x99: {  	s19 =	simm.s32 $_scs_section_size  }
0x9a: {  	s4 =	simm.s32 $_size__tile_overlayer_lowered;
	s5 =	simm.s32 $_tile_overlayer_lowered  }
0x9b: {  	s22 =	simm.s32 $0x1BFF;
	s21 =	sshll.u32 s5, $0x1;
	s2 =	sadd.s32 s19, s18  }
0x9c: {  	s6 =	simm.s32 $0x0;
	s20 =	sshll.u32 s4, $0x1;
	s4 =	sadd.s32 s21, s2  }
0x9d: {  	[timem:s6], [sflag:s22] =	dma.local [hbm:s4], s20  }
0x9e: {  	_ =	swait.ge [sflag:s22], s20  }
0x9f: {  	s3 =	ssub.s32 $0x0, s20;
	[sflag:s22] =	ssyncset.done $0x0  }
0xa0: {  	[sflag:s22] =	ssyncadd.s32 s3;
	_ =	sdelay $0x1  }
0xa1: {  	s23 =	simm.s32 $0x1B8B  }
0xa2: {  	_ =	swait.ge [sflag:s23], $0x1  }
0xa3: {  	[sflag:s23] =	ssyncset.done $0x0  }
0xa4: {  	s25 =	simm.s32 $0x1B8E;
	s24 =	sld [smem:$0x3FFE];
	[sflag:s23] =	ssyncadd.s32 $0xFFFFFFFF  }
0xa5: {  	s26 =	simm.s32 $execute0_lowered;
	[smem:$0x3FD2] =	sst s25  }
0xa6: {  	s4 =	sshll.u32 s26, $0x1;
	_ =	strace $0x80000049;
	[dreg:$0x1] =	wrdreg $0xFFFFFFFF  }
0xa7: {  	s28 =	simm.s32 $_size_execute0_lowered;
	s2 =	sadd.s32 s2, s4;
	[dreg:$0x0] =	wrdreg $0x0  }
0xa8: {  	s4 =	sshll.u32 s28, $0x1;
	[dreg:$0x2] =	wrdreg s2  }
0xa9: {  	[dreg:$0x3] =	wrdreg s4  }
0xaa: {  	[dreg:$0x4] =	wrdreg $0xC0  }
0xab: {  	_ =	task [dreg:s6], $0x5FFFF  }
0xac: {  	[dreg:$0x1] =	wrdreg $0xFFFFFFFF  }
0xad: {  	[dreg:$0x0] =	wrdreg $0x60  }
0xae: {  	[dreg:$0x2] =	wrdreg s24  }
0xaf: {  	[dreg:$0x3] =	wrdreg $0x84000  }
0xb0: {  	[dreg:$0x4] =	wrdreg $0x9  }
0xb1: {  	_ =	task.clear_ibuf [dreg:s6], $0x5FFFF;
	_ =	strace $0x90000049  }
0xb2: {  	s29 =	simm.s32 $0x9;
	_ =	strace $0x8000004B  }
0xb3: {  	_ =	swait.ge [sflag:s29], $0x1  }
0xb4: {  	[sflag:s29] =	ssyncadd.s32 $0xFFFFFFFF  }
0xb5: {  	_ =	strace $0x9000004B  }
0xb6: {  	_ =	sfence  }
0xb7: {  	s30 =	sld [smem:$0x0];
	_ =	sdelay $0x2  }
0xb8: {  	s31 =	sshll.u32 s1, $0xD;
	s1 =	sshrl.u32 s1, $0x2  }
0xb9: {  	s3 =	sand.u32 $0x4000, s31;
	s1 =	sadd.s32 s1, s30  }
0xba: {  	s0 =	sor.u32 s3, s0;
	s1 =	sshll.u32 s1, $0x11  }
0xbb: {  	s0 =	sor.u32 s1, s0  }
0xbc: {  	s0 =	sadd.s32 $0x8F2B, s0  }
0xbd: {  	[sflag:s0] =	ssyncadd.remote.s32 $0x1  }
0xbe: {  	_ =	sfence.sel $0xFFFF  }
0xbf: {  	[dreg:$0x0] =	wrdreg $0xFFFFFFFF;
	(pc) =	sbr.abs _section_cstart, $3  }
0xc0: {  	[dreg:$0x1] =	wrdreg $0xFFFFFFFF  }
0xc1: {  	_ =	task.clear_ibuf [dreg:s6], $0x2FFFF;
	_ =	strace $0x9FFFFFFF  }
0xc2: {  	(tm) =	ssettm $0x7FFFFFFF  }
0xc3: {  	_ =	shalt  }
tec
execute0_lowered:
.L_overlay_start_1:
0x0: {  	(tag) =	ssettag $0x1  }
0x1: {  	s0 =	rddreg [dreg:$0x0]  }
0x2: {  	s2 =	rddreg [dreg:$0x1];
	s1 =	srdreg.scid  }
0x3: {  	s12 =	stileid.u32;
	s3 =	simm.s32 $0x0;
	s31 =	simm.s32 $0x200  }
0x4: {  	s28 =	simm.s32 $0x300;
	s30 =	simm.s32 $0x0;
	s1 =	sand.u32 $0x1, s1  }
0x5: {  	s4 =	sshll.u32 s12, $0x1;
	[smem:$0x7FF] =	sst s3;
	s6 =	sadd.s32 $0x5E00, s0  }
0x6: {  	s7 =	sadd.s32 $0xFE00, s0;
	s9 =	sadd.s32 $0x19E00, s0;
	s17 =	smul.u32 $0x5000, s12  }
0x7: {  	s23 =	smul.u32 $0x4E000, s12;
	p1 =	sne.s32 s12, $0xF;
	p2 =	seq.s32 s12, $0xF  }
0x8: {  	s5 =	sor.u32 s1, s4;
	_ =	strace $0x8000004A;
	s4 =	sadd.s32 $0x1C600, s0  }
0x9: {  	s8 =	ssub.s32 $0x2, s1;
	[dreg:$0x3] =	wrdreg s9;
	s11 =	smul.u32 $0x2800, s1  }
0xa: {  	p0 =	seq.s32 s1, $0x1;
	s5 =	smul.u32 $0x2800, s5;
	s15 =	sshrl.u32 s8, $0x1  }
0xb: {  	s8 =	ssub.s32 s8, s15;
	s9 =	sadd.s32 s11, s17;
	s11 =	sadd.s32 $0x6AA00, s0  }
0xc: {  	s5 =	sshrl.u32 s5, $0x3;
	s22 =	sor.u32 $0x380, s9;
	s24 =	sor.u32 $0x300, s9  }
0xd: {  	s25 =	sor.u32 $0x280, s9;
	s9 =	sor.u32 $0x200, s9;
	[dreg:$0xd] =	wrdreg s11  }
0xe: {  	s16 =	sadd.s32 s6, s5;
	s10 =	sadd.s32 s7, s5;
	s18 =	sor.u32 $0x10, s5  }
0xf: {  	s19 =	sor.u32 $0x20, s5;
	s5 =	sor.u32 $0x30, s5;
	[dreg:$0x4] =	wrdreg s16  }
0x10: {  	s1 =	sshrl.u32 s24, $0x3;
	[dreg:$0x5] =	wrdreg s10;
	s13 =	sadd.s32 s6, s18  }
0x11: {  	s26 =	sshrl.u32 s9, $0x3;
	s10 =	sadd.s32 s7, s18;
	[dreg:$0x6] =	wrdreg s13  }
0x12: {  	s9 =	sshrl.u32 s23, $0x2;
	s20 =	sadd.s32 s6, s19;
	[dreg:$0x7] =	wrdreg s10  }
0x13: {  	s21 =	sadd.s32 s6, s5;
	s5 =	sadd.s32 s7, s5;
	[dreg:$0x8] =	wrdreg s20  }
0x14: {  	s16 =	sadd.s32 s1, s7;
	s17 =	sadd.s32 s1, s6;
	[dreg:$0xa] =	wrdreg s21  }
0x15: {  	s1 =	simm.s32 $0x280;
	s10 =	sadd.s32 s7, s19;
	[dreg:$0xb] =	wrdreg s5  }
0x16: {  	s20 =	sadd.s32 s26, s7;
	s21 =	sadd.s32 s26, s6;
	s13 =	sadd.s32 s9, s2  }
0x17: {  	s26 =	sadd.s32 $0x138000, s2;
	s9 =	simm.s32 $0x2;
	[dreg:$0x9] =	wrdreg s10  }
0x18: {  	s10 =	sshrl.u32 s22, $0x3;
	[dreg:$0xe] =	wrdreg s13;
	s22 =	sshll.u32 s12, $0x6  }
0x19: {  	[dreg:$0x13] =	wrdreg s26;
	s26 =	simm.s32 $0x100;
	s13 =	simm.s32 $0x6  }
0x1a: {  	s14 =	sadd.s32 s10, s7;
	s15 =	sadd.s32 s10, s6;
	s10 =	sshrl.u32 s25, $0x3  }
0x1b: {  	s29 =	sor.u32 $0x1C07, s22;
	s25 =	smax.u32 s8, $0x1;
	s22 =	simm.s32 $0x180  }
0x1c: {  	s8 =	simm.s32 $0x400;
	s18 =	sadd.s32 s10, s7;
	s19 =	sadd.s32 s10, s6  }
0x1d: {  	s7 =	sadd.s32 $0x43800, s0;
	s10 =	smul.u32 $0x2700, s12;
	[dreg:$0x12] =	wrdreg s25  }
.Ltmp0:
0x1e: {  	s0 =	simm.s32 $0x80;
	[dreg:$0xf] =	wrdreg s29;
	(pc) =	sbr.rel .LBB2_1-.Ltmp0, $4  }
0x1f: {  	s6 =	simm.s32 $0x7;
	s12 =	simm.s32 $0x3;
	[dreg:$0xc] =	wrdreg s7  }
0x20: {  	s23 =	sadd.s32 s7, s10;
	s24 =	sadd.s32 s11, s10;
	s7 =	simm.s32 $0x1  }
0x21: {  	s10 =	simm.s32 $0x4400;
	s11 =	simm.s32 $0x5;
	[dreg:$0x10] =	wrdreg s23  }
0x22: {  	[dreg:$0x11] =	wrdreg s24;
	s23 =	simm.s32 $0x380;
	s24 =	simm.s32 $0x4  }
.LBB2_7:
0x23: {  	s25 =	rddreg [dreg:$0x13]  }
0x24: {  	s5 =	sadd.s32 $0x27000, s5;
	s25 =	sshrl.u32 s25, $0x3  }
0x25: {  	[hbm:s5], [sflag:s29] =	dma.local [spmem:s25], $0x100  }
0x26: {  	_ =	swait.ge [sflag:s6], $0x100  }
0x27: {  	[sflag:s6] =	ssyncset.done $0x0  }
0x28: {  	[sflag:s6] =	ssyncadd.s32 $0xFFFFFF00  }
.LBB2_8:
0x29: {  	s30 =	sadd.s32 $0x1, s30;
	s5 =	rddreg [dreg:$0x12]  }
0x2a: {  	p3 =	sne.s32 s30, s5  }
.Ltmp1:
0x2b: {  	_ = 	snop;
	(pc) =	sbr.rel @!p3 .LBB2_9-.Ltmp1, $1  }
0x2c: {  	_ =	sdelay $0x3  }
.LBB2_1:
0x2d: {  	[dreg:$0x14] =	wrdreg s30  }
0x2e: {  	s5 =	rddreg [dreg:$0x4]  }
0x2f: {  	s25 =	rddreg [dreg:$0x5]  }
0x30: {  	[tilespmem:s3], [sflag:$0x1] =	stream.linear.gather [hbm4b:s5+s3], $0x80, $0x38;
	[tilespmem:$0x1C080] =	vst v63  }
0x31: {  	s30 =	rddreg [dreg:$0x6]  }
0x32: {  	[tilespmem:s31], [sflag:$0x1] =	stream.linear.gather [hbm4b:s25+s3], $0x80, $0x38;
	[tilespmem:$0x1C080] =	vst v63  }
0x33: {  	s25 =	rddreg [dreg:$0x7]  }
0x34: {  	[tilespmem:s0], [sflag:$0x2] =	stream.linear.gather [hbm4b:s30+s3], $0x80, $0x38;
	[tilespmem:$0x1C080] =	vst v63  }
0x35: {  	s30 =	rddreg [dreg:$0x8]  }
0x36: {  	[tilespmem:s1], [sflag:$0x2] =	stream.linear.gather [hbm4b:s25+s3], $0x80, $0x38;
	[tilespmem:$0x1C080] =	vst v63  }
0x37: {  	s25 =	rddreg [dreg:$0x9]  }
0x38: {  	[tilespmem:s26], [sflag:$0x3] =	stream.linear.gather [hbm4b:s30+s3], $0x80, $0x38;
	[tilespmem:$0x1C080] =	vst v63  }
0x39: {  	s30 =	rddreg [dreg:$0xa]  }
0x3a: {  	[tilespmem:s28], [sflag:$0x3] =	stream.linear.gather [hbm4b:s25+s3], $0x80, $0x38;
	[tilespmem:$0x1C080] =	vst v63  }
0x3b: {  	s25 =	rddreg [dreg:$0xb]  }
0x3c: {  	[tilespmem:s22], [sflag:$0x4] =	stream.linear.gather [hbm4b:s30+s3], $0x80, $0x38;
	[tilespmem:$0x1C080] =	vst v63  }
0x3d: {  	s30 =	rddreg [dreg:$0xe]  }
0x3e: {  	[tilespmem:s23], [sflag:$0x4] =	stream.linear.gather [hbm4b:s25+s3], $0x80, $0x38;
	[tilespmem:$0x1C080] =	vst v63  }
0x3f: {  	s5 =	sshrl.u32 s30, $0x3;
	s25 =	rddreg [dreg:$0x3]  }
0x40: {  	[dreg:$0x15] =	wrdreg s5  }
0x41: {  	[spmem:s5], [sflag:s29] =	dma.local [hbm:s25], $0x2700  }
0x42: {  	_ =	swait.ge [sflag:s6], $0x2700  }
0x43: {  	[sflag:s6] =	ssyncset.done $0x0;
	s5 =	rddreg [dreg:$0x13]  }
0x44: {  	[sflag:s6] =	ssyncadd.s32 $0xFFFFD900;
	s5 =	sshrl.u32 @!p1 s5, $0x3  }
0x45: {  	[spmem:s5], [sflag:s29] =	dma.local @!p1 [hbm:s25], $0x100  }
0x46: {  	s5 =	simm.s32 @!p1 $0x7  }
0x47: {  	_ =	swait.ge @!p1 [sflag:s5], $0x100  }
0x48: {  	[sflag:s5] =	ssyncset.done @!p1 $0x0  }
0x49: {  	[sflag:s5] =	ssyncadd.s32 @!p1 $0xFFFFFF00  }
0x4a: {  	_ =	swait.ge [sflag:s7], $0x80  }
0x4b: {  	[sflag:s7] =	ssyncset.done $0x0  }
0x4c: {  	[sflag:s7] =	ssyncadd.s32 $0xFFFFFF80  }
0x4d: {  	_ =	swait.ge [sflag:s7], $0x80  }
0x4e: {  	[sflag:s7] =	ssyncset.done $0x0  }
0x4f: {  	[sflag:s7] =	ssyncadd.s32 $0xFFFFFF80  }
0x50: {  	[tilespmem:s8], [sflag:$0x5] =	stream.indirect.gather [hbm4b:s4+s0], $0x80, s3, s0, $0xb8;
	[tilespmem:$0x1C080] =	vst v63  }
0x51: {  	s5 =	simm.s32 $0x0;
	[bflag:$0x0] =	sbarrier.arrive $0xFFFF  }
.LBB2_2:
0x52: {  	_ =	swait.ge [sflag:s9], $0x80  }
0x53: {  	[sflag:s9] =	ssyncset.done $0x0  }
0x54: {  	[sflag:s9] =	ssyncadd.s32 $0xFFFFFF80  }
0x55: {  	_ =	swait.ge [sflag:s9], $0x80  }
0x56: {  	[sflag:s9] =	ssyncset.done $0x0  }
0x57: {  	[sflag:s9] =	ssyncadd.s32 $0xFFFFFF80  }
0x58: {  	[tilespmem:s10], [sflag:$0x6] =	stream.indirect.gather [hbm4b:s4+s0], $0x80, s0, s0, $0xb8;
	[tilespmem:$0x1C080] =	vst v63  }
0x59: {  	_ =	swait.ge [sflag:s11], $0x4000  }
0x5a: {  	[sflag:s11] =	ssyncset.done $0x0  }
0x5b: {  	[sflag:s11] =	ssyncadd.s32 $0xFFFFC000  }
0x5c: {  	[spmem:s2] =	stream.indirect.scatter.add.f32 [tilespmem:s8], [sflag:$0x7], $0x80, s31, s0, $0xb8;
	[tilespmem:$0x1C080] =	vst v63  }
0x5d: {  	_ =	swait.ge [sflag:s6], $0x4000  }
0x5e: {  	p3 =	seq.s32 s5, $0x4C0;
	[sflag:s6] =	ssyncset.done $0x0  }
0x5f: {  	s25 =	sadd.s32 @!p3 s5, s21;
	s30 =	simm.s32 @!p3 $0x0;
	[sflag:s6] =	ssyncadd.s32 $0xFFFFC000  }
0x60: {  	[tilespmem:s30], [sflag:$0x1] =	stream.linear.gather @!p3 [hbm4b:s25+s30], $0x80, $0x38;
	[tilespmem:$0x1C080] =	vst v63  }
0x61: {  	s29 =	simm.s32 @!p3 $0x200;
	s25 =	sadd.s32 @!p3 s5, s20  }
0x62: {  	[tilespmem:s29], [sflag:$0x1] =	stream.linear.gather @!p3 [hbm4b:s25+s30], $0x80, $0x38;
	[tilespmem:$0x1C080] =	vst v63  }
0x63: {  	_ =	swait.ge [sflag:s12], $0x80  }
0x64: {  	[sflag:s12] =	ssyncset.done $0x0  }
0x65: {  	[sflag:s12] =	ssyncadd.s32 $0xFFFFFF80  }
0x66: {  	_ =	swait.ge [sflag:s12], $0x80  }
0x67: {  	[sflag:s12] =	ssyncset.done $0x0  }
0x68: {  	[sflag:s12] =	ssyncadd.s32 $0xFFFFFF80  }
0x69: {  	[tilespmem:s8], [sflag:$0x5] =	stream.indirect.gather [hbm4b:s4+s0], $0x80, s26, s0, $0xb8;
	[tilespmem:$0x1C080] =	vst v63  }
0x6a: {  	_ =	swait.ge [sflag:s13], $0x4000  }
0x6b: {  	[sflag:s13] =	ssyncset.done $0x0  }
0x6c: {  	[sflag:s13] =	ssyncadd.s32 $0xFFFFC000  }
0x6d: {  	[spmem:s2] =	stream.indirect.scatter.add.f32 [tilespmem:s10], [sflag:$0x7], $0x80, s1, s0, $0xb8;
	[tilespmem:$0x1C080] =	vst v63  }
0x6e: {  	_ =	swait.ge [sflag:s6], $0x4000  }
0x6f: {  	[sflag:s6] =	ssyncset.done $0x0  }
0x70: {  	s25 =	sadd.s32 @!p3 s5, s19;
	s29 =	simm.s32 @!p3 $0x80;
	[sflag:s6] =	ssyncadd.s32 $0xFFFFC000  }
0x71: {  	[tilespmem:s29], [sflag:$0x2] =	stream.linear.gather @!p3 [hbm4b:s25+s30], $0x80, $0x38;
	[tilespmem:$0x1C080] =	vst v63  }
0x72: {  	s25 =	sadd.s32 @!p3 s5, s18;
	s29 =	simm.s32 @!p3 $0x280  }
0x73: {  	[tilespmem:s29], [sflag:$0x2] =	stream.linear.gather @!p3 [hbm4b:s25+s30], $0x80, $0x38;
	[tilespmem:$0x1C080] =	vst v63  }
0x74: {  	_ =	swait.ge [sflag:s24], $0x80  }
0x75: {  	[sflag:s24] =	ssyncset.done $0x0  }
0x76: {  	[sflag:s24] =	ssyncadd.s32 $0xFFFFFF80  }
0x77: {  	_ =	swait.ge [sflag:s24], $0x80  }
0x78: {  	[sflag:s24] =	ssyncset.done $0x0  }
0x79: {  	[sflag:s24] =	ssyncadd.s32 $0xFFFFFF80  }
0x7a: {  	[tilespmem:s10], [sflag:$0x6] =	stream.indirect.gather [hbm4b:s4+s0], $0x80, s22, s0, $0xb8;
	[tilespmem:$0x1C080] =	vst v63  }
0x7b: {  	_ =	swait.ge [sflag:s11], $0x4000  }
0x7c: {  	[sflag:s11] =	ssyncset.done $0x0  }
.Ltmp2:
0x7d: {  	[sflag:s11] =	ssyncadd.s32 $0xFFFFC000;
	(pc) =	sbr.rel @p3 .LBB2_4-.Ltmp2, $4  }
0x7e: {  	[spmem:s2] =	stream.indirect.scatter.add.f32 [tilespmem:s8], [sflag:$0x7], $0x80, s28, s0, $0xb8;
	[tilespmem:$0x1C080] =	vst v63  }
0x7f: {  	_ =	swait.ge [sflag:s6], $0x4000  }
0x80: {  	[sflag:s6] =	ssyncset.done $0x0  }
0x81: {  	[sflag:s6] =	ssyncadd.s32 $0xFFFFC000  }
0x82: {  	s25 =	sadd.s32 s5, s17  }
0x83: {  	[tilespmem:s26], [sflag:$0x3] =	stream.linear.gather [hbm4b:s25+s3], $0x80, $0x38;
	[tilespmem:$0x1C080] =	vst v63  }
0x84: {  	s30 =	sadd.s32 s5, s16  }
0x85: {  	[tilespmem:s28], [sflag:$0x3] =	stream.linear.gather [hbm4b:s30+s3], $0x80, $0x38;
	[tilespmem:$0x1C080] =	vst v63  }
0x86: {  	_ =	swait.ge [sflag:s7], $0x80  }
0x87: {  	[sflag:s7] =	ssyncset.done $0x0  }
0x88: {  	[sflag:s7] =	ssyncadd.s32 $0xFFFFFF80  }
0x89: {  	_ =	swait.ge [sflag:s7], $0x80  }
0x8a: {  	[sflag:s7] =	ssyncset.done $0x0  }
0x8b: {  	[sflag:s7] =	ssyncadd.s32 $0xFFFFFF80  }
0x8c: {  	[tilespmem:s8], [sflag:$0x5] =	stream.indirect.gather [hbm4b:s4+s0], $0x80, s3, s0, $0xb8;
	[tilespmem:$0x1C080] =	vst v63  }
0x8d: {  	_ =	swait.ge [sflag:s13], $0x4000  }
0x8e: {  	[sflag:s13] =	ssyncset.done $0x0  }
0x8f: {  	[sflag:s13] =	ssyncadd.s32 $0xFFFFC000  }
0x90: {  	[spmem:s2] =	stream.indirect.scatter.add.f32 [tilespmem:s10], [sflag:$0x7], $0x80, s23, s0, $0xb8;
	[tilespmem:$0x1C080] =	vst v63  }
0x91: {  	_ =	swait.ge [sflag:s6], $0x4000  }
.Ltmp3:
0x92: {  	[sflag:s6] =	ssyncset.done $0x0;
	(pc) =	sbr.rel .LBB2_2-.Ltmp3, $4  }
0x93: {  	s29 =	sadd.s32 s5, s15;
	[sflag:s6] =	ssyncadd.s32 $0xFFFFC000  }
0x94: {  	[tilespmem:s22], [sflag:$0x4] =	stream.linear.gather [hbm4b:s29+s3], $0x80, $0x38;
	[tilespmem:$0x1C080] =	vst v63  }
0x95: {  	s30 =	sadd.s32 s5, s14;
	s5 =	sadd.s32 $0x40, s5  }
0x96: {  	[tilespmem:s23], [sflag:$0x4] =	stream.linear.gather [hbm4b:s30+s3], $0x80, $0x38;
	[tilespmem:$0x1C080] =	vst v63  }
.LBB2_4:
0x97: {  	_ =	swait.ge [sflag:s13], $0x4000  }
0x98: {  	[sflag:s13] =	ssyncset.done $0x0  }
0x99: {  	[sflag:s13] =	ssyncadd.s32 $0xFFFFC000  }
0x9a: {  	[spmem:s2] =	stream.indirect.scatter.add.f32 [tilespmem:s10], [sflag:$0x7], $0x80, s23, s0, $0xb8;
	[tilespmem:$0x1C080] =	vst v63  }
.Ltmp4:
0x9b: {  	_ =	swait.ge [sflag:s6], $0x4000;
	(pc) =	sbr.rel @!p0 .LBB2_5-.Ltmp4, $4  }
0x9c: {  	[sflag:s6] =	ssyncset.done $0x0  }
0x9d: {  	[sflag:s6] =	ssyncadd.s32 $0xFFFFC000  }
0x9e: {  	[bflag:$0x0] =	sbarrier.arrive $0xFFFF  }
0x9f: {  	s29 =	rddreg [dreg:$0xf]  }
0xa0: {  	s5 =	rddreg [dreg:$0x11]  }
0xa1: {  	s25 =	rddreg [dreg:$0x15]  }
0xa2: {  	[hbm:s5], [sflag:s29] =	dma.local [spmem:s25], $0x2700  }
.Ltmp5:
0xa3: {  	_ = 	snop;
	(pc) =	sbr.rel @p1 .LBB2_8-.Ltmp5, $4  }
.Ltmp6:
0xa4: {  	_ = 	snop;
	(pc) =	sbr.rel @!p1 .LBB2_7-.Ltmp6, $4  }
0xa5: {  	_ =	swait.ge [sflag:s6], $0x2700  }
0xa6: {  	[sflag:s6] =	ssyncset.done $0x0;
	s5 =	rddreg [dreg:$0xd]  }
0xa7: {  	s30 =	rddreg [dreg:$0x14];
	[sflag:s6] =	ssyncadd.s32 $0xFFFFD900  }
0xa8: {  	_ = 	snop  }
.LBB2_5:
0xa9: {  	s5 =	rddreg [dreg:$0x10]  }
0xaa: {  	s25 =	rddreg [dreg:$0x15]  }
0xab: {  	[hbm:s5], [sflag:s29] =	dma.local [spmem:s25], $0x2700  }
.Ltmp7:
0xac: {  	_ = 	snop;
	(pc) =	sbr.rel @p2 .LBB2_7-.Ltmp7, $4  }
.Ltmp8:
0xad: {  	_ = 	snop;
	(pc) =	sbr.rel @!p2 .LBB2_8-.Ltmp8, $4  }
0xae: {  	_ =	swait.ge [sflag:s6], $0x2700  }
0xaf: {  	[sflag:s6] =	ssyncset.done $0x0;
	s5 =	rddreg [dreg:$0xc]  }
0xb0: {  	s30 =	rddreg [dreg:$0x14];
	[sflag:s6] =	ssyncadd.s32 $0xFFFFD900  }
0xb1: {  	_ = 	snop  }
.LBB2_9:
0xb2: {  	_ =	sfence.sel $0x180000  }
0xb3: {  	[bflag:$0x0] =	sbarrier.arrive $0xFFFF  }
0xb4: {  	_ =	strace $0x9000004A  }
0xb5: {  	s0 =	stileid.u32;
	[bflag:$0x2] =	sbarrier.arrive $0xFFFF  }
0xb6: {  	p0 =	sne.s32 s0, $0x0;
	s0 =	rddreg [dreg:$0x2]  }
0xb7: {  	s0 =	sadd.s32 @!p0 $0x100000, s0  }
0xb8: {  	[sflag:s0] =	ssyncadd.tile.s32 @!p0 $0x1;
	_ =	shalt  }
.Lfunc_end2:
_tile_overlayer_lowered:
.L_overlay_start_2:
0xb9: {  	(tag) =	ssettag $0x2  }
0xba: {  	s0 =	rddreg [dreg:$0x0];
	s2 =	stileid.u32  }
0xbb: {  	s1 =	rddreg [dreg:$0x1];
	p0 =	sne.s32 s2, $0x0  }
0xbc: {  	s3 =	rddreg [dreg:$0x2];
	[bflag:$0x3] =	sbarrier.arrive $0xFFFF;
	s2 =	simm.s32 @!p0 $0x1C07  }
0xbd: {  	[timem:s3], [sflag:s2] =	dma.local @!p0 [hbm:s0], s1  }
0xbe: {  	s0 =	simm.s32 @!p0 $0x7  }
0xbf: {  	_ =	swait.ge @!p0 [sflag:s0], s1  }
0xc0: {  	s1 =	ssub.s32 @!p0 $0x0, s1;
	[sflag:s0] =	ssyncset.done @!p0 $0x0  }
0xc1: {  	[sflag:s0] =	ssyncadd.s32 @!p0 s1  }
0xc2: {  	[bflag:$0x3] =	sbarrier.arrive $0xFFFF  }
0xc3: {  	_ =	shalt  }

// kernel: kernel.17.cloned.1.call-start
scs
__scs_entry_jumppad:
0x0: {  	(pc) =	sbr.rel $0x88, $3  }
0x1: {  	(tag) =	ssettag $0x0;
	lr =	simm.s32 $0x1  }
0x2: {  	[smem:$0x3F8A] =	sst lr;
	_ =	strace $0xD0000000  }
0x3: {  	_ = 	snop  }
0x4: {  	_ = 	snop  }
0x5: {  	_ = 	snop  }
0x6: {  	_ = 	snop  }
0x7: {  	_ = 	snop  }
__scs_overlays_trampoline_lowered:
0x8: {  	[smem:$0x3F99] =	sst s0  }
0x9: {  	[smem:$0x3F9A] =	sst s1  }
0xa: {  	[smem:$0x3F9B] =	sst s2  }
0xb: {  	[smem:$0x3F9C] =	sst s3  }
0xc: {  	[smem:$0x3F9D] =	sst s4  }
0xd: {  	[smem:$0x3F9E] =	sst s5  }
0xe: {  	[smem:$0x3F9F] =	sst s6  }
0xf: {  	[smem:$0x3FA0] =	sst s7  }
0x10: {  	[smem:$0x3FA1] =	sst s8  }
0x11: {  	[smem:$0x3FA2] =	sst s9;
	s0 =	simm.s32 @!p0 $0x0  }
0x12: {  	s1 =	sld [smem:$0x3F88];
	s0 =	simm.s32 @p0 $0x1  }
0x13: {  	[smem:$0x3FA3] =	sst s0;
	s0 =	simm.s32 @!p1 $0x0  }
0x14: {  	s2 =	sld [smem:$0x3F87];
	s0 =	simm.s32 @p1 $0x1  }
0x15: {  	[smem:$0x3FA4] =	sst s0;
	s0 =	simm.s32 @!p2 $0x0  }
0x16: {  	s3 =	sld [smem:$0x3FDB];
	s0 =	simm.s32 @p2 $0x1  }
0x17: {  	s4 =	simm.s32 $0x1BF5;
	[smem:$0x3FA6] =	sst s0  }
0x18: {  	s0 =	sld [smem:$0x3F89];
	_ =	swait.ge [sflag:s4], $0x0  }
0x19: {  	s7 =	sld [smem:$0x3F8A]  }
0x1a: {  	s8 =	sadd.s32 $0xFFFFE003, lr  }
0x1b: {  	s9 =	sadd.s32 $0xFFFFFEF7, lr;
	s5 =	simm.s32 $0xFFFFFFFF;
	p2 =	slt.u32 s8, $0xFFFFF086  }
0x1c: {  	p1 =	slt.u32 s9, $0xF7A;
	s5 =	simm.s32 @!p2 $0x0  }
0x1d: {  	s5 =	simm.s32 @p1 $0x1;
	p0 =	seq.s32 s7, s2  }
0x1e: {  	s7 =	smul.u32 @!p0 $0xF7A, s2;
	p2 =	seq.s32 @!p0 s5, $0x0  }
0x1f: {  	s9 =	smul.u32 $0xF7A, s1;
	s8 =	simm.s32 @!p0 $0x1BF5;
	p2 =	por !p2, p0  }
0x20: {  	[sflag:s8] =	ssyncset.s32 @!p0 $0xFFFFF086;
	s6 =	sadd.s32 @!p0 s3, s7;
	s7 =	simm.s32 @!p0 $0x108  }
0x21: {  	s3 =	sadd.s32 s3, s9;
	s6 =	sadd.s32 @!p0 $0x88, s6;
	s7 =	simm.s32 @p2 $0x1082  }
0x22: {  	[simem:s7], [sflag:s8] =	dma.local @!p0 [hbm:s6], $0xF7A  }
0x23: {  	s9 =	sor.u32 $0xD0000000, s2;
	s6 =	simm.s32 $0x108;
	_ =	swait.ge @!p0 [sflag:s8], $0x0  }
0x24: {  	s3 =	sadd.s32 $0x88, s3;
	s6 =	simm.s32 @!p1 $0x1082;
	[sflag:s4] =	ssyncset.s32 $0xFFFFF086  }
0x25: {  	[simem:s6], [sflag:s4] =	dma.local [hbm:s3], $0xF7A  }
0x26: {  	[smem:$0x3F8A] =	sst s1;
	(tag) =	ssettag s2;
	_ =	strace s9  }
0x27: {  	s1 =	sld [smem:$0x3F9A]  }
0x28: {  	s2 =	sld [smem:$0x3F9B]  }
0x29: {  	s4 =	sld [smem:$0x3F9D]  }
0x2a: {  	p0 =	seq.s32 s5, $0x0;
	s5 =	sld [smem:$0x3F9E]  }
0x2b: {  	s6 =	sld [smem:$0x3F9F]  }
0x2c: {  	s7 =	sld [smem:$0x3FA0]  }
0x2d: {  	s3 =	simm.s32 $0x108;
	s8 =	sld [smem:$0x3FA1]  }
0x2e: {  	s3 =	simm.s32 @!p0 $0x1082;
	s9 =	sld [smem:$0x3FA2]  }
0x2f: {  	lr =	sadd.s32 s0, s3;
	s0 =	sld [smem:$0x3F99]  }
0x30: {  	s3 =	sld [smem:$0x3F9C]  }
0x31: {  	[smem:$0x3FA5] =	sst s10  }
0x32: {  	s10 =	sld [smem:$0x3FA3];
	_ =	sdelay $0x3  }
0x33: {  	p0 =	seq.s32 s10, $0x1;
	s10 =	sld [smem:$0x3FA5];
	_ =	sdelay $0x3  }
0x34: {  	[smem:$0x3FA5] =	sst s10  }
0x35: {  	s10 =	sld [smem:$0x3FA4];
	_ =	sdelay $0x3  }
0x36: {  	p1 =	seq.s32 s10, $0x1;
	s10 =	sld [smem:$0x3FA5];
	_ =	sdelay $0x3  }
0x37: {  	[smem:$0x3FA5] =	sst s10  }
0x38: {  	s10 =	sld [smem:$0x3FA6]  }
0x39: {  	_ = 	snop;
	(pc) =	sbr.ind lr, $3  }
0x3a: {  	_ = 	snop  }
0x3b: {  	_ = 	snop  }
0x3c: {  	p2 =	seq.s32 s10, $0x1;
	s10 =	sld [smem:$0x3FA5]  }
0x3d: {  	_ =	shalt  }
0x3e: {  	_ =	shalt  }
0x3f: {  	_ =	shalt  }
0x40: {  	_ =	shalt  }
0x41: {  	_ =	shalt  }
0x42: {  	_ =	shalt  }
0x43: {  	_ =	shalt  }
0x44: {  	_ =	shalt  }
0x45: {  	_ =	shalt  }
0x46: {  	_ =	shalt  }
0x47: {  	_ =	shalt  }
0x48: {  	_ =	shalt  }
0x49: {  	_ =	shalt  }
0x4a: {  	_ =	shalt  }
0x4b: {  	_ =	shalt  }
0x4c: {  	_ =	shalt  }
0x4d: {  	_ =	shalt  }
0x4e: {  	_ =	shalt  }
0x4f: {  	_ =	shalt  }
0x50: {  	_ =	shalt  }
0x51: {  	_ =	shalt  }
0x52: {  	_ =	shalt  }
0x53: {  	_ =	shalt  }
0x54: {  	_ =	shalt  }
0x55: {  	_ =	shalt  }
0x56: {  	_ =	shalt  }
0x57: {  	_ =	shalt  }
0x58: {  	_ =	shalt  }
0x59: {  	_ =	shalt  }
0x5a: {  	_ =	shalt  }
0x5b: {  	_ =	shalt  }
0x5c: {  	_ =	shalt  }
0x5d: {  	_ =	shalt  }
0x5e: {  	_ =	shalt  }
0x5f: {  	_ =	shalt  }
0x60: {  	_ =	shalt  }
0x61: {  	_ =	shalt  }
0x62: {  	_ =	shalt  }
0x63: {  	_ =	shalt  }
0x64: {  	_ =	shalt  }
0x65: {  	_ =	shalt  }
0x66: {  	_ =	shalt  }
0x67: {  	_ =	shalt  }
0x68: {  	_ =	shalt  }
0x69: {  	_ =	shalt  }
0x6a: {  	_ =	shalt  }
0x6b: {  	_ =	shalt  }
0x6c: {  	_ =	shalt  }
0x6d: {  	_ =	shalt  }
0x6e: {  	_ =	shalt  }
0x6f: {  	_ =	shalt  }
0x70: {  	_ =	shalt  }
0x71: {  	_ =	shalt  }
0x72: {  	_ =	shalt  }
0x73: {  	_ =	shalt  }
0x74: {  	_ =	shalt  }
0x75: {  	_ =	shalt  }
0x76: {  	_ =	shalt  }
0x77: {  	_ =	shalt  }
0x78: {  	_ =	shalt  }
0x79: {  	_ =	shalt  }
0x7a: {  	_ =	shalt  }
0x7b: {  	_ =	shalt  }
0x7c: {  	_ =	shalt  }
0x7d: {  	_ =	shalt  }
0x7e: {  	_ =	shalt  }
0x7f: {  	_ =	shalt  }
0x80: {  	_ =	shalt  }
0x81: {  	_ =	shalt  }
0x82: {  	_ =	shalt  }
0x83: {  	_ =	shalt  }
0x84: {  	_ =	shalt  }
0x85: {  	_ =	shalt  }
0x86: {  	_ =	shalt  }
0x87: {  	_ =	shalt  }
.Lfunc_end0:
.L_simem_size_0:
called_computation.2_lowered:
.L_overlay_start_0:
0x88: {  	s2 =	sld [smem:$0x3FD9]  }
0x89: {  	s3 =	sld [smem:$0x3FFE];
	_ =	sdelay $0x1  }
0x8a: {  	s1 =	srdreg.scid  }
0x8b: {  	s0 =	sand.u32 $0x1, s1  }
0x8c: {  	s16 =	sshll.u32 s0, $0xA;
	s2 =	sadd.s32 s3, s2  }
0x8d: {  	s2 =	sadd.s32 s2, s16  }
0x8e: {  	[smem:$0x3FB1] =	sst s2  }
0x8f: {  	_ = 	snop  }
0x90: {  	(tm) =	ssettm $0x1  }
0x91: {  	s17 =	sld [smem:$0x3FFB];
	_ =	sdelay $0x3  }
0x92: {  	_ =	strace s17  }
0x93: {  	s2 =	sld [smem:$0x3FFC];
	_ =	sdelay $0x3  }
0x94: {  	_ =	strace s2  }
0x95: {  	s2 =	sld [smem:$0x3FFD];
	_ =	sdelay $0x3  }
0x96: {  	_ =	strace s2  }
0x97: {  	_ =	strace $0x8FFFFFFF  }
0x98: {  	s18 =	sld [smem:$0x3FDB];
	_ =	sdelay $0x1  }
0x99: {  	s19 =	simm.s32 $_scs_section_size  }
0x9a: {  	s4 =	simm.s32 $_size__tile_overlayer_lowered;
	s5 =	simm.s32 $_tile_overlayer_lowered  }
0x9b: {  	s22 =	simm.s32 $0x1BFF;
	s21 =	sshll.u32 s5, $0x1;
	s2 =	sadd.s32 s19, s18  }
0x9c: {  	s6 =	simm.s32 $0x0;
	s20 =	sshll.u32 s4, $0x1;
	s4 =	sadd.s32 s21, s2  }
0x9d: {  	[timem:s6], [sflag:s22] =	dma.local [hbm:s4], s20  }
0x9e: {  	_ =	swait.ge [sflag:s22], s20  }
0x9f: {  	s3 =	ssub.s32 $0x0, s20;
	[sflag:s22] =	ssyncset.done $0x0  }
0xa0: {  	[sflag:s22] =	ssyncadd.s32 s3;
	_ =	sdelay $0x1  }
0xa1: {  	s23 =	simm.s32 $0x1B8B  }
0xa2: {  	_ =	swait.ge [sflag:s23], $0x1  }
0xa3: {  	[sflag:s23] =	ssyncset.done $0x0  }
0xa4: {  	s25 =	simm.s32 $0x1B8E;
	s24 =	sld [smem:$0x3FFE];
	[sflag:s23] =	ssyncadd.s32 $0xFFFFFFFF  }
0xa5: {  	s26 =	simm.s32 $execute0_lowered;
	[smem:$0x3FD2] =	sst s25  }
0xa6: {  	s4 =	sshll.u32 s26, $0x1;
	_ =	strace $0x8000004C;
	[dreg:$0x1] =	wrdreg $0xFFFFFFFF  }
0xa7: {  	s28 =	simm.s32 $_size_execute0_lowered;
	s2 =	sadd.s32 s2, s4;
	[dreg:$0x0] =	wrdreg $0x0  }
0xa8: {  	s4 =	sshll.u32 s28, $0x1;
	[dreg:$0x2] =	wrdreg s2  }
0xa9: {  	[dreg:$0x3] =	wrdreg s4  }
0xaa: {  	[dreg:$0x4] =	wrdreg $0xC0  }
0xab: {  	_ =	task [dreg:s6], $0x5FFFF  }
0xac: {  	[dreg:$0x1] =	wrdreg $0xFFFFFFFF  }
0xad: {  	[dreg:$0x0] =	wrdreg $0x60  }
0xae: {  	[dreg:$0x2] =	wrdreg s24  }
0xaf: {  	[dreg:$0x3] =	wrdreg $0x84000  }
0xb0: {  	[dreg:$0x4] =	wrdreg $0x9  }
0xb1: {  	_ =	task.clear_ibuf [dreg:s6], $0x5FFFF;
	_ =	strace $0x9000004C  }
0xb2: {  	s29 =	simm.s32 $0x9;
	_ =	strace $0x8000004E  }
0xb3: {  	_ =	swait.ge [sflag:s29], $0x1  }
0xb4: {  	[sflag:s29] =	ssyncadd.s32 $0xFFFFFFFF  }
0xb5: {  	_ =	strace $0x9000004E  }
0xb6: {  	_ =	sfence  }
0xb7: {  	s30 =	sld [smem:$0x0];
	_ =	sdelay $0x2  }
0xb8: {  	s31 =	sshll.u32 s1, $0xD;
	s1 =	sshrl.u32 s1, $0x2  }
0xb9: {  	s3 =	sand.u32 $0x4000, s31;
	s1 =	sadd.s32 s1, s30  }
0xba: {  	s0 =	sor.u32 s3, s0;
	s1 =	sshll.u32 s1, $0x11  }
0xbb: {  	s0 =	sor.u32 s1, s0  }
0xbc: {  	s0 =	sadd.s32 $0x8F2B, s0  }
0xbd: {  	[sflag:s0] =	ssyncadd.remote.s32 $0x1  }
0xbe: {  	_ =	sfence.sel $0xFFFF  }
0xbf: {  	[dreg:$0x0] =	wrdreg $0xFFFFFFFF;
	(pc) =	sbr.abs _section_cstart, $3  }
0xc0: {  	[dreg:$0x1] =	wrdreg $0xFFFFFFFF  }
0xc1: {  	_ =	task.clear_ibuf [dreg:s6], $0x2FFFF;
	_ =	strace $0x9FFFFFFF  }
0xc2: {  	(tm) =	ssettm $0x7FFFFFFF  }
0xc3: {  	_ =	shalt  }
tec
execute0_lowered:
.L_overlay_start_1:
0x0: {  	(tag) =	ssettag $0x1  }
0x1: {  	s0 =	rddreg [dreg:$0x0]  }
0x2: {  	s2 =	rddreg [dreg:$0x1];
	s1 =	srdreg.scid  }
0x3: {  	s12 =	stileid.u32;
	s3 =	simm.s32 $0x0;
	s31 =	simm.s32 $0x200  }
0x4: {  	s28 =	simm.s32 $0x300;
	s30 =	simm.s32 $0x0;
	s1 =	sand.u32 $0x1, s1  }
0x5: {  	s4 =	sshll.u32 s12, $0x1;
	[smem:$0x7FF] =	sst s3;
	s6 =	sadd.s32 $0x5E00, s0  }
0x6: {  	s7 =	sadd.s32 $0xFE00, s0;
	s9 =	sadd.s32 $0x19E00, s0;
	s17 =	smul.u32 $0x5000, s12  }
0x7: {  	s23 =	smul.u32 $0x4E000, s12;
	p1 =	sne.s32 s12, $0xF;
	p2 =	seq.s32 s12, $0xF  }
0x8: {  	s5 =	sor.u32 s1, s4;
	_ =	strace $0x8000004D;
	s4 =	sadd.s32 $0x1C600, s0  }
0x9: {  	s8 =	ssub.s32 $0x2, s1;
	[dreg:$0x3] =	wrdreg s9;
	s11 =	smul.u32 $0x2800, s1  }
0xa: {  	p0 =	seq.s32 s1, $0x1;
	s5 =	smul.u32 $0x2800, s5;
	s15 =	sshrl.u32 s8, $0x1  }
0xb: {  	s8 =	ssub.s32 s8, s15;
	s9 =	sadd.s32 s11, s17;
	s11 =	sadd.s32 $0x6AA00, s0  }
0xc: {  	s5 =	sshrl.u32 s5, $0x3;
	s22 =	sor.u32 $0x380, s9;
	s24 =	sor.u32 $0x300, s9  }
0xd: {  	s25 =	sor.u32 $0x280, s9;
	s9 =	sor.u32 $0x200, s9;
	[dreg:$0xd] =	wrdreg s11  }
0xe: {  	s16 =	sadd.s32 s6, s5;
	s10 =	sadd.s32 s7, s5;
	s18 =	sor.u32 $0x10, s5  }
0xf: {  	s19 =	sor.u32 $0x20, s5;
	s5 =	sor.u32 $0x30, s5;
	[dreg:$0x4] =	wrdreg s16  }
0x10: {  	s1 =	sshrl.u32 s24, $0x3;
	[dreg:$0x5] =	wrdreg s10;
	s13 =	sadd.s32 s6, s18  }
0x11: {  	s26 =	sshrl.u32 s9, $0x3;
	s10 =	sadd.s32 s7, s18;
	[dreg:$0x6] =	wrdreg s13  }
0x12: {  	s9 =	sshrl.u32 s23, $0x2;
	s20 =	sadd.s32 s6, s19;
	[dreg:$0x7] =	wrdreg s10  }
0x13: {  	s21 =	sadd.s32 s6, s5;
	s5 =	sadd.s32 s7, s5;
	[dreg:$0x8] =	wrdreg s20  }
0x14: {  	s16 =	sadd.s32 s1, s7;
	s17 =	sadd.s32 s1, s6;
	[dreg:$0xa] =	wrdreg s21  }
0x15: {  	s1 =	simm.s32 $0x280;
	s10 =	sadd.s32 s7, s19;
	[dreg:$0xb] =	wrdreg s5  }
0x16: {  	s20 =	sadd.s32 s26, s7;
	s21 =	sadd.s32 s26, s6;
	s13 =	sadd.s32 s9, s2  }
0x17: {  	s26 =	sadd.s32 $0x138000, s2;
	s9 =	simm.s32 $0x2;
	[dreg:$0x9] =	wrdreg s10  }
0x18: {  	s10 =	sshrl.u32 s22, $0x3;
	[dreg:$0xe] =	wrdreg s13;
	s22 =	sshll.u32 s12, $0x6  }
0x19: {  	[dreg:$0x13] =	wrdreg s26;
	s26 =	simm.s32 $0x100;
	s13 =	simm.s32 $0x6  }
0x1a: {  	s14 =	sadd.s32 s10, s7;
	s15 =	sadd.s32 s10, s6;
	s10 =	sshrl.u32 s25, $0x3  }
0x1b: {  	s29 =	sor.u32 $0x1C07, s22;
	s25 =	smax.u32 s8, $0x1;
	s22 =	simm.s32 $0x180  }
0x1c: {  	s8 =	simm.s32 $0x400;
	s18 =	sadd.s32 s10, s7;
	s19 =	sadd.s32 s10, s6  }
0x1d: {  	s7 =	sadd.s32 $0x43800, s0;
	s10 =	smul.u32 $0x2700, s12;
	[dreg:$0x12] =	wrdreg s25  }
.Ltmp0:
0x1e: {  	s0 =	simm.s32 $0x80;
	[dreg:$0xf] =	wrdreg s29;
	(pc) =	sbr.rel .LBB2_1-.Ltmp0, $4  }
0x1f: {  	s6 =	simm.s32 $0x7;
	s12 =	simm.s32 $0x3;
	[dreg:$0xc] =	wrdreg s7  }
0x20: {  	s23 =	sadd.s32 s7, s10;
	s24 =	sadd.s32 s11, s10;
	s7 =	simm.s32 $0x1  }
0x21: {  	s10 =	simm.s32 $0x4400;
	s11 =	simm.s32 $0x5;
	[dreg:$0x10] =	wrdreg s23  }
0x22: {  	[dreg:$0x11] =	wrdreg s24;
	s23 =	simm.s32 $0x380;
	s24 =	simm.s32 $0x4  }
.LBB2_7:
0x23: {  	s25 =	rddreg [dreg:$0x13]  }
0x24: {  	s5 =	sadd.s32 $0x27000, s5;
	s25 =	sshrl.u32 s25, $0x3  }
0x25: {  	[hbm:s5], [sflag:s29] =	dma.local [spmem:s25], $0x100  }
0x26: {  	_ =	swait.ge [sflag:s6], $0x100  }
0x27: {  	[sflag:s6] =	ssyncset.done $0x0  }
0x28: {  	[sflag:s6] =	ssyncadd.s32 $0xFFFFFF00  }
.LBB2_8:
0x29: {  	s30 =	sadd.s32 $0x1, s30;
	s5 =	rddreg [dreg:$0x12]  }
0x2a: {  	p3 =	sne.s32 s30, s5  }
.Ltmp1:
0x2b: {  	_ = 	snop;
	(pc) =	sbr.rel @!p3 .LBB2_9-.Ltmp1, $1  }
0x2c: {  	_ =	sdelay $0x3  }
.LBB2_1:
0x2d: {  	[dreg:$0x14] =	wrdreg s30  }
0x2e: {  	s5 =	rddreg [dreg:$0x4]  }
0x2f: {  	s25 =	rddreg [dreg:$0x5]  }
0x30: {  	[tilespmem:s3], [sflag:$0x1] =	stream.linear.gather [hbm4b:s5+s3], $0x80, $0x38;
	[tilespmem:$0x1C080] =	vst v63  }
0x31: {  	s30 =	rddreg [dreg:$0x6]  }
0x32: {  	[tilespmem:s31], [sflag:$0x1] =	stream.linear.gather [hbm4b:s25+s3], $0x80, $0x38;
	[tilespmem:$0x1C080] =	vst v63  }
0x33: {  	s25 =	rddreg [dreg:$0x7]  }
0x34: {  	[tilespmem:s0], [sflag:$0x2] =	stream.linear.gather [hbm4b:s30+s3], $0x80, $0x38;
	[tilespmem:$0x1C080] =	vst v63  }
0x35: {  	s30 =	rddreg [dreg:$0x8]  }
0x36: {  	[tilespmem:s1], [sflag:$0x2] =	stream.linear.gather [hbm4b:s25+s3], $0x80, $0x38;
	[tilespmem:$0x1C080] =	vst v63  }
0x37: {  	s25 =	rddreg [dreg:$0x9]  }
0x38: {  	[tilespmem:s26], [sflag:$0x3] =	stream.linear.gather [hbm4b:s30+s3], $0x80, $0x38;
	[tilespmem:$0x1C080] =	vst v63  }
0x39: {  	s30 =	rddreg [dreg:$0xa]  }
0x3a: {  	[tilespmem:s28], [sflag:$0x3] =	stream.linear.gather [hbm4b:s25+s3], $0x80, $0x38;
	[tilespmem:$0x1C080] =	vst v63  }
0x3b: {  	s25 =	rddreg [dreg:$0xb]  }
0x3c: {  	[tilespmem:s22], [sflag:$0x4] =	stream.linear.gather [hbm4b:s30+s3], $0x80, $0x38;
	[tilespmem:$0x1C080] =	vst v63  }
0x3d: {  	s30 =	rddreg [dreg:$0xe]  }
0x3e: {  	[tilespmem:s23], [sflag:$0x4] =	stream.linear.gather [hbm4b:s25+s3], $0x80, $0x38;
	[tilespmem:$0x1C080] =	vst v63  }
0x3f: {  	s5 =	sshrl.u32 s30, $0x3;
	s25 =	rddreg [dreg:$0x3]  }
0x40: {  	[dreg:$0x15] =	wrdreg s5  }
0x41: {  	[spmem:s5], [sflag:s29] =	dma.local [hbm:s25], $0x2700  }
0x42: {  	_ =	swait.ge [sflag:s6], $0x2700  }
0x43: {  	[sflag:s6] =	ssyncset.done $0x0;
	s5 =	rddreg [dreg:$0x13]  }
0x44: {  	[sflag:s6] =	ssyncadd.s32 $0xFFFFD900;
	s5 =	sshrl.u32 @!p1 s5, $0x3  }
0x45: {  	[spmem:s5], [sflag:s29] =	dma.local @!p1 [hbm:s25], $0x100  }
0x46: {  	s5 =	simm.s32 @!p1 $0x7  }
0x47: {  	_ =	swait.ge @!p1 [sflag:s5], $0x100  }
0x48: {  	[sflag:s5] =	ssyncset.done @!p1 $0x0  }
0x49: {  	[sflag:s5] =	ssyncadd.s32 @!p1 $0xFFFFFF00  }
0x4a: {  	_ =	swait.ge [sflag:s7], $0x80  }
0x4b: {  	[sflag:s7] =	ssyncset.done $0x0  }
0x4c: {  	[sflag:s7] =	ssyncadd.s32 $0xFFFFFF80  }
0x4d: {  	_ =	swait.ge [sflag:s7], $0x80  }
0x4e: {  	[sflag:s7] =	ssyncset.done $0x0  }
0x4f: {  	[sflag:s7] =	ssyncadd.s32 $0xFFFFFF80  }
0x50: {  	[tilespmem:s8], [sflag:$0x5] =	stream.indirect.gather [hbm4b:s4+s0], $0x80, s3, s0, $0xb8;
	[tilespmem:$0x1C080] =	vst v63  }
0x51: {  	s5 =	simm.s32 $0x0;
	[bflag:$0x0] =	sbarrier.arrive $0xFFFF  }
.LBB2_2:
0x52: {  	_ =	swait.ge [sflag:s9], $0x80  }
0x53: {  	[sflag:s9] =	ssyncset.done $0x0  }
0x54: {  	[sflag:s9] =	ssyncadd.s32 $0xFFFFFF80  }
0x55: {  	_ =	swait.ge [sflag:s9], $0x80  }
0x56: {  	[sflag:s9] =	ssyncset.done $0x0  }
0x57: {  	[sflag:s9] =	ssyncadd.s32 $0xFFFFFF80  }
0x58: {  	[tilespmem:s10], [sflag:$0x6] =	stream.indirect.gather [hbm4b:s4+s0], $0x80, s0, s0, $0xb8;
	[tilespmem:$0x1C080] =	vst v63  }
0x59: {  	_ =	swait.ge [sflag:s11], $0x4000  }
0x5a: {  	[sflag:s11] =	ssyncset.done $0x0  }
0x5b: {  	[sflag:s11] =	ssyncadd.s32 $0xFFFFC000  }
0x5c: {  	[spmem:s2] =	stream.indirect.scatter.add.f32 [tilespmem:s8], [sflag:$0x7], $0x80, s31, s0, $0xb8;
	[tilespmem:$0x1C080] =	vst v63  }
0x5d: {  	_ =	swait.ge [sflag:s6], $0x4000  }
0x5e: {  	p3 =	seq.s32 s5, $0x4C0;
	[sflag:s6] =	ssyncset.done $0x0  }
0x5f: {  	s25 =	sadd.s32 @!p3 s5, s21;
	s30 =	simm.s32 @!p3 $0x0;
	[sflag:s6] =	ssyncadd.s32 $0xFFFFC000  }
0x60: {  	[tilespmem:s30], [sflag:$0x1] =	stream.linear.gather @!p3 [hbm4b:s25+s30], $0x80, $0x38;
	[tilespmem:$0x1C080] =	vst v63  }
0x61: {  	s29 =	simm.s32 @!p3 $0x200;
	s25 =	sadd.s32 @!p3 s5, s20  }
0x62: {  	[tilespmem:s29], [sflag:$0x1] =	stream.linear.gather @!p3 [hbm4b:s25+s30], $0x80, $0x38;
	[tilespmem:$0x1C080] =	vst v63  }
0x63: {  	_ =	swait.ge [sflag:s12], $0x80  }
0x64: {  	[sflag:s12] =	ssyncset.done $0x0  }
0x65: {  	[sflag:s12] =	ssyncadd.s32 $0xFFFFFF80  }
0x66: {  	_ =	swait.ge [sflag:s12], $0x80  }
0x67: {  	[sflag:s12] =	ssyncset.done $0x0  }
0x68: {  	[sflag:s12] =	ssyncadd.s32 $0xFFFFFF80  }
0x69: {  	[tilespmem:s8], [sflag:$0x5] =	stream.indirect.gather [hbm4b:s4+s0], $0x80, s26, s0, $0xb8;
	[tilespmem:$0x1C080] =	vst v63  }
0x6a: {  	_ =	swait.ge [sflag:s13], $0x4000  }
0x6b: {  	[sflag:s13] =	ssyncset.done $0x0  }
0x6c: {  	[sflag:s13] =	ssyncadd.s32 $0xFFFFC000  }
0x6d: {  	[spmem:s2] =	stream.indirect.scatter.add.f32 [tilespmem:s10], [sflag:$0x7], $0x80, s1, s0, $0xb8;
	[tilespmem:$0x1C080] =	vst v63  }
0x6e: {  	_ =	swait.ge [sflag:s6], $0x4000  }
0x6f: {  	[sflag:s6] =	ssyncset.done $0x0  }
0x70: {  	s25 =	sadd.s32 @!p3 s5, s19;
	s29 =	simm.s32 @!p3 $0x80;
	[sflag:s6] =	ssyncadd.s32 $0xFFFFC000  }
0x71: {  	[tilespmem:s29], [sflag:$0x2] =	stream.linear.gather @!p3 [hbm4b:s25+s30], $0x80, $0x38;
	[tilespmem:$0x1C080] =	vst v63  }
0x72: {  	s25 =	sadd.s32 @!p3 s5, s18;
	s29 =	simm.s32 @!p3 $0x280  }
0x73: {  	[tilespmem:s29], [sflag:$0x2] =	stream.linear.gather @!p3 [hbm4b:s25+s30], $0x80, $0x38;
	[tilespmem:$0x1C080] =	vst v63  }
0x74: {  	_ =	swait.ge [sflag:s24], $0x80  }
0x75: {  	[sflag:s24] =	ssyncset.done $0x0  }
0x76: {  	[sflag:s24] =	ssyncadd.s32 $0xFFFFFF80  }
0x77: {  	_ =	swait.ge [sflag:s24], $0x80  }
0x78: {  	[sflag:s24] =	ssyncset.done $0x0  }
0x79: {  	[sflag:s24] =	ssyncadd.s32 $0xFFFFFF80  }
0x7a: {  	[tilespmem:s10], [sflag:$0x6] =	stream.indirect.gather [hbm4b:s4+s0], $0x80, s22, s0, $0xb8;
	[tilespmem:$0x1C080] =	vst v63  }
0x7b: {  	_ =	swait.ge [sflag:s11], $0x4000  }
0x7c: {  	[sflag:s11] =	ssyncset.done $0x0  }
.Ltmp2:
0x7d: {  	[sflag:s11] =	ssyncadd.s32 $0xFFFFC000;
	(pc) =	sbr.rel @p3 .LBB2_4-.Ltmp2, $4  }
0x7e: {  	[spmem:s2] =	stream.indirect.scatter.add.f32 [tilespmem:s8], [sflag:$0x7], $0x80, s28, s0, $0xb8;
	[tilespmem:$0x1C080] =	vst v63  }
0x7f: {  	_ =	swait.ge [sflag:s6], $0x4000  }
0x80: {  	[sflag:s6] =	ssyncset.done $0x0  }
0x81: {  	[sflag:s6] =	ssyncadd.s32 $0xFFFFC000  }
0x82: {  	s25 =	sadd.s32 s5, s17  }
0x83: {  	[tilespmem:s26], [sflag:$0x3] =	stream.linear.gather [hbm4b:s25+s3], $0x80, $0x38;
	[tilespmem:$0x1C080] =	vst v63  }
0x84: {  	s30 =	sadd.s32 s5, s16  }
0x85: {  	[tilespmem:s28], [sflag:$0x3] =	stream.linear.gather [hbm4b:s30+s3], $0x80, $0x38;
	[tilespmem:$0x1C080] =	vst v63  }
0x86: {  	_ =	swait.ge [sflag:s7], $0x80  }
0x87: {  	[sflag:s7] =	ssyncset.done $0x0  }
0x88: {  	[sflag:s7] =	ssyncadd.s32 $0xFFFFFF80  }
0x89: {  	_ =	swait.ge [sflag:s7], $0x80  }
0x8a: {  	[sflag:s7] =	ssyncset.done $0x0  }
0x8b: {  	[sflag:s7] =	ssyncadd.s32 $0xFFFFFF80  }
0x8c: {  	[tilespmem:s8], [sflag:$0x5] =	stream.indirect.gather [hbm4b:s4+s0], $0x80, s3, s0, $0xb8;
	[tilespmem:$0x1C080] =	vst v63  }
0x8d: {  	_ =	swait.ge [sflag:s13], $0x4000  }
0x8e: {  	[sflag:s13] =	ssyncset.done $0x0  }
0x8f: {  	[sflag:s13] =	ssyncadd.s32 $0xFFFFC000  }
0x90: {  	[spmem:s2] =	stream.indirect.scatter.add.f32 [tilespmem:s10], [sflag:$0x7], $0x80, s23, s0, $0xb8;
	[tilespmem:$0x1C080] =	vst v63  }
0x91: {  	_ =	swait.ge [sflag:s6], $0x4000  }
.Ltmp3:
0x92: {  	[sflag:s6] =	ssyncset.done $0x0;
	(pc) =	sbr.rel .LBB2_2-.Ltmp3, $4  }
0x93: {  	s29 =	sadd.s32 s5, s15;
	[sflag:s6] =	ssyncadd.s32 $0xFFFFC000  }
0x94: {  	[tilespmem:s22], [sflag:$0x4] =	stream.linear.gather [hbm4b:s29+s3], $0x80, $0x38;
	[tilespmem:$0x1C080] =	vst v63  }
0x95: {  	s30 =	sadd.s32 s5, s14;
	s5 =	sadd.s32 $0x40, s5  }
0x96: {  	[tilespmem:s23], [sflag:$0x4] =	stream.linear.gather [hbm4b:s30+s3], $0x80, $0x38;
	[tilespmem:$0x1C080] =	vst v63  }
.LBB2_4:
0x97: {  	_ =	swait.ge [sflag:s13], $0x4000  }
0x98: {  	[sflag:s13] =	ssyncset.done $0x0  }
0x99: {  	[sflag:s13] =	ssyncadd.s32 $0xFFFFC000  }
0x9a: {  	[spmem:s2] =	stream.indirect.scatter.add.f32 [tilespmem:s10], [sflag:$0x7], $0x80, s23, s0, $0xb8;
	[tilespmem:$0x1C080] =	vst v63  }
.Ltmp4:
0x9b: {  	_ =	swait.ge [sflag:s6], $0x4000;
	(pc) =	sbr.rel @!p0 .LBB2_5-.Ltmp4, $4  }
0x9c: {  	[sflag:s6] =	ssyncset.done $0x0  }
0x9d: {  	[sflag:s6] =	ssyncadd.s32 $0xFFFFC000  }
0x9e: {  	[bflag:$0x0] =	sbarrier.arrive $0xFFFF  }
0x9f: {  	s29 =	rddreg [dreg:$0xf]  }
0xa0: {  	s5 =	rddreg [dreg:$0x11]  }
0xa1: {  	s25 =	rddreg [dreg:$0x15]  }
0xa2: {  	[hbm:s5], [sflag:s29] =	dma.local [spmem:s25], $0x2700  }
.Ltmp5:
0xa3: {  	_ = 	snop;
	(pc) =	sbr.rel @p1 .LBB2_8-.Ltmp5, $4  }
.Ltmp6:
0xa4: {  	_ = 	snop;
	(pc) =	sbr.rel @!p1 .LBB2_7-.Ltmp6, $4  }
0xa5: {  	_ =	swait.ge [sflag:s6], $0x2700  }
0xa6: {  	[sflag:s6] =	ssyncset.done $0x0;
	s5 =	rddreg [dreg:$0xd]  }
0xa7: {  	s30 =	rddreg [dreg:$0x14];
	[sflag:s6] =	ssyncadd.s32 $0xFFFFD900  }
0xa8: {  	_ = 	snop  }
.LBB2_5:
0xa9: {  	s5 =	rddreg [dreg:$0x10]  }
0xaa: {  	s25 =	rddreg [dreg:$0x15]  }
0xab: {  	[hbm:s5], [sflag:s29] =	dma.local [spmem:s25], $0x2700  }
.Ltmp7:
0xac: {  	_ = 	snop;
	(pc) =	sbr.rel @p2 .LBB2_7-.Ltmp7, $4  }
.Ltmp8:
0xad: {  	_ = 	snop;
	(pc) =	sbr.rel @!p2 .LBB2_8-.Ltmp8, $4  }
0xae: {  	_ =	swait.ge [sflag:s6], $0x2700  }
0xaf: {  	[sflag:s6] =	ssyncset.done $0x0;
	s5 =	rddreg [dreg:$0xc]  }
0xb0: {  	s30 =	rddreg [dreg:$0x14];
	[sflag:s6] =	ssyncadd.s32 $0xFFFFD900  }
0xb1: {  	_ = 	snop  }
.LBB2_9:
0xb2: {  	_ =	sfence.sel $0x180000  }
0xb3: {  	[bflag:$0x0] =	sbarrier.arrive $0xFFFF  }
0xb4: {  	_ =	strace $0x9000004D  }
0xb5: {  	s0 =	stileid.u32;
	[bflag:$0x2] =	sbarrier.arrive $0xFFFF  }
0xb6: {  	p0 =	sne.s32 s0, $0x0;
	s0 =	rddreg [dreg:$0x2]  }
0xb7: {  	s0 =	sadd.s32 @!p0 $0x100000, s0  }
0xb8: {  	[sflag:s0] =	ssyncadd.tile.s32 @!p0 $0x1;
	_ =	shalt  }
.Lfunc_end2:
_tile_overlayer_lowered:
.L_overlay_start_2:
0xb9: {  	(tag) =	ssettag $0x2  }
0xba: {  	s0 =	rddreg [dreg:$0x0];
	s2 =	stileid.u32  }
0xbb: {  	s1 =	rddreg [dreg:$0x1];
	p0 =	sne.s32 s2, $0x0  }
0xbc: {  	s3 =	rddreg [dreg:$0x2];
	[bflag:$0x3] =	sbarrier.arrive $0xFFFF;
	s2 =	simm.s32 @!p0 $0x1C07  }
0xbd: {  	[timem:s3], [sflag:s2] =	dma.local @!p0 [hbm:s0], s1  }
0xbe: {  	s0 =	simm.s32 @!p0 $0x7  }
0xbf: {  	_ =	swait.ge @!p0 [sflag:s0], s1  }
0xc0: {  	s1 =	ssub.s32 @!p0 $0x0, s1;
	[sflag:s0] =	ssyncset.done @!p0 $0x0  }
0xc1: {  	[sflag:s0] =	ssyncadd.s32 @!p0 s1  }
0xc2: {  	[bflag:$0x3] =	sbarrier.arrive $0xFFFF  }
0xc3: {  	_ =	shalt  }

</sc_bundles>
